<compile_context>
chip_gen: v7x
topology: tpu7x:2x2x1
jax: 0.10.2.dev20260603
libtpu: 0.0.44.dev20260713+nightly
codegen_flags: <defaults>
</compile_context>

<pallas_src>
import functools

import jax
import jax.numpy as jnp
from jax.experimental import pallas as pl

H = 224
W = 192
CIN = 64
NC = 16
C12 = 256
LB = 8
GL = 4
TA = LB * W
TB = GL * W
NTH = 2
TBH = TB // NTH

def _bdot(a, b, dims):
    return jax.lax.dot_general(a.astype(jnp.bfloat16), b.astype(jnp.bfloat16),
                               (dims, ((), ())),
                               preferred_element_type=jnp.float32)


def _b(a):
    return a.astype(jnp.bfloat16).astype(jnp.float32)


def _xdot(v, s, dims=((1,), (0,))):
    vh = v.astype(jnp.bfloat16)
    vl = (v - vh.astype(jnp.float32)).astype(jnp.bfloat16)
    sb = s.astype(jnp.bfloat16)
    acc = jax.lax.dot_general(vh, sb, (dims, ((), ())),
                              preferred_element_type=jnp.float32)
    return acc + jax.lax.dot_general(vl, sb, (dims, ((), ())),
                                     preferred_element_type=jnp.float32)


def _lrelu(x):
    return jnp.where(x >= 0, x, 0.01 * x)


def _argmax_lanes(z):
    m = jnp.max(z, axis=1, keepdims=True)
    ii = jax.lax.broadcasted_iota(jnp.int32, z.shape, 1)
    return jnp.min(jnp.where(z == m, ii, jnp.int32(2**30)), axis=1,
                   keepdims=True)


def _onehot(col, n):
    ii = jax.lax.broadcasted_iota(jnp.int32, (col.shape[0], n), 1)
    return (ii == col).astype(jnp.bfloat16)


def _stage12_body(x_ref, w0_ref, b0_ref, w1_ref, b1_ref, w2_ref, b2_ref,
                  cw0_ref, cb0_ref, bd1_ref, cb1_ref, bd2_ref, cb2_ref,
                  s_ref, xt_ref, out_ref):
    for l in range(LB):
        X = x_ref[0, :, l, :].T
        xt_ref[pl.ds(l * W, W), :] = X.astype(jnp.bfloat16)
        t = _bdot(X, w0_ref[l], ((1,), (1,))) + b0_ref[l][None, :]
        t = _lrelu(t)
        t = _bdot(t, w1_ref[l], ((1,), (1,))) + b1_ref[l][None, :]
        t = _lrelu(t)
        t = _bdot(t, w2_ref[l], ((1,), (1,))) + b2_ref[l][None, :]
        inds1 = _argmax_lanes(t)
        ii = jax.lax.broadcasted_iota(jnp.int32, (W, NC * 32), 1)
        msk = (ii // 32 == inds1)
        mskf = msk.astype(jnp.float32)

        def _sel(yall):
            return _xdot(yall * mskf, s_ref[:NC * 32, :])

        y0all = _bdot(X, cw0_ref[l], ((1,), (0,))) + cb0_ref[l][None, :]
        y1all = _bdot(_lrelu(_sel(y0all)), bd1_ref[l], ((1,), (0,)))
        y1all = y1all + cb1_ref[l][None, :]
        y2all = _bdot(_lrelu(_sel(y1all)), bd2_ref[l], ((1,), (0,)))
        y2all = y2all + cb2_ref[l][None, :]
        zm = jnp.where(msk, y2all, jnp.float32(-jnp.inf))
        idx = _argmax_lanes(zm)
        inds2 = idx - inds1 * 32
        i12 = inds1 * NC + inds2 - 8
        out_ref[pl.ds(l * W, W), :] = i12


def _stage3_body(x_ref, i12_ref, w0_ref, b0_ref, w1_ref, b1_ref,
                 w2_ref, b2_ref, r64_ref, s_ref, out_ref):
    X = x_ref[...]
    i12 = i12_ref[...]
    e12 = jnp.clip(i12, 0, C12 - 1)
    p256 = _onehot(e12, C12)
    z0 = _bdot(p256, b0_ref[0], ((1,), (0,)))
    for hf in range(2):
        a0 = _bdot(X[:, hf * 32:(hf + 1) * 32], r64_ref[:32, :1024],
                  ((1,), (0,)))
        wt0 = _bdot(p256, w0_ref[0][:, hf * 1024:(hf + 1) * 1024], ((1,), (0,)))
        z0 = z0 + _bdot(_b(a0) * _b(wt0), s_ref[:1024, :], ((1,), (0,)))
    y0 = _lrelu(z0)
    a1 = _bdot(y0, r64_ref[:32, :1024], ((1,), (0,)))
    wt1 = _bdot(p256, w1_ref[0], ((1,), (0,)))
    z1 = _bdot(_b(a1) * _b(wt1), s_ref[:1024, :], ((1,), (0,)))
    z1 = z1 + _bdot(p256, b1_ref[0], ((1,), (0,)))
    y1 = _lrelu(z1)
    a2 = _bdot(y1, r64_ref[:32, :1024], ((1,), (0,)))
    z2s = []
    for l2 in range(TBH // W):
        p_l = p256[l2 * W:(l2 + 1) * W, :]
        wt2 = _bdot(p_l, w2_ref[0][l2 * C12:(l2 + 1) * C12, :], ((1,), (0,)))
        z2 = _bdot(_b(a2[l2 * W:(l2 + 1) * W, :]) * _b(wt2), s_ref[:1024, :], ((1,), (0,)))
        z2 = z2 + _bdot(p_l, b2_ref[0][l2 * C12:(l2 + 1) * C12, :], ((1,), (0,)))
        z2s.append(z2)
    z2 = jnp.concatenate(z2s, axis=0)
    inds3 = _argmax_lanes(z2)
    out_ref[...] = jnp.clip(i12 * NC + inds3 - 8, 0, C12 * NC - 1)


def kernel(x_in, c1_w0, c1_b0, c1_w1, c1_b1, c1_w2, c1_b2,
           c2_w0, c2_b0, c2_w1, c2_b1, c2_w2, c2_b2,
           c3_w0, c3_b0, c3_w1, c3_b1, c3_w2, c3_b2):
    f32 = jnp.float32
    bf16 = jnp.bfloat16
    cw0 = c2_w0.astype(bf16).reshape(H, NC, 64, 32).transpose(0, 2, 1, 3).reshape(H, 64, NC * 32)
    cb0 = c2_b0.reshape(H, NC * 32)
    bd1 = c2_w1.astype(bf16).reshape(H, NC, 32, 32).transpose(0, 2, 1, 3
                                                             ).reshape(H, 32, NC * 32)
    bd2 = c2_w2.astype(bf16).reshape(H, NC, 32, 32).transpose(0, 2, 1, 3
                                                             ).reshape(H, 32, NC * 32)
    cb1 = c2_b1.reshape(H, NC * 32)
    cb2 = c2_b2.reshape(H, NC * 32)
    NG = H // GL
    w0f = c3_w0.astype(bf16).reshape(NG, C12, 2048)
    b0f = c3_b0.reshape(NG, C12, 32)
    w1f = c3_w1.astype(bf16).reshape(NG, C12, 1024)
    b1f = c3_b1.reshape(NG, C12, 32)
    w2f = c3_w2.astype(bf16).reshape(NG * NTH, GL * C12 // NTH, 1024)
    b2f = c3_b2.reshape(NG * NTH, GL * C12 // NTH, 32)
    i2048 = jnp.arange(2048)
    r64 = (i2048[None, :] // 32 == jnp.arange(64)[:, None]).astype(bf16)
    r32 = r64[:32, :1024]
    s2048 = (i2048[:, None] % 32 == jnp.arange(32)[None, :]).astype(bf16)

    grid_a = H // LB
    xt, i12 = pl.pallas_call(
        _stage12_body,
        grid=(grid_a,),
        in_specs=[
            pl.BlockSpec((1, CIN, LB, W), lambda i: (0, 0, i, 0)),
            pl.BlockSpec((LB, 32, 64), lambda i: (i, 0, 0)),
            pl.BlockSpec((LB, 32), lambda i: (i, 0)),
            pl.BlockSpec((LB, 32, 32), lambda i: (i, 0, 0)),
            pl.BlockSpec((LB, 32), lambda i: (i, 0)),
            pl.BlockSpec((LB, 16, 32), lambda i: (i, 0, 0)),
            pl.BlockSpec((LB, 16), lambda i: (i, 0)),
            pl.BlockSpec((LB, 64, NC * 32), lambda i: (i, 0, 0)),
            pl.BlockSpec((LB, NC * 32), lambda i: (i, 0)),
            pl.BlockSpec((LB, 32, NC * 32), lambda i: (i, 0, 0)),
            pl.BlockSpec((LB, NC * 32), lambda i: (i, 0)),
            pl.BlockSpec((LB, 32, NC * 32), lambda i: (i, 0, 0)),
            pl.BlockSpec((LB, NC * 32), lambda i: (i, 0)),
            pl.BlockSpec((2048, 32), lambda i: (0, 0)),
        ],
        out_specs=[pl.BlockSpec((TA, CIN), lambda i: (i, 0)),
                   pl.BlockSpec((TA, 1), lambda i: (i, 0))],
        out_shape=[jax.ShapeDtypeStruct((H * W, CIN), bf16),
                   jax.ShapeDtypeStruct((H * W, 1), jnp.int32)],
    )(x_in, c1_w0.astype(bf16), c1_b0, c1_w1.astype(bf16), c1_b1,
      c1_w2.astype(bf16), c1_b2,
      cw0, cb0, bd1, cb1, bd2, cb2, s2048)

    out = pl.pallas_call(
        _stage3_body,
        grid=(NG, NTH),
        in_specs=[
            pl.BlockSpec((TBH, CIN), lambda g, t: (g * NTH + t, 0)),
            pl.BlockSpec((TBH, 1), lambda g, t: (g * NTH + t, 0)),
            pl.BlockSpec((1, C12, 2048), lambda g, t: (g, 0, 0)),
            pl.BlockSpec((1, C12, 32), lambda g, t: (g, 0, 0)),
            pl.BlockSpec((1, C12, 1024), lambda g, t: (g, 0, 0)),
            pl.BlockSpec((1, C12, 32), lambda g, t: (g, 0, 0)),
            pl.BlockSpec((1, GL * C12 // NTH, 1024), lambda g, t: (g * NTH + t, 0, 0)),
            pl.BlockSpec((1, GL * C12 // NTH, 32), lambda g, t: (g * NTH + t, 0, 0)),
            pl.BlockSpec((64, 2048), lambda g, t: (0, 0)),
            pl.BlockSpec((2048, 32), lambda g, t: (0, 0)),
        ],
        out_specs=pl.BlockSpec((TBH, 1), lambda g, t: (g * NTH + t, 0)),
        out_shape=jax.ShapeDtypeStruct((H * W, 1), jnp.int32),
    )(xt, i12, w0f, b0f, w1f, b1f, w2f, b2f, r64, s2048)

    return out.reshape(1, 1, H, W)

# --- scband reference (transcript-rebuilt; emitter-appended) ---
"""Pipeline reference for scband-reg-3stage-6064493822532 (READ-ONLY COPY).

The authoritative reference and input builder live on the scoring server;
editing this copy changes nothing except your own understanding.
"""

import jax, jax.numpy as jnp
import numpy as np

BS = 1
CH_IN = 64
H = 224
W = 192
CLASSES = [16, 16, 16]
PAD = [0, 8, 8]
C3DIV = 4
L0 = [CH_IN, 32, 32, CLASSES[0] + 2 * PAD[0]]
L1 = [CH_IN, 32, 32, CLASSES[1] + 2 * PAD[1]]
C12 = CLASSES[0] * CLASSES[1]


def setup_inputs(seed: int = 0):
    key = jax.random.key(seed)
    ks = jax.random.split(key, 16)
    inp = {}
    inp['x_in'] = jax.random.normal(ks[0], (BS, CH_IN, H, W), dtype=jnp.float32)
    for i in range(3):
        inp['c1_w%d' % i] = jax.random.normal(ks[1 + i], (H, L0[i + 1], L0[i]), dtype=jnp.float32) / np.sqrt(L0[i])
        inp['c1_b%d' % i] = jnp.zeros((H, L0[i + 1]), dtype=jnp.float32)
    num2 = H * CLASSES[0]
    for i in range(3):
        inp['c2_w%d' % i] = jax.random.normal(ks[4 + i], (num2, L1[i], L1[i + 1]), dtype=jnp.float32) / np.sqrt(L1[i])
        inp['c2_b%d' % i] = jnp.zeros((num2, L1[i + 1]), dtype=jnp.float32)
    heights = [H // C3DIV, H // C3DIV, H]
    for i in range(3):
        num3 = heights[i] * C12
        inp['c3_w%d' % i] = jax.random.normal(ks[7 + i], (num3, L0[i], L1[i + 1]), dtype=jnp.float32) / np.sqrt(L0[i])
        inp['c3_b%d' % i] = jnp.zeros((num3, L1[i + 1]), dtype=jnp.float32)
    return inp


def _lrelu(x):
    return jnp.where(x >= 0, x, 0.01 * x)


def _condmul(x, inds, w, b):
    return jnp.einsum('ni,nio->no', x, jnp.take(w, inds, axis=0)) + jnp.take(b, inds, axis=0)


def _forward(x_in, c1w, c1b, c2w, c2b, c3w, c3b):
    bs, c, h, w = x_in.shape
    offsets = jnp.arange(h, dtype=jnp.int32).reshape(1, 1, h, 1)
    x = jnp.transpose(x_in, (0, 2, 1, 3))
    for i in range(3):
        x = jnp.einsum('bhiw,hoi->bhow', x, c1w[i]) + c1b[i][None, :, :, None]
        if i < 2:
            x = _lrelu(x)
    x = jnp.transpose(x, (0, 2, 1, 3))
    inds1 = jnp.argmax(x, axis=1)[:, None]
    inds1_l = (inds1.astype(jnp.int32) + CLASSES[0] * offsets).reshape(-1)
    x_l = jnp.transpose(x_in, (0, 2, 3, 1)).reshape(-1, c)
    x = x_l
    for i in range(3):
        x = _condmul(x, inds1_l, c2w[i], c2b[i])
        if i < 2:
            x = _lrelu(x)
    inds2 = jnp.argmax(x, axis=1).reshape(bs, 1, h, w)
    inds12 = inds1 * CLASSES[1] + (inds2 - PAD[1])
    inds12c = jnp.clip(inds12, 0, C12 - 1)
    inds12_l = (inds12c + C12 * offsets).astype(jnp.int32).reshape(-1)
    inds12_ls = (inds12c + C12 * (offsets // C3DIV)).astype(jnp.int32).reshape(-1)
    x = x_l
    for i in range(3):
        if i < 2:
            x = _lrelu(_condmul(x, inds12_ls, c3w[i], c3b[i]))
        else:
            x = _condmul(x, inds12_l, c3w[i], c3b[i])
    inds3 = jnp.argmax(x, axis=1).reshape(bs, 1, h, w)
    inds123 = jnp.clip(inds12 * CLASSES[2] + (inds3 - PAD[2]), 0, C12 * CLASSES[2] - 1)
    return inds123, x


def reference(x_in, c1_w0, c1_b0, c1_w1, c1_b1, c1_w2, c1_b2, c2_w0, c2_b0, c2_w1, c2_b1, c2_w2, c2_b2, c3_w0, c3_b0, c3_w1, c3_b1, c3_w2, c3_b2):
    inds123, _ = _forward(x_in,
                          [c1_w0, c1_w1, c1_w2], [c1_b0, c1_b1, c1_b2],
                          [c2_w0, c2_w1, c2_w2], [c2_b0, c2_b1, c2_b2],
                          [c3_w0, c3_w1, c3_w2], [c3_b0, c3_b1, c3_b2])
    return inds123

if __name__ == "__main__":
    import jax
    _d = setup_inputs()
    print(jax.jit(kernel)(*tuple(_d.values())))

</pallas_src>

<mosaic_0001>
module attributes {stable_mosaic.version = 14 : i64} {
  func.func @_stage12_body(%arg0: i32, %arg1: memref<1x64x8x192xf32, #tpu.memory_space<vmem>>, %arg2: memref<8x32x64xbf16, #tpu.memory_space<vmem>>, %arg3: memref<8x32xf32, #tpu.memory_space<vmem>>, %arg4: memref<8x32x32xbf16, #tpu.memory_space<vmem>>, %arg5: memref<8x32xf32, #tpu.memory_space<vmem>>, %arg6: memref<8x16x32xbf16, #tpu.memory_space<vmem>>, %arg7: memref<8x16xf32, #tpu.memory_space<vmem>>, %arg8: memref<8x64x512xbf16, #tpu.memory_space<vmem>>, %arg9: memref<8x512xf32, #tpu.memory_space<vmem>>, %arg10: memref<8x32x512xbf16, #tpu.memory_space<vmem>>, %arg11: memref<8x512xf32, #tpu.memory_space<vmem>>, %arg12: memref<8x32x512xbf16, #tpu.memory_space<vmem>>, %arg13: memref<8x512xf32, #tpu.memory_space<vmem>>, %arg14: memref<2048x32xbf16, #tpu.memory_space<vmem>>, %arg15: memref<1536x64xbf16, #tpu.memory_space<vmem>>, %arg16: memref<1536x1xi32, #tpu.memory_space<vmem>>) attributes {dimension_semantics = [#tpu.dimension_semantics<arbitrary>], iteration_bounds = array<i64: 28>, scalar_prefetch = 0 : i64, scratch_operands = 0 : i64, tpu.core_type = #tpu.core_type<tc>, window_params = [{transform_indices = @transform_0, window_bounds = array<i64: 1, 64, 8, 192>}, {transform_indices = @transform_1, window_bounds = array<i64: 8, 32, 64>}, {transform_indices = @transform_2, window_bounds = array<i64: 8, 32>}, {transform_indices = @transform_3, window_bounds = array<i64: 8, 32, 32>}, {transform_indices = @transform_4, window_bounds = array<i64: 8, 32>}, {transform_indices = @transform_5, window_bounds = array<i64: 8, 16, 32>}, {transform_indices = @transform_6, window_bounds = array<i64: 8, 16>}, {transform_indices = @transform_7, window_bounds = array<i64: 8, 64, 512>}, {transform_indices = @transform_8, window_bounds = array<i64: 8, 512>}, {transform_indices = @transform_9, window_bounds = array<i64: 8, 32, 512>}, {transform_indices = @transform_10, window_bounds = array<i64: 8, 512>}, {transform_indices = @transform_11, window_bounds = array<i64: 8, 32, 512>}, {transform_indices = @transform_12, window_bounds = array<i64: 8, 512>}, {pipeline_mode = #tpu.pipeline_mode<synchronous>, transform_indices = @transform_13, window_bounds = array<i64: 2048, 32>}, {transform_indices = @transform_14, window_bounds = array<i64: 1536, 64>}, {transform_indices = @transform_15, window_bounds = array<i64: 1536, 1>}]} {
    %get3A = arith.constant 0 : index
    %get3A_0 = arith.constant 0 : index
    %get3A_1 = arith.constant 0 : index
    %get3A_2 = arith.constant 0 : index
    %get3A_3 = vector.load %arg1[%get3A, %get3A_0, %get3A_1, %get3A_2] : memref<1x64x8x192xf32, #tpu.memory_space<vmem>>, vector<1x64x1x192xf32>
    %get3A_4 = vector.shape_cast %get3A_3 : vector<1x64x1x192xf32> to vector<64x192xf32>
    %transpose3A = tpu.transpose %get3A_4, [1, 0] : vector<64x192xf32> -> vector<192x64xf32>
    %convert_element_type3A = arith.truncf %transpose3A : vector<192x64xf32> to vector<192x64xbf16>
    %swap3A = arith.constant 0 : index
    %swap3A_5 = arith.constant 0 : index
    %swap3A_6 = vector.load %arg15[%swap3A, %swap3A_5] : memref<1536x64xbf16, #tpu.memory_space<vmem>>, vector<192x64xbf16>
    tpu.vector_store %arg15[%swap3A, %swap3A_5], %convert_element_type3A {strides = array<i32>} : memref<1536x64xbf16, #tpu.memory_space<vmem>>, vector<192x64xbf16>,
    %get3A_7 = arith.constant 0 : index
    %get3A_8 = arith.constant 0 : index
    %get3A_9 = arith.constant 0 : index
    %get3A_10 = vector.load %arg2[%get3A_7, %get3A_8, %get3A_9] : memref<8x32x64xbf16, #tpu.memory_space<vmem>>, vector<1x32x64xbf16>
    %get3A_11 = vector.shape_cast %get3A_10 : vector<1x32x64xbf16> to vector<32x64xbf16>
    %convert_element_type3A_12 = arith.truncf %transpose3A : vector<192x64xf32> to vector<192x64xbf16>
    %dot_general3A = arith.constant dense<0.000000e+00> : vector<192x32xf32>
    %dot_general3A_13 = tpu.matmul %convert_element_type3A_12, %get3A_11, %dot_general3A {dimension_numbers = #tpu.dot_dimension_numbers<[1], [1], [0], [0], [0, 0, 1, 0], [], []>, transpose_lhs_hint = false} : vector<192x64xbf16>, vector<32x64xbf16>, vector<192x32xf32> -> vector<192x32xf32>
    %get3A_14 = arith.constant 0 : index
    %get3A_15 = arith.constant 0 : index
    %get3A_16 = vector.load %arg3[%get3A_14, %get3A_15] : memref<8x32xf32, #tpu.memory_space<vmem>>, vector<1x32xf32>
    %get3A_17 = vector.shape_cast %get3A_16 : vector<1x32xf32> to vector<32xf32>
    %broadcast_in_dim3A = vector.shape_cast %get3A_17 : vector<32xf32> to vector<1x32xf32>
    %add3A = vector.broadcast %broadcast_in_dim3A : vector<1x32xf32> to vector<192x32xf32>
    %add3A_18 = arith.addf %dot_general3A_13, %add3A : vector<192x32xf32>
    %ge3A = arith.constant 0.000000e+00 : f32
    %ge3A_19 = vector.broadcast %ge3A : f32 to vector<192x32xf32>
    %ge3A_20 = arith.cmpf oge, %add3A_18, %ge3A_19 : vector<192x32xf32>
    %mul3A = arith.constant 0.00999999977 : f32
    %mul3A_21 = vector.broadcast %mul3A : f32 to vector<192x32xf32>
    %mul3A_22 = arith.mulf %mul3A_21, %add3A_18 : vector<192x32xf32>
    %select_n3A = arith.select %ge3A_20, %add3A_18, %mul3A_22 : vector<192x32xi1>, vector<192x32xf32>
    %get3A_23 = arith.constant 0 : index
    %get3A_24 = arith.constant 0 : index
    %get3A_25 = arith.constant 0 : index
    %get3A_26 = vector.load %arg4[%get3A_23, %get3A_24, %get3A_25] : memref<8x32x32xbf16, #tpu.memory_space<vmem>>, vector<1x32x32xbf16>
    %get3A_27 = vector.shape_cast %get3A_26 : vector<1x32x32xbf16> to vector<32x32xbf16>
    %convert_element_type3A_28 = arith.truncf %select_n3A : vector<192x32xf32> to vector<192x32xbf16>
    %dot_general3A_29 = arith.constant dense<0.000000e+00> : vector<192x32xf32>
    %dot_general3A_30 = tpu.matmul %convert_element_type3A_28, %get3A_27, %dot_general3A_29 {dimension_numbers = #tpu.dot_dimension_numbers<[1], [1], [0], [0], [0, 0, 1, 0], [], []>, transpose_lhs_hint = false} : vector<192x32xbf16>, vector<32x32xbf16>, vector<192x32xf32> -> vector<192x32xf32>
    %get3A_31 = arith.constant 0 : index
    %get3A_32 = arith.constant 0 : index
    %get3A_33 = vector.load %arg5[%get3A_31, %get3A_32] : memref<8x32xf32, #tpu.memory_space<vmem>>, vector<1x32xf32>
    %get3A_34 = vector.shape_cast %get3A_33 : vector<1x32xf32> to vector<32xf32>
    %broadcast_in_dim3A_35 = vector.shape_cast %get3A_34 : vector<32xf32> to vector<1x32xf32>
    %add3A_36 = vector.broadcast %broadcast_in_dim3A_35 : vector<1x32xf32> to vector<192x32xf32>
    %add3A_37 = arith.addf %dot_general3A_30, %add3A_36 : vector<192x32xf32>
    %ge3A_38 = arith.constant 0.000000e+00 : f32
    %ge3A_39 = vector.broadcast %ge3A_38 : f32 to vector<192x32xf32>
    %ge3A_40 = arith.cmpf oge, %add3A_37, %ge3A_39 : vector<192x32xf32>
    %mul3A_41 = arith.constant 0.00999999977 : f32
    %mul3A_42 = vector.broadcast %mul3A_41 : f32 to vector<192x32xf32>
    %mul3A_43 = arith.mulf %mul3A_42, %add3A_37 : vector<192x32xf32>
    %select_n3A_44 = arith.select %ge3A_40, %add3A_37, %mul3A_43 : vector<192x32xi1>, vector<192x32xf32>
    %get3A_45 = arith.constant 0 : index
    %get3A_46 = arith.constant 0 : index
    %get3A_47 = arith.constant 0 : index
    %get3A_48 = vector.load %arg6[%get3A_45, %get3A_46, %get3A_47] : memref<8x16x32xbf16, #tpu.memory_space<vmem>>, vector<1x16x32xbf16>
    %get3A_49 = vector.shape_cast %get3A_48 : vector<1x16x32xbf16> to vector<16x32xbf16>
    %convert_element_type3A_50 = arith.truncf %select_n3A_44 : vector<192x32xf32> to vector<192x32xbf16>
    %dot_general3A_51 = arith.constant dense<0.000000e+00> : vector<192x16xf32>
    %dot_general3A_52 = tpu.matmul %convert_element_type3A_50, %get3A_49, %dot_general3A_51 {dimension_numbers = #tpu.dot_dimension_numbers<[1], [1], [0], [0], [0, 0, 1, 0], [], []>, transpose_lhs_hint = false} : vector<192x32xbf16>, vector<16x32xbf16>, vector<192x16xf32> -> vector<192x16xf32>
    %get3A_53 = arith.constant 0 : index
    %get3A_54 = arith.constant 0 : index
    %get3A_55 = vector.load %arg7[%get3A_53, %get3A_54] : memref<8x16xf32, #tpu.memory_space<vmem>>, vector<1x16xf32>
    %get3A_56 = vector.shape_cast %get3A_55 : vector<1x16xf32> to vector<16xf32>
    %broadcast_in_dim3A_57 = vector.shape_cast %get3A_56 : vector<16xf32> to vector<1x16xf32>
    %add3A_58 = vector.broadcast %broadcast_in_dim3A_57 : vector<1x16xf32> to vector<192x16xf32>
    %add3A_59 = arith.addf %dot_general3A_52, %add3A_58 : vector<192x16xf32>
    %reduce_max3A = arith.constant dense<0xFF800000> : vector<192xf32>
    %reduce_max3A_60 = vector.multi_reduction <maximumf>, %add3A_59, %reduce_max3A [1] : vector<192x16xf32> to vector<192xf32>
    %broadcast_in_dim3A_61 = vector.shape_cast %reduce_max3A_60 : vector<192xf32> to vector<192x1xf32>
    %iota3A = tpu.iota {dimensions = array<i32: 1>} : vector<192x16xi32>
    %eq3A = vector.broadcast %broadcast_in_dim3A_61 : vector<192x1xf32> to vector<192x16xf32>
    %eq3A_62 = arith.cmpf oeq, %add3A_59, %eq3A : vector<192x16xf32>
    %jit3A = arith.constant 1073741824 : i32
    %broadcast_in_dim3A_63 = vector.broadcast %jit3A : i32 to vector<192x16xi32>
    %select_n3A_64 = arith.select %eq3A_62, %iota3A, %broadcast_in_dim3A_63 : vector<192x16xi1>, vector<192x16xi32>
    %reduce_min3A = arith.constant dense<2147483647> : vector<192xi32>
    %reduce_min3A_65 = vector.multi_reduction <minsi>, %select_n3A_64, %reduce_min3A [1] : vector<192x16xi32> to vector<192xi32>
    %broadcast_in_dim3A_66 = vector.shape_cast %reduce_min3A_65 : vector<192xi32> to vector<192x1xi32>
    %iota3A_67 = tpu.iota {dimensions = array<i32: 1>} : vector<192x512xi32>
    %jit3A_68 = arith.constant 32 : i32
    %div3A = vector.broadcast %jit3A_68 : i32 to vector<192x512xi32>
    %div3A_69 = arith.divsi %iota3A_67, %div3A : vector<192x512xi32>
    %sign3A = arith.constant 0 : i32
    %sign3A_70 = vector.broadcast %sign3A : i32 to vector<192x512xi32>
    %sign3A_71 = arith.cmpi sgt, %iota3A_67, %sign3A_70 : vector<192x512xi32>
    %sign3A_72 = arith.extui %sign3A_71 : vector<192x512xi1> to vector<192x512xi32>
    %sign3A_73 = arith.constant 0 : i32
    %sign3A_74 = vector.broadcast %sign3A_73 : i32 to vector<192x512xi32>
    %sign3A_75 = arith.cmpi slt, %iota3A_67, %sign3A_74 : vector<192x512xi32>
    %sign3A_76 = arith.extui %sign3A_75 : vector<192x512xi1> to vector<192x512xi32>
    %sign3A_77 = arith.subi %sign3A_72, %sign3A_76 : vector<192x512xi32>
    %sign3A_78 = arith.constant 0 : i32
    %sign3A_79 = arith.cmpi sgt, %jit3A_68, %sign3A_78 : i32
    %sign3A_80 = arith.extui %sign3A_79 : i1 to i32
    %sign3A_81 = arith.constant 0 : i32
    %sign3A_82 = arith.cmpi slt, %jit3A_68, %sign3A_81 : i32
    %sign3A_83 = arith.extui %sign3A_82 : i1 to i32
    %sign3A_84 = arith.subi %sign3A_80, %sign3A_83 : i32
    %ne3A = vector.broadcast %sign3A_84 : i32 to vector<192x512xi32>
    %ne3A_85 = arith.cmpi ne, %sign3A_77, %ne3A : vector<192x512xi32>
    %rem3A = vector.broadcast %jit3A_68 : i32 to vector<192x512xi32>
    %rem3A_86 = arith.remsi %iota3A_67, %rem3A : vector<192x512xi32>
    %ne3A_87 = arith.constant 0 : i32
    %ne3A_88 = vector.broadcast %ne3A_87 : i32 to vector<192x512xi32>
    %ne3A_89 = arith.cmpi ne, %rem3A_86, %ne3A_88 : vector<192x512xi32>
    %and3A = arith.andi %ne3A_85, %ne3A_89 : vector<192x512xi1>
    %sub3A = arith.constant 1 : i32
    %sub3A_90 = vector.broadcast %sub3A : i32 to vector<192x512xi32>
    %sub3A_91 = arith.subi %div3A_69, %sub3A_90 : vector<192x512xi32>
    %select_n3A_92 = arith.select %and3A, %sub3A_91, %div3A_69 : vector<192x512xi1>, vector<192x512xi32>
    %eq3A_93 = vector.broadcast %broadcast_in_dim3A_66 : vector<192x1xi32> to vector<192x512xi32>
    %eq3A_94 = arith.cmpi eq, %select_n3A_92, %eq3A_93 : vector<192x512xi32>
    %convert_element_type3A_95 = arith.extui %eq3A_94 : vector<192x512xi1> to vector<192x512xi32>
    %convert_element_type3A_96 = arith.sitofp %convert_element_type3A_95 : vector<192x512xi32> to vector<192x512xf32>
    %get3A_97 = arith.constant 0 : index
    %get3A_98 = arith.constant 0 : index
    %get3A_99 = arith.constant 0 : index
    %get3A_100 = vector.load %arg8[%get3A_97, %get3A_98, %get3A_99] : memref<8x64x512xbf16, #tpu.memory_space<vmem>>, vector<1x64x512xbf16>
    %get3A_101 = vector.shape_cast %get3A_100 : vector<1x64x512xbf16> to vector<64x512xbf16>
    %convert_element_type3A_102 = arith.truncf %transpose3A : vector<192x64xf32> to vector<192x64xbf16>
    %dot_general3A_103 = arith.constant dense<0.000000e+00> : vector<192x512xf32>
    %dot_general3A_104 = tpu.matmul %convert_element_type3A_102, %get3A_101, %dot_general3A_103 {dimension_numbers = #tpu.dot_dimension_numbers<[1], [0], [0], [1], [0, 0, 1, 1], [], []>, transpose_lhs_hint = false} : vector<192x64xbf16>, vector<64x512xbf16>, vector<192x512xf32> -> vector<192x512xf32>
    %get3A_105 = arith.constant 0 : index
    %get3A_106 = arith.constant 0 : index
    %get3A_107 = vector.load %arg9[%get3A_105, %get3A_106] : memref<8x512xf32, #tpu.memory_space<vmem>>, vector<1x512xf32>
    %get3A_108 = vector.shape_cast %get3A_107 : vector<1x512xf32> to vector<512xf32>
    %broadcast_in_dim3A_109 = vector.shape_cast %get3A_108 : vector<512xf32> to vector<1x512xf32>
    %add3A_110 = vector.broadcast %broadcast_in_dim3A_109 : vector<1x512xf32> to vector<192x512xf32>
    %add3A_111 = arith.addf %dot_general3A_104, %add3A_110 : vector<192x512xf32>
    %mul3A_112 = arith.mulf %add3A_111, %convert_element_type3A_96 : vector<192x512xf32>
    %get3A_113 = arith.constant 0 : index
    %get3A_114 = arith.constant 0 : index
    %get3A_115 = vector.load %arg14[%get3A_113, %get3A_114] : memref<2048x32xbf16, #tpu.memory_space<vmem>>, vector<512x32xbf16>
    %convert_element_type3A_116 = arith.truncf %mul3A_112 : vector<192x512xf32> to vector<192x512xbf16>
    %convert_element_type3A_117 = arith.extf %convert_element_type3A_116 : vector<192x512xbf16> to vector<192x512xf32>
    %sub3A_118 = arith.subf %mul3A_112, %convert_element_type3A_117 : vector<192x512xf32>
    %convert_element_type3A_119 = arith.truncf %sub3A_118 : vector<192x512xf32> to vector<192x512xbf16>
    %dot_general3A_120 = arith.constant dense<0.000000e+00> : vector<192x32xf32>
    %dot_general3A_121 = tpu.matmul %convert_element_type3A_116, %get3A_115, %dot_general3A_120 {dimension_numbers = #tpu.dot_dimension_numbers<[1], [0], [0], [1], [0, 0, 1, 1], [], []>, transpose_lhs_hint = false} : vector<192x512xbf16>, vector<512x32xbf16>, vector<192x32xf32> -> vector<192x32xf32>
    %dot_general3A_122 = arith.constant dense<0.000000e+00> : vector<192x32xf32>
    %dot_general3A_123 = tpu.matmul %convert_element_type3A_119, %get3A_115, %dot_general3A_122 {dimension_numbers = #tpu.dot_dimension_numbers<[1], [0], [0], [1], [0, 0, 1, 1], [], []>, transpose_lhs_hint = false} : vector<192x512xbf16>, vector<512x32xbf16>, vector<192x32xf32> -> vector<192x32xf32>
    %add3A_124 = arith.addf %dot_general3A_121, %dot_general3A_123 : vector<192x32xf32>
    %ge3A_125 = arith.constant 0.000000e+00 : f32
    %ge3A_126 = vector.broadcast %ge3A_125 : f32 to vector<192x32xf32>
    %ge3A_127 = arith.cmpf oge, %add3A_124, %ge3A_126 : vector<192x32xf32>
    %mul3A_128 = arith.constant 0.00999999977 : f32
    %mul3A_129 = vector.broadcast %mul3A_128 : f32 to vector<192x32xf32>
    %mul3A_130 = arith.mulf %mul3A_129, %add3A_124 : vector<192x32xf32>
    %select_n3A_131 = arith.select %ge3A_127, %add3A_124, %mul3A_130 : vector<192x32xi1>, vector<192x32xf32>
    %get3A_132 = arith.constant 0 : index
    %get3A_133 = arith.constant 0 : index
    %get3A_134 = arith.constant 0 : index
    %get3A_135 = vector.load %arg10[%get3A_132, %get3A_133, %get3A_134] : memref<8x32x512xbf16, #tpu.memory_space<vmem>>, vector<1x32x512xbf16>
    %get3A_136 = vector.shape_cast %get3A_135 : vector<1x32x512xbf16> to vector<32x512xbf16>
    %convert_element_type3A_137 = arith.truncf %select_n3A_131 : vector<192x32xf32> to vector<192x32xbf16>
    %dot_general3A_138 = arith.constant dense<0.000000e+00> : vector<192x512xf32>
    %dot_general3A_139 = tpu.matmul %convert_element_type3A_137, %get3A_136, %dot_general3A_138 {dimension_numbers = #tpu.dot_dimension_numbers<[1], [0], [0], [1], [0, 0, 1, 1], [], []>, transpose_lhs_hint = false} : vector<192x32xbf16>, vector<32x512xbf16>, vector<192x512xf32> -> vector<192x512xf32>
    %get3A_140 = arith.constant 0 : index
    %get3A_141 = arith.constant 0 : index
    %get3A_142 = vector.load %arg11[%get3A_140, %get3A_141] : memref<8x512xf32, #tpu.memory_space<vmem>>, vector<1x512xf32>
    %get3A_143 = vector.shape_cast %get3A_142 : vector<1x512xf32> to vector<512xf32>
    %broadcast_in_dim3A_144 = vector.shape_cast %get3A_143 : vector<512xf32> to vector<1x512xf32>
    %add3A_145 = vector.broadcast %broadcast_in_dim3A_144 : vector<1x512xf32> to vector<192x512xf32>
    %add3A_146 = arith.addf %dot_general3A_139, %add3A_145 : vector<192x512xf32>
    %mul3A_147 = arith.mulf %add3A_146, %convert_element_type3A_96 : vector<192x512xf32>
    %get3A_148 = arith.constant 0 : index
    %get3A_149 = arith.constant 0 : index
    %get3A_150 = vector.load %arg14[%get3A_148, %get3A_149] : memref<2048x32xbf16, #tpu.memory_space<vmem>>, vector<512x32xbf16>
    %convert_element_type3A_151 = arith.truncf %mul3A_147 : vector<192x512xf32> to vector<192x512xbf16>
    %convert_element_type3A_152 = arith.extf %convert_element_type3A_151 : vector<192x512xbf16> to vector<192x512xf32>
    %sub3A_153 = arith.subf %mul3A_147, %convert_element_type3A_152 : vector<192x512xf32>
    %convert_element_type3A_154 = arith.truncf %sub3A_153 : vector<192x512xf32> to vector<192x512xbf16>
    %dot_general3A_155 = arith.constant dense<0.000000e+00> : vector<192x32xf32>
    %dot_general3A_156 = tpu.matmul %convert_element_type3A_151, %get3A_150, %dot_general3A_155 {dimension_numbers = #tpu.dot_dimension_numbers<[1], [0], [0], [1], [0, 0, 1, 1], [], []>, transpose_lhs_hint = false} : vector<192x512xbf16>, vector<512x32xbf16>, vector<192x32xf32> -> vector<192x32xf32>
    %dot_general3A_157 = arith.constant dense<0.000000e+00> : vector<192x32xf32>
    %dot_general3A_158 = tpu.matmul %convert_element_type3A_154, %get3A_150, %dot_general3A_157 {dimension_numbers = #tpu.dot_dimension_numbers<[1], [0], [0], [1], [0, 0, 1, 1], [], []>, transpose_lhs_hint = false} : vector<192x512xbf16>, vector<512x32xbf16>, vector<192x32xf32> -> vector<192x32xf32>
    %add3A_159 = arith.addf %dot_general3A_156, %dot_general3A_158 : vector<192x32xf32>
    %ge3A_160 = arith.constant 0.000000e+00 : f32
    %ge3A_161 = vector.broadcast %ge3A_160 : f32 to vector<192x32xf32>
    %ge3A_162 = arith.cmpf oge, %add3A_159, %ge3A_161 : vector<192x32xf32>
    %mul3A_163 = arith.constant 0.00999999977 : f32
    %mul3A_164 = vector.broadcast %mul3A_163 : f32 to vector<192x32xf32>
    %mul3A_165 = arith.mulf %mul3A_164, %add3A_159 : vector<192x32xf32>
    %select_n3A_166 = arith.select %ge3A_162, %add3A_159, %mul3A_165 : vector<192x32xi1>, vector<192x32xf32>
    %get3A_167 = arith.constant 0 : index
    %get3A_168 = arith.constant 0 : index
    %get3A_169 = arith.constant 0 : index
    %get3A_170 = vector.load %arg12[%get3A_167, %get3A_168, %get3A_169] : memref<8x32x512xbf16, #tpu.memory_space<vmem>>, vector<1x32x512xbf16>
    %get3A_171 = vector.shape_cast %get3A_170 : vector<1x32x512xbf16> to vector<32x512xbf16>
    %convert_element_type3A_172 = arith.truncf %select_n3A_166 : vector<192x32xf32> to vector<192x32xbf16>
    %dot_general3A_173 = arith.constant dense<0.000000e+00> : vector<192x512xf32>
    %dot_general3A_174 = tpu.matmul %convert_element_type3A_172, %get3A_171, %dot_general3A_173 {dimension_numbers = #tpu.dot_dimension_numbers<[1], [0], [0], [1], [0, 0, 1, 1], [], []>, transpose_lhs_hint = false} : vector<192x32xbf16>, vector<32x512xbf16>, vector<192x512xf32> -> vector<192x512xf32>
    %get3A_175 = arith.constant 0 : index
    %get3A_176 = arith.constant 0 : index
    %get3A_177 = vector.load %arg13[%get3A_175, %get3A_176] : memref<8x512xf32, #tpu.memory_space<vmem>>, vector<1x512xf32>
    %get3A_178 = vector.shape_cast %get3A_177 : vector<1x512xf32> to vector<512xf32>
    %broadcast_in_dim3A_179 = vector.shape_cast %get3A_178 : vector<512xf32> to vector<1x512xf32>
    %add3A_180 = vector.broadcast %broadcast_in_dim3A_179 : vector<1x512xf32> to vector<192x512xf32>
    %add3A_181 = arith.addf %dot_general3A_174, %add3A_180 : vector<192x512xf32>
    %jit3A_182 = arith.constant 0xFF800000 : f32
    %broadcast_in_dim3A_183 = vector.broadcast %jit3A_182 : f32 to vector<192x512xf32>
    %select_n3A_184 = arith.select %eq3A_94, %add3A_181, %broadcast_in_dim3A_183 : vector<192x512xi1>, vector<192x512xf32>
    %reduce_max3A_185 = arith.constant dense<0xFF800000> : vector<192xf32>
    %reduce_max3A_186 = vector.multi_reduction <maximumf>, %select_n3A_184, %reduce_max3A_185 [1] : vector<192x512xf32> to vector<192xf32>
    %broadcast_in_dim3A_187 = vector.shape_cast %reduce_max3A_186 : vector<192xf32> to vector<192x1xf32>
    %iota3A_188 = tpu.iota {dimensions = array<i32: 1>} : vector<192x512xi32>
    %eq3A_189 = vector.broadcast %broadcast_in_dim3A_187 : vector<192x1xf32> to vector<192x512xf32>
    %eq3A_190 = arith.cmpf oeq, %select_n3A_184, %eq3A_189 : vector<192x512xf32>
    %jit3A_191 = arith.constant 1073741824 : i32
    %broadcast_in_dim3A_192 = vector.broadcast %jit3A_191 : i32 to vector<192x512xi32>
    %select_n3A_193 = arith.select %eq3A_190, %iota3A_188, %broadcast_in_dim3A_192 : vector<192x512xi1>, vector<192x512xi32>
    %reduce_min3A_194 = arith.constant dense<2147483647> : vector<192xi32>
    %reduce_min3A_195 = vector.multi_reduction <minsi>, %select_n3A_193, %reduce_min3A_194 [1] : vector<192x512xi32> to vector<192xi32>
    %broadcast_in_dim3A_196 = vector.shape_cast %reduce_min3A_195 : vector<192xi32> to vector<192x1xi32>
    %mul3A_197 = arith.constant 32 : i32
    %mul3A_198 = vector.broadcast %mul3A_197 : i32 to vector<192x1xi32>
    %mul3A_199 = arith.muli %broadcast_in_dim3A_66, %mul3A_198 : vector<192x1xi32>
    %sub3A_200 = arith.subi %broadcast_in_dim3A_196, %mul3A_199 : vector<192x1xi32>
    %mul3A_201 = arith.constant 16 : i32
    %mul3A_202 = vector.broadcast %mul3A_201 : i32 to vector<192x1xi32>
    %mul3A_203 = arith.muli %broadcast_in_dim3A_66, %mul3A_202 : vector<192x1xi32>
    %add3A_204 = arith.addi %mul3A_203, %sub3A_200 : vector<192x1xi32>
    %sub3A_205 = arith.constant 8 : i32
    %sub3A_206 = vector.broadcast %sub3A_205 : i32 to vector<192x1xi32>
    %sub3A_207 = arith.subi %add3A_204, %sub3A_206 : vector<192x1xi32>
    %swap3A_208 = arith.constant 0 : index
    %swap3A_209 = arith.constant 0 : index
    %swap3A_210 = vector.load %arg16[%swap3A_208, %swap3A_209] : memref<1536x1xi32, #tpu.memory_space<vmem>>, vector<192x1xi32>
    tpu.vector_store %arg16[%swap3A_208, %swap3A_209], %sub3A_207 {strides = array<i32>} : memref<1536x1xi32, #tpu.memory_space<vmem>>, vector<192x1xi32>,
    %get3A_211 = arith.constant 0 : index
    %get3A_212 = arith.constant 0 : index
    %get3A_213 = arith.constant 1 : index
    %get3A_214 = arith.constant 0 : index
    %get3A_215 = vector.load %arg1[%get3A_211, %get3A_212, %get3A_213, %get3A_214] : memref<1x64x8x192xf32, #tpu.memory_space<vmem>>, vector<1x64x1x192xf32>
    %get3A_216 = vector.shape_cast %get3A_215 : vector<1x64x1x192xf32> to vector<64x192xf32>
    %transpose3A_217 = tpu.transpose %get3A_216, [1, 0] : vector<64x192xf32> -> vector<192x64xf32>
    %convert_element_type3A_218 = arith.truncf %transpose3A_217 : vector<192x64xf32> to vector<192x64xbf16>
    %swap3A_219 = arith.constant 192 : index
    %swap3A_220 = arith.constant 0 : index
    %swap3A_221 = vector.load %arg15[%swap3A_219, %swap3A_220] : memref<1536x64xbf16, #tpu.memory_space<vmem>>, vector<192x64xbf16>
    tpu.vector_store %arg15[%swap3A_219, %swap3A_220], %convert_element_type3A_218 {strides = array<i32>} : memref<1536x64xbf16, #tpu.memory_space<vmem>>, vector<192x64xbf16>,
    %get3A_222 = arith.constant 1 : index
    %get3A_223 = arith.constant 0 : index
    %get3A_224 = arith.constant 0 : index
    %get3A_225 = vector.load %arg2[%get3A_222, %get3A_223, %get3A_224] : memref<8x32x64xbf16, #tpu.memory_space<vmem>>, vector<1x32x64xbf16>
    %get3A_226 = vector.shape_cast %get3A_225 : vector<1x32x64xbf16> to vector<32x64xbf16>
    %convert_element_type3A_227 = arith.truncf %transpose3A_217 : vector<192x64xf32> to vector<192x64xbf16>
    %dot_general3A_228 = arith.constant dense<0.000000e+00> : vector<192x32xf32>
    %dot_general3A_229 = tpu.matmul %convert_element_type3A_227, %get3A_226, %dot_general3A_228 {dimension_numbers = #tpu.dot_dimension_numbers<[1], [1], [0], [0], [0, 0, 1, 0], [], []>, transpose_lhs_hint = false} : vector<192x64xbf16>, vector<32x64xbf16>, vector<192x32xf32> -> vector<192x32xf32>
    %get3A_230 = arith.constant 1 : index
    %get3A_231 = arith.constant 0 : index
    %get3A_232 = vector.load %arg3[%get3A_230, %get3A_231] : memref<8x32xf32, #tpu.memory_space<vmem>>, vector<1x32xf32>
    %get3A_233 = vector.shape_cast %get3A_232 : vector<1x32xf32> to vector<32xf32>
    %broadcast_in_dim3A_234 = vector.shape_cast %get3A_233 : vector<32xf32> to vector<1x32xf32>
    %add3A_235 = vector.broadcast %broadcast_in_dim3A_234 : vector<1x32xf32> to vector<192x32xf32>
    %add3A_236 = arith.addf %dot_general3A_229, %add3A_235 : vector<192x32xf32>
    %ge3A_237 = arith.constant 0.000000e+00 : f32
    %ge3A_238 = vector.broadcast %ge3A_237 : f32 to vector<192x32xf32>
    %ge3A_239 = arith.cmpf oge, %add3A_236, %ge3A_238 : vector<192x32xf32>
    %mul3A_240 = arith.constant 0.00999999977 : f32
    %mul3A_241 = vector.broadcast %mul3A_240 : f32 to vector<192x32xf32>
    %mul3A_242 = arith.mulf %mul3A_241, %add3A_236 : vector<192x32xf32>
    %select_n3A_243 = arith.select %ge3A_239, %add3A_236, %mul3A_242 : vector<192x32xi1>, vector<192x32xf32>
    %get3A_244 = arith.constant 1 : index
    %get3A_245 = arith.constant 0 : index
    %get3A_246 = arith.constant 0 : index
    %get3A_247 = vector.load %arg4[%get3A_244, %get3A_245, %get3A_246] : memref<8x32x32xbf16, #tpu.memory_space<vmem>>, vector<1x32x32xbf16>
    %get3A_248 = vector.shape_cast %get3A_247 : vector<1x32x32xbf16> to vector<32x32xbf16>
    %convert_element_type3A_249 = arith.truncf %select_n3A_243 : vector<192x32xf32> to vector<192x32xbf16>
    %dot_general3A_250 = arith.constant dense<0.000000e+00> : vector<192x32xf32>
    %dot_general3A_251 = tpu.matmul %convert_element_type3A_249, %get3A_248, %dot_general3A_250 {dimension_numbers = #tpu.dot_dimension_numbers<[1], [1], [0], [0], [0, 0, 1, 0], [], []>, transpose_lhs_hint = false} : vector<192x32xbf16>, vector<32x32xbf16>, vector<192x32xf32> -> vector<192x32xf32>
    %get3A_252 = arith.constant 1 : index
    %get3A_253 = arith.constant 0 : index
    %get3A_254 = vector.load %arg5[%get3A_252, %get3A_253] : memref<8x32xf32, #tpu.memory_space<vmem>>, vector<1x32xf32>
    %get3A_255 = vector.shape_cast %get3A_254 : vector<1x32xf32> to vector<32xf32>
    %broadcast_in_dim3A_256 = vector.shape_cast %get3A_255 : vector<32xf32> to vector<1x32xf32>
    %add3A_257 = vector.broadcast %broadcast_in_dim3A_256 : vector<1x32xf32> to vector<192x32xf32>
    %add3A_258 = arith.addf %dot_general3A_251, %add3A_257 : vector<192x32xf32>
    %ge3A_259 = arith.constant 0.000000e+00 : f32
    %ge3A_260 = vector.broadcast %ge3A_259 : f32 to vector<192x32xf32>
    %ge3A_261 = arith.cmpf oge, %add3A_258, %ge3A_260 : vector<192x32xf32>
    %mul3A_262 = arith.constant 0.00999999977 : f32
    %mul3A_263 = vector.broadcast %mul3A_262 : f32 to vector<192x32xf32>
    %mul3A_264 = arith.mulf %mul3A_263, %add3A_258 : vector<192x32xf32>
    %select_n3A_265 = arith.select %ge3A_261, %add3A_258, %mul3A_264 : vector<192x32xi1>, vector<192x32xf32>
    %get3A_266 = arith.constant 1 : index
    %get3A_267 = arith.constant 0 : index
    %get3A_268 = arith.constant 0 : index
    %get3A_269 = vector.load %arg6[%get3A_266, %get3A_267, %get3A_268] : memref<8x16x32xbf16, #tpu.memory_space<vmem>>, vector<1x16x32xbf16>
    %get3A_270 = vector.shape_cast %get3A_269 : vector<1x16x32xbf16> to vector<16x32xbf16>
    %convert_element_type3A_271 = arith.truncf %select_n3A_265 : vector<192x32xf32> to vector<192x32xbf16>
    %dot_general3A_272 = arith.constant dense<0.000000e+00> : vector<192x16xf32>
    %dot_general3A_273 = tpu.matmul %convert_element_type3A_271, %get3A_270, %dot_general3A_272 {dimension_numbers = #tpu.dot_dimension_numbers<[1], [1], [0], [0], [0, 0, 1, 0], [], []>, transpose_lhs_hint = false} : vector<192x32xbf16>, vector<16x32xbf16>, vector<192x16xf32> -> vector<192x16xf32>
    %get3A_274 = arith.constant 1 : index
    %get3A_275 = arith.constant 0 : index
    %get3A_276 = vector.load %arg7[%get3A_274, %get3A_275] : memref<8x16xf32, #tpu.memory_space<vmem>>, vector<1x16xf32>
    %get3A_277 = vector.shape_cast %get3A_276 : vector<1x16xf32> to vector<16xf32>
    %broadcast_in_dim3A_278 = vector.shape_cast %get3A_277 : vector<16xf32> to vector<1x16xf32>
    %add3A_279 = vector.broadcast %broadcast_in_dim3A_278 : vector<1x16xf32> to vector<192x16xf32>
    %add3A_280 = arith.addf %dot_general3A_273, %add3A_279 : vector<192x16xf32>
    %reduce_max3A_281 = arith.constant dense<0xFF800000> : vector<192xf32>
    %reduce_max3A_282 = vector.multi_reduction <maximumf>, %add3A_280, %reduce_max3A_281 [1] : vector<192x16xf32> to vector<192xf32>
    %broadcast_in_dim3A_283 = vector.shape_cast %reduce_max3A_282 : vector<192xf32> to vector<192x1xf32>
    %iota3A_284 = tpu.iota {dimensions = array<i32: 1>} : vector<192x16xi32>
    %eq3A_285 = vector.broadcast %broadcast_in_dim3A_283 : vector<192x1xf32> to vector<192x16xf32>
    %eq3A_286 = arith.cmpf oeq, %add3A_280, %eq3A_285 : vector<192x16xf32>
    %jit3A_287 = arith.constant 1073741824 : i32
    %broadcast_in_dim3A_288 = vector.broadcast %jit3A_287 : i32 to vector<192x16xi32>
    %select_n3A_289 = arith.select %eq3A_286, %iota3A_284, %broadcast_in_dim3A_288 : vector<192x16xi1>, vector<192x16xi32>
    %reduce_min3A_290 = arith.constant dense<2147483647> : vector<192xi32>
    %reduce_min3A_291 = vector.multi_reduction <minsi>, %select_n3A_289, %reduce_min3A_290 [1] : vector<192x16xi32> to vector<192xi32>
    %broadcast_in_dim3A_292 = vector.shape_cast %reduce_min3A_291 : vector<192xi32> to vector<192x1xi32>
    %iota3A_293 = tpu.iota {dimensions = array<i32: 1>} : vector<192x512xi32>
    %jit3A_294 = arith.constant 32 : i32
    %div3A_295 = vector.broadcast %jit3A_294 : i32 to vector<192x512xi32>
    %div3A_296 = arith.divsi %iota3A_293, %div3A_295 : vector<192x512xi32>
    %sign3A_297 = arith.constant 0 : i32
    %sign3A_298 = vector.broadcast %sign3A_297 : i32 to vector<192x512xi32>
    %sign3A_299 = arith.cmpi sgt, %iota3A_293, %sign3A_298 : vector<192x512xi32>
    %sign3A_300 = arith.extui %sign3A_299 : vector<192x512xi1> to vector<192x512xi32>
    %sign3A_301 = arith.constant 0 : i32
    %sign3A_302 = vector.broadcast %sign3A_301 : i32 to vector<192x512xi32>
    %sign3A_303 = arith.cmpi slt, %iota3A_293, %sign3A_302 : vector<192x512xi32>
    %sign3A_304 = arith.extui %sign3A_303 : vector<192x512xi1> to vector<192x512xi32>
    %sign3A_305 = arith.subi %sign3A_300, %sign3A_304 : vector<192x512xi32>
    %sign3A_306 = arith.constant 0 : i32
    %sign3A_307 = arith.cmpi sgt, %jit3A_294, %sign3A_306 : i32
    %sign3A_308 = arith.extui %sign3A_307 : i1 to i32
    %sign3A_309 = arith.constant 0 : i32
    %sign3A_310 = arith.cmpi slt, %jit3A_294, %sign3A_309 : i32
    %sign3A_311 = arith.extui %sign3A_310 : i1 to i32
    %sign3A_312 = arith.subi %sign3A_308, %sign3A_311 : i32
    %ne3A_313 = vector.broadcast %sign3A_312 : i32 to vector<192x512xi32>
    %ne3A_314 = arith.cmpi ne, %sign3A_305, %ne3A_313 : vector<192x512xi32>
    %rem3A_315 = vector.broadcast %jit3A_294 : i32 to vector<192x512xi32>
    %rem3A_316 = arith.remsi %iota3A_293, %rem3A_315 : vector<192x512xi32>
    %ne3A_317 = arith.constant 0 : i32
    %ne3A_318 = vector.broadcast %ne3A_317 : i32 to vector<192x512xi32>
    %ne3A_319 = arith.cmpi ne, %rem3A_316, %ne3A_318 : vector<192x512xi32>
    %and3A_320 = arith.andi %ne3A_314, %ne3A_319 : vector<192x512xi1>
    %sub3A_321 = arith.constant 1 : i32
    %sub3A_322 = vector.broadcast %sub3A_321 : i32 to vector<192x512xi32>
    %sub3A_323 = arith.subi %div3A_296, %sub3A_322 : vector<192x512xi32>
    %select_n3A_324 = arith.select %and3A_320, %sub3A_323, %div3A_296 : vector<192x512xi1>, vector<192x512xi32>
    %eq3A_325 = vector.broadcast %broadcast_in_dim3A_292 : vector<192x1xi32> to vector<192x512xi32>
    %eq3A_326 = arith.cmpi eq, %select_n3A_324, %eq3A_325 : vector<192x512xi32>
    %convert_element_type3A_327 = arith.extui %eq3A_326 : vector<192x512xi1> to vector<192x512xi32>
    %convert_element_type3A_328 = arith.sitofp %convert_element_type3A_327 : vector<192x512xi32> to vector<192x512xf32>
    %get3A_329 = arith.constant 1 : index
    %get3A_330 = arith.constant 0 : index
    %get3A_331 = arith.constant 0 : index
    %get3A_332 = vector.load %arg8[%get3A_329, %get3A_330, %get3A_331] : memref<8x64x512xbf16, #tpu.memory_space<vmem>>, vector<1x64x512xbf16>
    %get3A_333 = vector.shape_cast %get3A_332 : vector<1x64x512xbf16> to vector<64x512xbf16>
    %convert_element_type3A_334 = arith.truncf %transpose3A_217 : vector<192x64xf32> to vector<192x64xbf16>
    %dot_general3A_335 = arith.constant dense<0.000000e+00> : vector<192x512xf32>
    %dot_general3A_336 = tpu.matmul %convert_element_type3A_334, %get3A_333, %dot_general3A_335 {dimension_numbers = #tpu.dot_dimension_numbers<[1], [0], [0], [1], [0, 0, 1, 1], [], []>, transpose_lhs_hint = false} : vector<192x64xbf16>, vector<64x512xbf16>, vector<192x512xf32> -> vector<192x512xf32>
    %get3A_337 = arith.constant 1 : index
    %get3A_338 = arith.constant 0 : index
    %get3A_339 = vector.load %arg9[%get3A_337, %get3A_338] : memref<8x512xf32, #tpu.memory_space<vmem>>, vector<1x512xf32>
    %get3A_340 = vector.shape_cast %get3A_339 : vector<1x512xf32> to vector<512xf32>
    %broadcast_in_dim3A_341 = vector.shape_cast %get3A_340 : vector<512xf32> to vector<1x512xf32>
    %add3A_342 = vector.broadcast %broadcast_in_dim3A_341 : vector<1x512xf32> to vector<192x512xf32>
    %add3A_343 = arith.addf %dot_general3A_336, %add3A_342 : vector<192x512xf32>
    %mul3A_344 = arith.mulf %add3A_343, %convert_element_type3A_328 : vector<192x512xf32>
    %get3A_345 = arith.constant 0 : index
    %get3A_346 = arith.constant 0 : index
    %get3A_347 = vector.load %arg14[%get3A_345, %get3A_346] : memref<2048x32xbf16, #tpu.memory_space<vmem>>, vector<512x32xbf16>
    %convert_element_type3A_348 = arith.truncf %mul3A_344 : vector<192x512xf32> to vector<192x512xbf16>
    %convert_element_type3A_349 = arith.extf %convert_element_type3A_348 : vector<192x512xbf16> to vector<192x512xf32>
    %sub3A_350 = arith.subf %mul3A_344, %convert_element_type3A_349 : vector<192x512xf32>
    %convert_element_type3A_351 = arith.truncf %sub3A_350 : vector<192x512xf32> to vector<192x512xbf16>
    %dot_general3A_352 = arith.constant dense<0.000000e+00> : vector<192x32xf32>
    %dot_general3A_353 = tpu.matmul %convert_element_type3A_348, %get3A_347, %dot_general3A_352 {dimension_numbers = #tpu.dot_dimension_numbers<[1], [0], [0], [1], [0, 0, 1, 1], [], []>, transpose_lhs_hint = false} : vector<192x512xbf16>, vector<512x32xbf16>, vector<192x32xf32> -> vector<192x32xf32>
    %dot_general3A_354 = arith.constant dense<0.000000e+00> : vector<192x32xf32>
    %dot_general3A_355 = tpu.matmul %convert_element_type3A_351, %get3A_347, %dot_general3A_354 {dimension_numbers = #tpu.dot_dimension_numbers<[1], [0], [0], [1], [0, 0, 1, 1], [], []>, transpose_lhs_hint = false} : vector<192x512xbf16>, vector<512x32xbf16>, vector<192x32xf32> -> vector<192x32xf32>
    %add3A_356 = arith.addf %dot_general3A_353, %dot_general3A_355 : vector<192x32xf32>
    %ge3A_357 = arith.constant 0.000000e+00 : f32
    %ge3A_358 = vector.broadcast %ge3A_357 : f32 to vector<192x32xf32>
    %ge3A_359 = arith.cmpf oge, %add3A_356, %ge3A_358 : vector<192x32xf32>
    %mul3A_360 = arith.constant 0.00999999977 : f32
    %mul3A_361 = vector.broadcast %mul3A_360 : f32 to vector<192x32xf32>
    %mul3A_362 = arith.mulf %mul3A_361, %add3A_356 : vector<192x32xf32>
    %select_n3A_363 = arith.select %ge3A_359, %add3A_356, %mul3A_362 : vector<192x32xi1>, vector<192x32xf32>
    %get3A_364 = arith.constant 1 : index
    %get3A_365 = arith.constant 0 : index
    %get3A_366 = arith.constant 0 : index
    %get3A_367 = vector.load %arg10[%get3A_364, %get3A_365, %get3A_366] : memref<8x32x512xbf16, #tpu.memory_space<vmem>>, vector<1x32x512xbf16>
    %get3A_368 = vector.shape_cast %get3A_367 : vector<1x32x512xbf16> to vector<32x512xbf16>
    %convert_element_type3A_369 = arith.truncf %select_n3A_363 : vector<192x32xf32> to vector<192x32xbf16>
    %dot_general3A_370 = arith.constant dense<0.000000e+00> : vector<192x512xf32>
    %dot_general3A_371 = tpu.matmul %convert_element_type3A_369, %get3A_368, %dot_general3A_370 {dimension_numbers = #tpu.dot_dimension_numbers<[1], [0], [0], [1], [0, 0, 1, 1], [], []>, transpose_lhs_hint = false} : vector<192x32xbf16>, vector<32x512xbf16>, vector<192x512xf32> -> vector<192x512xf32>
    %get3A_372 = arith.constant 1 : index
    %get3A_373 = arith.constant 0 : index
    %get3A_374 = vector.load %arg11[%get3A_372, %get3A_373] : memref<8x512xf32, #tpu.memory_space<vmem>>, vector<1x512xf32>
    %get3A_375 = vector.shape_cast %get3A_374 : vector<1x512xf32> to vector<512xf32>
    %broadcast_in_dim3A_376 = vector.shape_cast %get3A_375 : vector<512xf32> to vector<1x512xf32>
    %add3A_377 = vector.broadcast %broadcast_in_dim3A_376 : vector<1x512xf32> to vector<192x512xf32>
    %add3A_378 = arith.addf %dot_general3A_371, %add3A_377 : vector<192x512xf32>
    %mul3A_379 = arith.mulf %add3A_378, %convert_element_type3A_328 : vector<192x512xf32>
    %get3A_380 = arith.constant 0 : index
    %get3A_381 = arith.constant 0 : index
    %get3A_382 = vector.load %arg14[%get3A_380, %get3A_381] : memref<2048x32xbf16, #tpu.memory_space<vmem>>, vector<512x32xbf16>
    %convert_element_type3A_383 = arith.truncf %mul3A_379 : vector<192x512xf32> to vector<192x512xbf16>
    %convert_element_type3A_384 = arith.extf %convert_element_type3A_383 : vector<192x512xbf16> to vector<192x512xf32>
    %sub3A_385 = arith.subf %mul3A_379, %convert_element_type3A_384 : vector<192x512xf32>
    %convert_element_type3A_386 = arith.truncf %sub3A_385 : vector<192x512xf32> to vector<192x512xbf16>
    %dot_general3A_387 = arith.constant dense<0.000000e+00> : vector<192x32xf32>
    %dot_general3A_388 = tpu.matmul %convert_element_type3A_383, %get3A_382, %dot_general3A_387 {dimension_numbers = #tpu.dot_dimension_numbers<[1], [0], [0], [1], [0, 0, 1, 1], [], []>, transpose_lhs_hint = false} : vector<192x512xbf16>, vector<512x32xbf16>, vector<192x32xf32> -> vector<192x32xf32>
    %dot_general3A_389 = arith.constant dense<0.000000e+00> : vector<192x32xf32>
    %dot_general3A_390 = tpu.matmul %convert_element_type3A_386, %get3A_382, %dot_general3A_389 {dimension_numbers = #tpu.dot_dimension_numbers<[1], [0], [0], [1], [0, 0, 1, 1], [], []>, transpose_lhs_hint = false} : vector<192x512xbf16>, vector<512x32xbf16>, vector<192x32xf32> -> vector<192x32xf32>
    %add3A_391 = arith.addf %dot_general3A_388, %dot_general3A_390 : vector<192x32xf32>
    %ge3A_392 = arith.constant 0.000000e+00 : f32
    %ge3A_393 = vector.broadcast %ge3A_392 : f32 to vector<192x32xf32>
    %ge3A_394 = arith.cmpf oge, %add3A_391, %ge3A_393 : vector<192x32xf32>
    %mul3A_395 = arith.constant 0.00999999977 : f32
    %mul3A_396 = vector.broadcast %mul3A_395 : f32 to vector<192x32xf32>
    %mul3A_397 = arith.mulf %mul3A_396, %add3A_391 : vector<192x32xf32>
    %select_n3A_398 = arith.select %ge3A_394, %add3A_391, %mul3A_397 : vector<192x32xi1>, vector<192x32xf32>
    %get3A_399 = arith.constant 1 : index
    %get3A_400 = arith.constant 0 : index
    %get3A_401 = arith.constant 0 : index
    %get3A_402 = vector.load %arg12[%get3A_399, %get3A_400, %get3A_401] : memref<8x32x512xbf16, #tpu.memory_space<vmem>>, vector<1x32x512xbf16>
    %get3A_403 = vector.shape_cast %get3A_402 : vector<1x32x512xbf16> to vector<32x512xbf16>
    %convert_element_type3A_404 = arith.truncf %select_n3A_398 : vector<192x32xf32> to vector<192x32xbf16>
    %dot_general3A_405 = arith.constant dense<0.000000e+00> : vector<192x512xf32>
    %dot_general3A_406 = tpu.matmul %convert_element_type3A_404, %get3A_403, %dot_general3A_405 {dimension_numbers = #tpu.dot_dimension_numbers<[1], [0], [0], [1], [0, 0, 1, 1], [], []>, transpose_lhs_hint = false} : vector<192x32xbf16>, vector<32x512xbf16>, vector<192x512xf32> -> vector<192x512xf32>
    %get3A_407 = arith.constant 1 : index
    %get3A_408 = arith.constant 0 : index
    %get3A_409 = vector.load %arg13[%get3A_407, %get3A_408] : memref<8x512xf32, #tpu.memory_space<vmem>>, vector<1x512xf32>
    %get3A_410 = vector.shape_cast %get3A_409 : vector<1x512xf32> to vector<512xf32>
    %broadcast_in_dim3A_411 = vector.shape_cast %get3A_410 : vector<512xf32> to vector<1x512xf32>
    %add3A_412 = vector.broadcast %broadcast_in_dim3A_411 : vector<1x512xf32> to vector<192x512xf32>
    %add3A_413 = arith.addf %dot_general3A_406, %add3A_412 : vector<192x512xf32>
    %jit3A_414 = arith.constant 0xFF800000 : f32
    %broadcast_in_dim3A_415 = vector.broadcast %jit3A_414 : f32 to vector<192x512xf32>
    %select_n3A_416 = arith.select %eq3A_326, %add3A_413, %broadcast_in_dim3A_415 : vector<192x512xi1>, vector<192x512xf32>
    %reduce_max3A_417 = arith.constant dense<0xFF800000> : vector<192xf32>
    %reduce_max3A_418 = vector.multi_reduction <maximumf>, %select_n3A_416, %reduce_max3A_417 [1] : vector<192x512xf32> to vector<192xf32>
    %broadcast_in_dim3A_419 = vector.shape_cast %reduce_max3A_418 : vector<192xf32> to vector<192x1xf32>
    %iota3A_420 = tpu.iota {dimensions = array<i32: 1>} : vector<192x512xi32>
    %eq3A_421 = vector.broadcast %broadcast_in_dim3A_419 : vector<192x1xf32> to vector<192x512xf32>
    %eq3A_422 = arith.cmpf oeq, %select_n3A_416, %eq3A_421 : vector<192x512xf32>
    %jit3A_423 = arith.constant 1073741824 : i32
    %broadcast_in_dim3A_424 = vector.broadcast %jit3A_423 : i32 to vector<192x512xi32>
    %select_n3A_425 = arith.select %eq3A_422, %iota3A_420, %broadcast_in_dim3A_424 : vector<192x512xi1>, vector<192x512xi32>
    %reduce_min3A_426 = arith.constant dense<2147483647> : vector<192xi32>
    %reduce_min3A_427 = vector.multi_reduction <minsi>, %select_n3A_425, %reduce_min3A_426 [1] : vector<192x512xi32> to vector<192xi32>
    %broadcast_in_dim3A_428 = vector.shape_cast %reduce_min3A_427 : vector<192xi32> to vector<192x1xi32>
    %mul3A_429 = arith.constant 32 : i32
    %mul3A_430 = vector.broadcast %mul3A_429 : i32 to vector<192x1xi32>
    %mul3A_431 = arith.muli %broadcast_in_dim3A_292, %mul3A_430 : vector<192x1xi32>
    %sub3A_432 = arith.subi %broadcast_in_dim3A_428, %mul3A_431 : vector<192x1xi32>
    %mul3A_433 = arith.constant 16 : i32
    %mul3A_434 = vector.broadcast %mul3A_433 : i32 to vector<192x1xi32>
    %mul3A_435 = arith.muli %broadcast_in_dim3A_292, %mul3A_434 : vector<192x1xi32>
    %add3A_436 = arith.addi %mul3A_435, %sub3A_432 : vector<192x1xi32>
    %sub3A_437 = arith.constant 8 : i32
    %sub3A_438 = vector.broadcast %sub3A_437 : i32 to vector<192x1xi32>
    %sub3A_439 = arith.subi %add3A_436, %sub3A_438 : vector<192x1xi32>
    %swap3A_440 = arith.constant 192 : index
    %swap3A_441 = arith.constant 0 : index
    %swap3A_442 = vector.load %arg16[%swap3A_440, %swap3A_441] : memref<1536x1xi32, #tpu.memory_space<vmem>>, vector<192x1xi32>
    tpu.vector_store %arg16[%swap3A_440, %swap3A_441], %sub3A_439 {strides = array<i32>} : memref<1536x1xi32, #tpu.memory_space<vmem>>, vector<192x1xi32>,
    %get3A_443 = arith.constant 0 : index
    %get3A_444 = arith.constant 0 : index
    %get3A_445 = arith.constant 2 : index
    %get3A_446 = arith.constant 0 : index
    %get3A_447 = vector.load %arg1[%get3A_443, %get3A_444, %get3A_445, %get3A_446] : memref<1x64x8x192xf32, #tpu.memory_space<vmem>>, vector<1x64x1x192xf32>
    %get3A_448 = vector.shape_cast %get3A_447 : vector<1x64x1x192xf32> to vector<64x192xf32>
    %transpose3A_449 = tpu.transpose %get3A_448, [1, 0] : vector<64x192xf32> -> vector<192x64xf32>
    %convert_element_type3A_450 = arith.truncf %transpose3A_449 : vector<192x64xf32> to vector<192x64xbf16>
    %swap3A_451 = arith.constant 384 : index
    %swap3A_452 = arith.constant 0 : index
    %swap3A_453 = vector.load %arg15[%swap3A_451, %swap3A_452] : memref<1536x64xbf16, #tpu.memory_space<vmem>>, vector<192x64xbf16>
    tpu.vector_store %arg15[%swap3A_451, %swap3A_452], %convert_element_type3A_450 {strides = array<i32>} : memref<1536x64xbf16, #tpu.memory_space<vmem>>, vector<192x64xbf16>,
    %get3A_454 = arith.constant 2 : index
    %get3A_455 = arith.constant 0 : index
    %get3A_456 = arith.constant 0 : index
    %get3A_457 = vector.load %arg2[%get3A_454, %get3A_455, %get3A_456] : memref<8x32x64xbf16, #tpu.memory_space<vmem>>, vector<1x32x64xbf16>
    %get3A_458 = vector.shape_cast %get3A_457 : vector<1x32x64xbf16> to vector<32x64xbf16>
    %convert_element_type3A_459 = arith.truncf %transpose3A_449 : vector<192x64xf32> to vector<192x64xbf16>
    %dot_general3A_460 = arith.constant dense<0.000000e+00> : vector<192x32xf32>
    %dot_general3A_461 = tpu.matmul %convert_element_type3A_459, %get3A_458, %dot_general3A_460 {dimension_numbers = #tpu.dot_dimension_numbers<[1], [1], [0], [0], [0, 0, 1, 0], [], []>, transpose_lhs_hint = false} : vector<192x64xbf16>, vector<32x64xbf16>, vector<192x32xf32> -> vector<192x32xf32>
    %get3A_462 = arith.constant 2 : index
    %get3A_463 = arith.constant 0 : index
    %get3A_464 = vector.load %arg3[%get3A_462, %get3A_463] : memref<8x32xf32, #tpu.memory_space<vmem>>, vector<1x32xf32>
    %get3A_465 = vector.shape_cast %get3A_464 : vector<1x32xf32> to vector<32xf32>
    %broadcast_in_dim3A_466 = vector.shape_cast %get3A_465 : vector<32xf32> to vector<1x32xf32>
    %add3A_467 = vector.broadcast %broadcast_in_dim3A_466 : vector<1x32xf32> to vector<192x32xf32>
    %add3A_468 = arith.addf %dot_general3A_461, %add3A_467 : vector<192x32xf32>
    %ge3A_469 = arith.constant 0.000000e+00 : f32
    %ge3A_470 = vector.broadcast %ge3A_469 : f32 to vector<192x32xf32>
    %ge3A_471 = arith.cmpf oge, %add3A_468, %ge3A_470 : vector<192x32xf32>
    %mul3A_472 = arith.constant 0.00999999977 : f32
    %mul3A_473 = vector.broadcast %mul3A_472 : f32 to vector<192x32xf32>
    %mul3A_474 = arith.mulf %mul3A_473, %add3A_468 : vector<192x32xf32>
    %select_n3A_475 = arith.select %ge3A_471, %add3A_468, %mul3A_474 : vector<192x32xi1>, vector<192x32xf32>
    %get3A_476 = arith.constant 2 : index
    %get3A_477 = arith.constant 0 : index
    %get3A_478 = arith.constant 0 : index
    %get3A_479 = vector.load %arg4[%get3A_476, %get3A_477, %get3A_478] : memref<8x32x32xbf16, #tpu.memory_space<vmem>>, vector<1x32x32xbf16>
    %get3A_480 = vector.shape_cast %get3A_479 : vector<1x32x32xbf16> to vector<32x32xbf16>
    %convert_element_type3A_481 = arith.truncf %select_n3A_475 : vector<192x32xf32> to vector<192x32xbf16>
    %dot_general3A_482 = arith.constant dense<0.000000e+00> : vector<192x32xf32>
    %dot_general3A_483 = tpu.matmul %convert_element_type3A_481, %get3A_480, %dot_general3A_482 {dimension_numbers = #tpu.dot_dimension_numbers<[1], [1], [0], [0], [0, 0, 1, 0], [], []>, transpose_lhs_hint = false} : vector<192x32xbf16>, vector<32x32xbf16>, vector<192x32xf32> -> vector<192x32xf32>
    %get3A_484 = arith.constant 2 : index
    %get3A_485 = arith.constant 0 : index
    %get3A_486 = vector.load %arg5[%get3A_484, %get3A_485] : memref<8x32xf32, #tpu.memory_space<vmem>>, vector<1x32xf32>
    %get3A_487 = vector.shape_cast %get3A_486 : vector<1x32xf32> to vector<32xf32>
    %broadcast_in_dim3A_488 = vector.shape_cast %get3A_487 : vector<32xf32> to vector<1x32xf32>
    %add3A_489 = vector.broadcast %broadcast_in_dim3A_488 : vector<1x32xf32> to vector<192x32xf32>
    %add3A_490 = arith.addf %dot_general3A_483, %add3A_489 : vector<192x32xf32>
    %ge3A_491 = arith.constant 0.000000e+00 : f32
    %ge3A_492 = vector.broadcast %ge3A_491 : f32 to vector<192x32xf32>
    %ge3A_493 = arith.cmpf oge, %add3A_490, %ge3A_492 : vector<192x32xf32>
    %mul3A_494 = arith.constant 0.00999999977 : f32
    %mul3A_495 = vector.broadcast %mul3A_494 : f32 to vector<192x32xf32>
    %mul3A_496 = arith.mulf %mul3A_495, %add3A_490 : vector<192x32xf32>
    %select_n3A_497 = arith.select %ge3A_493, %add3A_490, %mul3A_496 : vector<192x32xi1>, vector<192x32xf32>
    %get3A_498 = arith.constant 2 : index
    %get3A_499 = arith.constant 0 : index
    %get3A_500 = arith.constant 0 : index
    %get3A_501 = vector.load %arg6[%get3A_498, %get3A_499, %get3A_500] : memref<8x16x32xbf16, #tpu.memory_space<vmem>>, vector<1x16x32xbf16>
    %get3A_502 = vector.shape_cast %get3A_501 : vector<1x16x32xbf16> to vector<16x32xbf16>
    %convert_element_type3A_503 = arith.truncf %select_n3A_497 : vector<192x32xf32> to vector<192x32xbf16>
    %dot_general3A_504 = arith.constant dense<0.000000e+00> : vector<192x16xf32>
    %dot_general3A_505 = tpu.matmul %convert_element_type3A_503, %get3A_502, %dot_general3A_504 {dimension_numbers = #tpu.dot_dimension_numbers<[1], [1], [0], [0], [0, 0, 1, 0], [], []>, transpose_lhs_hint = false} : vector<192x32xbf16>, vector<16x32xbf16>, vector<192x16xf32> -> vector<192x16xf32>
    %get3A_506 = arith.constant 2 : index
    %get3A_507 = arith.constant 0 : index
    %get3A_508 = vector.load %arg7[%get3A_506, %get3A_507] : memref<8x16xf32, #tpu.memory_space<vmem>>, vector<1x16xf32>
    %get3A_509 = vector.shape_cast %get3A_508 : vector<1x16xf32> to vector<16xf32>
    %broadcast_in_dim3A_510 = vector.shape_cast %get3A_509 : vector<16xf32> to vector<1x16xf32>
    %add3A_511 = vector.broadcast %broadcast_in_dim3A_510 : vector<1x16xf32> to vector<192x16xf32>
    %add3A_512 = arith.addf %dot_general3A_505, %add3A_511 : vector<192x16xf32>
    %reduce_max3A_513 = arith.constant dense<0xFF800000> : vector<192xf32>
    %reduce_max3A_514 = vector.multi_reduction <maximumf>, %add3A_512, %reduce_max3A_513 [1] : vector<192x16xf32> to vector<192xf32>
    %broadcast_in_dim3A_515 = vector.shape_cast %reduce_max3A_514 : vector<192xf32> to vector<192x1xf32>
    %iota3A_516 = tpu.iota {dimensions = array<i32: 1>} : vector<192x16xi32>
    %eq3A_517 = vector.broadcast %broadcast_in_dim3A_515 : vector<192x1xf32> to vector<192x16xf32>
    %eq3A_518 = arith.cmpf oeq, %add3A_512, %eq3A_517 : vector<192x16xf32>
    %jit3A_519 = arith.constant 1073741824 : i32
    %broadcast_in_dim3A_520 = vector.broadcast %jit3A_519 : i32 to vector<192x16xi32>
    %select_n3A_521 = arith.select %eq3A_518, %iota3A_516, %broadcast_in_dim3A_520 : vector<192x16xi1>, vector<192x16xi32>
    %reduce_min3A_522 = arith.constant dense<2147483647> : vector<192xi32>
    %reduce_min3A_523 = vector.multi_reduction <minsi>, %select_n3A_521, %reduce_min3A_522 [1] : vector<192x16xi32> to vector<192xi32>
    %broadcast_in_dim3A_524 = vector.shape_cast %reduce_min3A_523 : vector<192xi32> to vector<192x1xi32>
    %iota3A_525 = tpu.iota {dimensions = array<i32: 1>} : vector<192x512xi32>
    %jit3A_526 = arith.constant 32 : i32
    %div3A_527 = vector.broadcast %jit3A_526 : i32 to vector<192x512xi32>
    %div3A_528 = arith.divsi %iota3A_525, %div3A_527 : vector<192x512xi32>
    %sign3A_529 = arith.constant 0 : i32
    %sign3A_530 = vector.broadcast %sign3A_529 : i32 to vector<192x512xi32>
    %sign3A_531 = arith.cmpi sgt, %iota3A_525, %sign3A_530 : vector<192x512xi32>
    %sign3A_532 = arith.extui %sign3A_531 : vector<192x512xi1> to vector<192x512xi32>
    %sign3A_533 = arith.constant 0 : i32
    %sign3A_534 = vector.broadcast %sign3A_533 : i32 to vector<192x512xi32>
    %sign3A_535 = arith.cmpi slt, %iota3A_525, %sign3A_534 : vector<192x512xi32>
    %sign3A_536 = arith.extui %sign3A_535 : vector<192x512xi1> to vector<192x512xi32>
    %sign3A_537 = arith.subi %sign3A_532, %sign3A_536 : vector<192x512xi32>
    %sign3A_538 = arith.constant 0 : i32
    %sign3A_539 = arith.cmpi sgt, %jit3A_526, %sign3A_538 : i32
    %sign3A_540 = arith.extui %sign3A_539 : i1 to i32
    %sign3A_541 = arith.constant 0 : i32
    %sign3A_542 = arith.cmpi slt, %jit3A_526, %sign3A_541 : i32
    %sign3A_543 = arith.extui %sign3A_542 : i1 to i32
    %sign3A_544 = arith.subi %sign3A_540, %sign3A_543 : i32
    %ne3A_545 = vector.broadcast %sign3A_544 : i32 to vector<192x512xi32>
    %ne3A_546 = arith.cmpi ne, %sign3A_537, %ne3A_545 : vector<192x512xi32>
    %rem3A_547 = vector.broadcast %jit3A_526 : i32 to vector<192x512xi32>
    %rem3A_548 = arith.remsi %iota3A_525, %rem3A_547 : vector<192x512xi32>
    %ne3A_549 = arith.constant 0 : i32
    %ne3A_550 = vector.broadcast %ne3A_549 : i32 to vector<192x512xi32>
    %ne3A_551 = arith.cmpi ne, %rem3A_548, %ne3A_550 : vector<192x512xi32>
    %and3A_552 = arith.andi %ne3A_546, %ne3A_551 : vector<192x512xi1>
    %sub3A_553 = arith.constant 1 : i32
    %sub3A_554 = vector.broadcast %sub3A_553 : i32 to vector<192x512xi32>
    %sub3A_555 = arith.subi %div3A_528, %sub3A_554 : vector<192x512xi32>
    %select_n3A_556 = arith.select %and3A_552, %sub3A_555, %div3A_528 : vector<192x512xi1>, vector<192x512xi32>
    %eq3A_557 = vector.broadcast %broadcast_in_dim3A_524 : vector<192x1xi32> to vector<192x512xi32>
    %eq3A_558 = arith.cmpi eq, %select_n3A_556, %eq3A_557 : vector<192x512xi32>
    %convert_element_type3A_559 = arith.extui %eq3A_558 : vector<192x512xi1> to vector<192x512xi32>
    %convert_element_type3A_560 = arith.sitofp %convert_element_type3A_559 : vector<192x512xi32> to vector<192x512xf32>
    %get3A_561 = arith.constant 2 : index
    %get3A_562 = arith.constant 0 : index
    %get3A_563 = arith.constant 0 : index
    %get3A_564 = vector.load %arg8[%get3A_561, %get3A_562, %get3A_563] : memref<8x64x512xbf16, #tpu.memory_space<vmem>>, vector<1x64x512xbf16>
    %get3A_565 = vector.shape_cast %get3A_564 : vector<1x64x512xbf16> to vector<64x512xbf16>
    %convert_element_type3A_566 = arith.truncf %transpose3A_449 : vector<192x64xf32> to vector<192x64xbf16>
    %dot_general3A_567 = arith.constant dense<0.000000e+00> : vector<192x512xf32>
    %dot_general3A_568 = tpu.matmul %convert_element_type3A_566, %get3A_565, %dot_general3A_567 {dimension_numbers = #tpu.dot_dimension_numbers<[1], [0], [0], [1], [0, 0, 1, 1], [], []>, transpose_lhs_hint = false} : vector<192x64xbf16>, vector<64x512xbf16>, vector<192x512xf32> -> vector<192x512xf32>
    %get3A_569 = arith.constant 2 : index
    %get3A_570 = arith.constant 0 : index
    %get3A_571 = vector.load %arg9[%get3A_569, %get3A_570] : memref<8x512xf32, #tpu.memory_space<vmem>>, vector<1x512xf32>
    %get3A_572 = vector.shape_cast %get3A_571 : vector<1x512xf32> to vector<512xf32>
    %broadcast_in_dim3A_573 = vector.shape_cast %get3A_572 : vector<512xf32> to vector<1x512xf32>
    %add3A_574 = vector.broadcast %broadcast_in_dim3A_573 : vector<1x512xf32> to vector<192x512xf32>
    %add3A_575 = arith.addf %dot_general3A_568, %add3A_574 : vector<192x512xf32>
    %mul3A_576 = arith.mulf %add3A_575, %convert_element_type3A_560 : vector<192x512xf32>
    %get3A_577 = arith.constant 0 : index
    %get3A_578 = arith.constant 0 : index
    %get3A_579 = vector.load %arg14[%get3A_577, %get3A_578] : memref<2048x32xbf16, #tpu.memory_space<vmem>>, vector<512x32xbf16>
    %convert_element_type3A_580 = arith.truncf %mul3A_576 : vector<192x512xf32> to vector<192x512xbf16>
    %convert_element_type3A_581 = arith.extf %convert_element_type3A_580 : vector<192x512xbf16> to vector<192x512xf32>
    %sub3A_582 = arith.subf %mul3A_576, %convert_element_type3A_581 : vector<192x512xf32>
    %convert_element_type3A_583 = arith.truncf %sub3A_582 : vector<192x512xf32> to vector<192x512xbf16>
    %dot_general3A_584 = arith.constant dense<0.000000e+00> : vector<192x32xf32>
    %dot_general3A_585 = tpu.matmul %convert_element_type3A_580, %get3A_579, %dot_general3A_584 {dimension_numbers = #tpu.dot_dimension_numbers<[1], [0], [0], [1], [0, 0, 1, 1], [], []>, transpose_lhs_hint = false} : vector<192x512xbf16>, vector<512x32xbf16>, vector<192x32xf32> -> vector<192x32xf32>
    %dot_general3A_586 = arith.constant dense<0.000000e+00> : vector<192x32xf32>
    %dot_general3A_587 = tpu.matmul %convert_element_type3A_583, %get3A_579, %dot_general3A_586 {dimension_numbers = #tpu.dot_dimension_numbers<[1], [0], [0], [1], [0, 0, 1, 1], [], []>, transpose_lhs_hint = false} : vector<192x512xbf16>, vector<512x32xbf16>, vector<192x32xf32> -> vector<192x32xf32>
    %add3A_588 = arith.addf %dot_general3A_585, %dot_general3A_587 : vector<192x32xf32>
    %ge3A_589 = arith.constant 0.000000e+00 : f32
    %ge3A_590 = vector.broadcast %ge3A_589 : f32 to vector<192x32xf32>
    %ge3A_591 = arith.cmpf oge, %add3A_588, %ge3A_590 : vector<192x32xf32>
    %mul3A_592 = arith.constant 0.00999999977 : f32
    %mul3A_593 = vector.broadcast %mul3A_592 : f32 to vector<192x32xf32>
    %mul3A_594 = arith.mulf %mul3A_593, %add3A_588 : vector<192x32xf32>
    %select_n3A_595 = arith.select %ge3A_591, %add3A_588, %mul3A_594 : vector<192x32xi1>, vector<192x32xf32>
    %get3A_596 = arith.constant 2 : index
    %get3A_597 = arith.constant 0 : index
    %get3A_598 = arith.constant 0 : index
    %get3A_599 = vector.load %arg10[%get3A_596, %get3A_597, %get3A_598] : memref<8x32x512xbf16, #tpu.memory_space<vmem>>, vector<1x32x512xbf16>
    %get3A_600 = vector.shape_cast %get3A_599 : vector<1x32x512xbf16> to vector<32x512xbf16>
    %convert_element_type3A_601 = arith.truncf %select_n3A_595 : vector<192x32xf32> to vector<192x32xbf16>
    %dot_general3A_602 = arith.constant dense<0.000000e+00> : vector<192x512xf32>
    %dot_general3A_603 = tpu.matmul %convert_element_type3A_601, %get3A_600, %dot_general3A_602 {dimension_numbers = #tpu.dot_dimension_numbers<[1], [0], [0], [1], [0, 0, 1, 1], [], []>, transpose_lhs_hint = false} : vector<192x32xbf16>, vector<32x512xbf16>, vector<192x512xf32> -> vector<192x512xf32>
    %get3A_604 = arith.constant 2 : index
    %get3A_605 = arith.constant 0 : index
    %get3A_606 = vector.load %arg11[%get3A_604, %get3A_605] : memref<8x512xf32, #tpu.memory_space<vmem>>, vector<1x512xf32>
    %get3A_607 = vector.shape_cast %get3A_606 : vector<1x512xf32> to vector<512xf32>
    %broadcast_in_dim3A_608 = vector.shape_cast %get3A_607 : vector<512xf32> to vector<1x512xf32>
    %add3A_609 = vector.broadcast %broadcast_in_dim3A_608 : vector<1x512xf32> to vector<192x512xf32>
    %add3A_610 = arith.addf %dot_general3A_603, %add3A_609 : vector<192x512xf32>
    %mul3A_611 = arith.mulf %add3A_610, %convert_element_type3A_560 : vector<192x512xf32>
    %get3A_612 = arith.constant 0 : index
    %get3A_613 = arith.constant 0 : index
    %get3A_614 = vector.load %arg14[%get3A_612, %get3A_613] : memref<2048x32xbf16, #tpu.memory_space<vmem>>, vector<512x32xbf16>
    %convert_element_type3A_615 = arith.truncf %mul3A_611 : vector<192x512xf32> to vector<192x512xbf16>
    %convert_element_type3A_616 = arith.extf %convert_element_type3A_615 : vector<192x512xbf16> to vector<192x512xf32>
    %sub3A_617 = arith.subf %mul3A_611, %convert_element_type3A_616 : vector<192x512xf32>
    %convert_element_type3A_618 = arith.truncf %sub3A_617 : vector<192x512xf32> to vector<192x512xbf16>
    %dot_general3A_619 = arith.constant dense<0.000000e+00> : vector<192x32xf32>
    %dot_general3A_620 = tpu.matmul %convert_element_type3A_615, %get3A_614, %dot_general3A_619 {dimension_numbers = #tpu.dot_dimension_numbers<[1], [0], [0], [1], [0, 0, 1, 1], [], []>, transpose_lhs_hint = false} : vector<192x512xbf16>, vector<512x32xbf16>, vector<192x32xf32> -> vector<192x32xf32>
    %dot_general3A_621 = arith.constant dense<0.000000e+00> : vector<192x32xf32>
    %dot_general3A_622 = tpu.matmul %convert_element_type3A_618, %get3A_614, %dot_general3A_621 {dimension_numbers = #tpu.dot_dimension_numbers<[1], [0], [0], [1], [0, 0, 1, 1], [], []>, transpose_lhs_hint = false} : vector<192x512xbf16>, vector<512x32xbf16>, vector<192x32xf32> -> vector<192x32xf32>
    %add3A_623 = arith.addf %dot_general3A_620, %dot_general3A_622 : vector<192x32xf32>
    %ge3A_624 = arith.constant 0.000000e+00 : f32
    %ge3A_625 = vector.broadcast %ge3A_624 : f32 to vector<192x32xf32>
    %ge3A_626 = arith.cmpf oge, %add3A_623, %ge3A_625 : vector<192x32xf32>
    %mul3A_627 = arith.constant 0.00999999977 : f32
    %mul3A_628 = vector.broadcast %mul3A_627 : f32 to vector<192x32xf32>
    %mul3A_629 = arith.mulf %mul3A_628, %add3A_623 : vector<192x32xf32>
    %select_n3A_630 = arith.select %ge3A_626, %add3A_623, %mul3A_629 : vector<192x32xi1>, vector<192x32xf32>
    %get3A_631 = arith.constant 2 : index
    %get3A_632 = arith.constant 0 : index
    %get3A_633 = arith.constant 0 : index
    %get3A_634 = vector.load %arg12[%get3A_631, %get3A_632, %get3A_633] : memref<8x32x512xbf16, #tpu.memory_space<vmem>>, vector<1x32x512xbf16>
    %get3A_635 = vector.shape_cast %get3A_634 : vector<1x32x512xbf16> to vector<32x512xbf16>
    %convert_element_type3A_636 = arith.truncf %select_n3A_630 : vector<192x32xf32> to vector<192x32xbf16>
    %dot_general3A_637 = arith.constant dense<0.000000e+00> : vector<192x512xf32>
    %dot_general3A_638 = tpu.matmul %convert_element_type3A_636, %get3A_635, %dot_general3A_637 {dimension_numbers = #tpu.dot_dimension_numbers<[1], [0], [0], [1], [0, 0, 1, 1], [], []>, transpose_lhs_hint = false} : vector<192x32xbf16>, vector<32x512xbf16>, vector<192x512xf32> -> vector<192x512xf32>
    %get3A_639 = arith.constant 2 : index
    %get3A_640 = arith.constant 0 : index
    %get3A_641 = vector.load %arg13[%get3A_639, %get3A_640] : memref<8x512xf32, #tpu.memory_space<vmem>>, vector<1x512xf32>
    %get3A_642 = vector.shape_cast %get3A_641 : vector<1x512xf32> to vector<512xf32>
    %broadcast_in_dim3A_643 = vector.shape_cast %get3A_642 : vector<512xf32> to vector<1x512xf32>
    %add3A_644 = vector.broadcast %broadcast_in_dim3A_643 : vector<1x512xf32> to vector<192x512xf32>
    %add3A_645 = arith.addf %dot_general3A_638, %add3A_644 : vector<192x512xf32>
    %jit3A_646 = arith.constant 0xFF800000 : f32
    %broadcast_in_dim3A_647 = vector.broadcast %jit3A_646 : f32 to vector<192x512xf32>
    %select_n3A_648 = arith.select %eq3A_558, %add3A_645, %broadcast_in_dim3A_647 : vector<192x512xi1>, vector<192x512xf32>
    %reduce_max3A_649 = arith.constant dense<0xFF800000> : vector<192xf32>
    %reduce_max3A_650 = vector.multi_reduction <maximumf>, %select_n3A_648, %reduce_max3A_649 [1] : vector<192x512xf32> to vector<192xf32>
    %broadcast_in_dim3A_651 = vector.shape_cast %reduce_max3A_650 : vector<192xf32> to vector<192x1xf32>
    %iota3A_652 = tpu.iota {dimensions = array<i32: 1>} : vector<192x512xi32>
    %eq3A_653 = vector.broadcast %broadcast_in_dim3A_651 : vector<192x1xf32> to vector<192x512xf32>
    %eq3A_654 = arith.cmpf oeq, %select_n3A_648, %eq3A_653 : vector<192x512xf32>
    %jit3A_655 = arith.constant 1073741824 : i32
    %broadcast_in_dim3A_656 = vector.broadcast %jit3A_655 : i32 to vector<192x512xi32>
    %select_n3A_657 = arith.select %eq3A_654, %iota3A_652, %broadcast_in_dim3A_656 : vector<192x512xi1>, vector<192x512xi32>
    %reduce_min3A_658 = arith.constant dense<2147483647> : vector<192xi32>
    %reduce_min3A_659 = vector.multi_reduction <minsi>, %select_n3A_657, %reduce_min3A_658 [1] : vector<192x512xi32> to vector<192xi32>
    %broadcast_in_dim3A_660 = vector.shape_cast %reduce_min3A_659 : vector<192xi32> to vector<192x1xi32>
    %mul3A_661 = arith.constant 32 : i32
    %mul3A_662 = vector.broadcast %mul3A_661 : i32 to vector<192x1xi32>
    %mul3A_663 = arith.muli %broadcast_in_dim3A_524, %mul3A_662 : vector<192x1xi32>
    %sub3A_664 = arith.subi %broadcast_in_dim3A_660, %mul3A_663 : vector<192x1xi32>
    %mul3A_665 = arith.constant 16 : i32
    %mul3A_666 = vector.broadcast %mul3A_665 : i32 to vector<192x1xi32>
    %mul3A_667 = arith.muli %broadcast_in_dim3A_524, %mul3A_666 : vector<192x1xi32>
    %add3A_668 = arith.addi %mul3A_667, %sub3A_664 : vector<192x1xi32>
    %sub3A_669 = arith.constant 8 : i32
    %sub3A_670 = vector.broadcast %sub3A_669 : i32 to vector<192x1xi32>
    %sub3A_671 = arith.subi %add3A_668, %sub3A_670 : vector<192x1xi32>
    %swap3A_672 = arith.constant 384 : index
    %swap3A_673 = arith.constant 0 : index
    %swap3A_674 = vector.load %arg16[%swap3A_672, %swap3A_673] : memref<1536x1xi32, #tpu.memory_space<vmem>>, vector<192x1xi32>
    tpu.vector_store %arg16[%swap3A_672, %swap3A_673], %sub3A_671 {strides = array<i32>} : memref<1536x1xi32, #tpu.memory_space<vmem>>, vector<192x1xi32>,
    %get3A_675 = arith.constant 0 : index
    %get3A_676 = arith.constant 0 : index
    %get3A_677 = arith.constant 3 : index
    %get3A_678 = arith.constant 0 : index
    %get3A_679 = vector.load %arg1[%get3A_675, %get3A_676, %get3A_677, %get3A_678] : memref<1x64x8x192xf32, #tpu.memory_space<vmem>>, vector<1x64x1x192xf32>
    %get3A_680 = vector.shape_cast %get3A_679 : vector<1x64x1x192xf32> to vector<64x192xf32>
    %transpose3A_681 = tpu.transpose %get3A_680, [1, 0] : vector<64x192xf32> -> vector<192x64xf32>
    %convert_element_type3A_682 = arith.truncf %transpose3A_681 : vector<192x64xf32> to vector<192x64xbf16>
    %swap3A_683 = arith.constant 576 : index
    %swap3A_684 = arith.constant 0 : index
    %swap3A_685 = vector.load %arg15[%swap3A_683, %swap3A_684] : memref<1536x64xbf16, #tpu.memory_space<vmem>>, vector<192x64xbf16>
    tpu.vector_store %arg15[%swap3A_683, %swap3A_684], %convert_element_type3A_682 {strides = array<i32>} : memref<1536x64xbf16, #tpu.memory_space<vmem>>, vector<192x64xbf16>,
    %get3A_686 = arith.constant 3 : index
    %get3A_687 = arith.constant 0 : index
    %get3A_688 = arith.constant 0 : index
    %get3A_689 = vector.load %arg2[%get3A_686, %get3A_687, %get3A_688] : memref<8x32x64xbf16, #tpu.memory_space<vmem>>, vector<1x32x64xbf16>
    %get3A_690 = vector.shape_cast %get3A_689 : vector<1x32x64xbf16> to vector<32x64xbf16>
    %convert_element_type3A_691 = arith.truncf %transpose3A_681 : vector<192x64xf32> to vector<192x64xbf16>
    %dot_general3A_692 = arith.constant dense<0.000000e+00> : vector<192x32xf32>
    %dot_general3A_693 = tpu.matmul %convert_element_type3A_691, %get3A_690, %dot_general3A_692 {dimension_numbers = #tpu.dot_dimension_numbers<[1], [1], [0], [0], [0, 0, 1, 0], [], []>, transpose_lhs_hint = false} : vector<192x64xbf16>, vector<32x64xbf16>, vector<192x32xf32> -> vector<192x32xf32>
    %get3A_694 = arith.constant 3 : index
    %get3A_695 = arith.constant 0 : index
    %get3A_696 = vector.load %arg3[%get3A_694, %get3A_695] : memref<8x32xf32, #tpu.memory_space<vmem>>, vector<1x32xf32>
    %get3A_697 = vector.shape_cast %get3A_696 : vector<1x32xf32> to vector<32xf32>
    %broadcast_in_dim3A_698 = vector.shape_cast %get3A_697 : vector<32xf32> to vector<1x32xf32>
    %add3A_699 = vector.broadcast %broadcast_in_dim3A_698 : vector<1x32xf32> to vector<192x32xf32>
    %add3A_700 = arith.addf %dot_general3A_693, %add3A_699 : vector<192x32xf32>
    %ge3A_701 = arith.constant 0.000000e+00 : f32
    %ge3A_702 = vector.broadcast %ge3A_701 : f32 to vector<192x32xf32>
    %ge3A_703 = arith.cmpf oge, %add3A_700, %ge3A_702 : vector<192x32xf32>
    %mul3A_704 = arith.constant 0.00999999977 : f32
    %mul3A_705 = vector.broadcast %mul3A_704 : f32 to vector<192x32xf32>
    %mul3A_706 = arith.mulf %mul3A_705, %add3A_700 : vector<192x32xf32>
    %select_n3A_707 = arith.select %ge3A_703, %add3A_700, %mul3A_706 : vector<192x32xi1>, vector<192x32xf32>
    %get3A_708 = arith.constant 3 : index
    %get3A_709 = arith.constant 0 : index
    %get3A_710 = arith.constant 0 : index
    %get3A_711 = vector.load %arg4[%get3A_708, %get3A_709, %get3A_710] : memref<8x32x32xbf16, #tpu.memory_space<vmem>>, vector<1x32x32xbf16>
    %get3A_712 = vector.shape_cast %get3A_711 : vector<1x32x32xbf16> to vector<32x32xbf16>
    %convert_element_type3A_713 = arith.truncf %select_n3A_707 : vector<192x32xf32> to vector<192x32xbf16>
    %dot_general3A_714 = arith.constant dense<0.000000e+00> : vector<192x32xf32>
    %dot_general3A_715 = tpu.matmul %convert_element_type3A_713, %get3A_712, %dot_general3A_714 {dimension_numbers = #tpu.dot_dimension_numbers<[1], [1], [0], [0], [0, 0, 1, 0], [], []>, transpose_lhs_hint = false} : vector<192x32xbf16>, vector<32x32xbf16>, vector<192x32xf32> -> vector<192x32xf32>
    %get3A_716 = arith.constant 3 : index
    %get3A_717 = arith.constant 0 : index
    %get3A_718 = vector.load %arg5[%get3A_716, %get3A_717] : memref<8x32xf32, #tpu.memory_space<vmem>>, vector<1x32xf32>
    %get3A_719 = vector.shape_cast %get3A_718 : vector<1x32xf32> to vector<32xf32>
    %broadcast_in_dim3A_720 = vector.shape_cast %get3A_719 : vector<32xf32> to vector<1x32xf32>
    %add3A_721 = vector.broadcast %broadcast_in_dim3A_720 : vector<1x32xf32> to vector<192x32xf32>
    %add3A_722 = arith.addf %dot_general3A_715, %add3A_721 : vector<192x32xf32>
    %ge3A_723 = arith.constant 0.000000e+00 : f32
    %ge3A_724 = vector.broadcast %ge3A_723 : f32 to vector<192x32xf32>
    %ge3A_725 = arith.cmpf oge, %add3A_722, %ge3A_724 : vector<192x32xf32>
    %mul3A_726 = arith.constant 0.00999999977 : f32
    %mul3A_727 = vector.broadcast %mul3A_726 : f32 to vector<192x32xf32>
    %mul3A_728 = arith.mulf %mul3A_727, %add3A_722 : vector<192x32xf32>
    %select_n3A_729 = arith.select %ge3A_725, %add3A_722, %mul3A_728 : vector<192x32xi1>, vector<192x32xf32>
    %get3A_730 = arith.constant 3 : index
    %get3A_731 = arith.constant 0 : index
    %get3A_732 = arith.constant 0 : index
    %get3A_733 = vector.load %arg6[%get3A_730, %get3A_731, %get3A_732] : memref<8x16x32xbf16, #tpu.memory_space<vmem>>, vector<1x16x32xbf16>
    %get3A_734 = vector.shape_cast %get3A_733 : vector<1x16x32xbf16> to vector<16x32xbf16>
    %convert_element_type3A_735 = arith.truncf %select_n3A_729 : vector<192x32xf32> to vector<192x32xbf16>
    %dot_general3A_736 = arith.constant dense<0.000000e+00> : vector<192x16xf32>
    %dot_general3A_737 = tpu.matmul %convert_element_type3A_735, %get3A_734, %dot_general3A_736 {dimension_numbers = #tpu.dot_dimension_numbers<[1], [1], [0], [0], [0, 0, 1, 0], [], []>, transpose_lhs_hint = false} : vector<192x32xbf16>, vector<16x32xbf16>, vector<192x16xf32> -> vector<192x16xf32>
    %get3A_738 = arith.constant 3 : index
    %get3A_739 = arith.constant 0 : index
    %get3A_740 = vector.load %arg7[%get3A_738, %get3A_739] : memref<8x16xf32, #tpu.memory_space<vmem>>, vector<1x16xf32>
    %get3A_741 = vector.shape_cast %get3A_740 : vector<1x16xf32> to vector<16xf32>
    %broadcast_in_dim3A_742 = vector.shape_cast %get3A_741 : vector<16xf32> to vector<1x16xf32>
    %add3A_743 = vector.broadcast %broadcast_in_dim3A_742 : vector<1x16xf32> to vector<192x16xf32>
    %add3A_744 = arith.addf %dot_general3A_737, %add3A_743 : vector<192x16xf32>
    %reduce_max3A_745 = arith.constant dense<0xFF800000> : vector<192xf32>
    %reduce_max3A_746 = vector.multi_reduction <maximumf>, %add3A_744, %reduce_max3A_745 [1] : vector<192x16xf32> to vector<192xf32>
    %broadcast_in_dim3A_747 = vector.shape_cast %reduce_max3A_746 : vector<192xf32> to vector<192x1xf32>
    %iota3A_748 = tpu.iota {dimensions = array<i32: 1>} : vector<192x16xi32>
    %eq3A_749 = vector.broadcast %broadcast_in_dim3A_747 : vector<192x1xf32> to vector<192x16xf32>
    %eq3A_750 = arith.cmpf oeq, %add3A_744, %eq3A_749 : vector<192x16xf32>
    %jit3A_751 = arith.constant 1073741824 : i32
    %broadcast_in_dim3A_752 = vector.broadcast %jit3A_751 : i32 to vector<192x16xi32>
    %select_n3A_753 = arith.select %eq3A_750, %iota3A_748, %broadcast_in_dim3A_752 : vector<192x16xi1>, vector<192x16xi32>
    %reduce_min3A_754 = arith.constant dense<2147483647> : vector<192xi32>
    %reduce_min3A_755 = vector.multi_reduction <minsi>, %select_n3A_753, %reduce_min3A_754 [1] : vector<192x16xi32> to vector<192xi32>
    %broadcast_in_dim3A_756 = vector.shape_cast %reduce_min3A_755 : vector<192xi32> to vector<192x1xi32>
    %iota3A_757 = tpu.iota {dimensions = array<i32: 1>} : vector<192x512xi32>
    %jit3A_758 = arith.constant 32 : i32
    %div3A_759 = vector.broadcast %jit3A_758 : i32 to vector<192x512xi32>
    %div3A_760 = arith.divsi %iota3A_757, %div3A_759 : vector<192x512xi32>
    %sign3A_761 = arith.constant 0 : i32
    %sign3A_762 = vector.broadcast %sign3A_761 : i32 to vector<192x512xi32>
    %sign3A_763 = arith.cmpi sgt, %iota3A_757, %sign3A_762 : vector<192x512xi32>
    %sign3A_764 = arith.extui %sign3A_763 : vector<192x512xi1> to vector<192x512xi32>
    %sign3A_765 = arith.constant 0 : i32
    %sign3A_766 = vector.broadcast %sign3A_765 : i32 to vector<192x512xi32>
    %sign3A_767 = arith.cmpi slt, %iota3A_757, %sign3A_766 : vector<192x512xi32>
    %sign3A_768 = arith.extui %sign3A_767 : vector<192x512xi1> to vector<192x512xi32>
    %sign3A_769 = arith.subi %sign3A_764, %sign3A_768 : vector<192x512xi32>
    %sign3A_770 = arith.constant 0 : i32
    %sign3A_771 = arith.cmpi sgt, %jit3A_758, %sign3A_770 : i32
    %sign3A_772 = arith.extui %sign3A_771 : i1 to i32
    %sign3A_773 = arith.constant 0 : i32
    %sign3A_774 = arith.cmpi slt, %jit3A_758, %sign3A_773 : i32
    %sign3A_775 = arith.extui %sign3A_774 : i1 to i32
    %sign3A_776 = arith.subi %sign3A_772, %sign3A_775 : i32
    %ne3A_777 = vector.broadcast %sign3A_776 : i32 to vector<192x512xi32>
    %ne3A_778 = arith.cmpi ne, %sign3A_769, %ne3A_777 : vector<192x512xi32>
    %rem3A_779 = vector.broadcast %jit3A_758 : i32 to vector<192x512xi32>
    %rem3A_780 = arith.remsi %iota3A_757, %rem3A_779 : vector<192x512xi32>
    %ne3A_781 = arith.constant 0 : i32
    %ne3A_782 = vector.broadcast %ne3A_781 : i32 to vector<192x512xi32>
    %ne3A_783 = arith.cmpi ne, %rem3A_780, %ne3A_782 : vector<192x512xi32>
    %and3A_784 = arith.andi %ne3A_778, %ne3A_783 : vector<192x512xi1>
    %sub3A_785 = arith.constant 1 : i32
    %sub3A_786 = vector.broadcast %sub3A_785 : i32 to vector<192x512xi32>
    %sub3A_787 = arith.subi %div3A_760, %sub3A_786 : vector<192x512xi32>
    %select_n3A_788 = arith.select %and3A_784, %sub3A_787, %div3A_760 : vector<192x512xi1>, vector<192x512xi32>
    %eq3A_789 = vector.broadcast %broadcast_in_dim3A_756 : vector<192x1xi32> to vector<192x512xi32>
    %eq3A_790 = arith.cmpi eq, %select_n3A_788, %eq3A_789 : vector<192x512xi32>
    %convert_element_type3A_791 = arith.extui %eq3A_790 : vector<192x512xi1> to vector<192x512xi32>
    %convert_element_type3A_792 = arith.sitofp %convert_element_type3A_791 : vector<192x512xi32> to vector<192x512xf32>
    %get3A_793 = arith.constant 3 : index
    %get3A_794 = arith.constant 0 : index
    %get3A_795 = arith.constant 0 : index
    %get3A_796 = vector.load %arg8[%get3A_793, %get3A_794, %get3A_795] : memref<8x64x512xbf16, #tpu.memory_space<vmem>>, vector<1x64x512xbf16>
    %get3A_797 = vector.shape_cast %get3A_796 : vector<1x64x512xbf16> to vector<64x512xbf16>
    %convert_element_type3A_798 = arith.truncf %transpose3A_681 : vector<192x64xf32> to vector<192x64xbf16>
    %dot_general3A_799 = arith.constant dense<0.000000e+00> : vector<192x512xf32>
    %dot_general3A_800 = tpu.matmul %convert_element_type3A_798, %get3A_797, %dot_general3A_799 {dimension_numbers = #tpu.dot_dimension_numbers<[1], [0], [0], [1], [0, 0, 1, 1], [], []>, transpose_lhs_hint = false} : vector<192x64xbf16>, vector<64x512xbf16>, vector<192x512xf32> -> vector<192x512xf32>
    %get3A_801 = arith.constant 3 : index
    %get3A_802 = arith.constant 0 : index
    %get3A_803 = vector.load %arg9[%get3A_801, %get3A_802] : memref<8x512xf32, #tpu.memory_space<vmem>>, vector<1x512xf32>
    %get3A_804 = vector.shape_cast %get3A_803 : vector<1x512xf32> to vector<512xf32>
    %broadcast_in_dim3A_805 = vector.shape_cast %get3A_804 : vector<512xf32> to vector<1x512xf32>
    %add3A_806 = vector.broadcast %broadcast_in_dim3A_805 : vector<1x512xf32> to vector<192x512xf32>
    %add3A_807 = arith.addf %dot_general3A_800, %add3A_806 : vector<192x512xf32>
    %mul3A_808 = arith.mulf %add3A_807, %convert_element_type3A_792 : vector<192x512xf32>
    %get3A_809 = arith.constant 0 : index
    %get3A_810 = arith.constant 0 : index
    %get3A_811 = vector.load %arg14[%get3A_809, %get3A_810] : memref<2048x32xbf16, #tpu.memory_space<vmem>>, vector<512x32xbf16>
    %convert_element_type3A_812 = arith.truncf %mul3A_808 : vector<192x512xf32> to vector<192x512xbf16>
    %convert_element_type3A_813 = arith.extf %convert_element_type3A_812 : vector<192x512xbf16> to vector<192x512xf32>
    %sub3A_814 = arith.subf %mul3A_808, %convert_element_type3A_813 : vector<192x512xf32>
    %convert_element_type3A_815 = arith.truncf %sub3A_814 : vector<192x512xf32> to vector<192x512xbf16>
    %dot_general3A_816 = arith.constant dense<0.000000e+00> : vector<192x32xf32>
    %dot_general3A_817 = tpu.matmul %convert_element_type3A_812, %get3A_811, %dot_general3A_816 {dimension_numbers = #tpu.dot_dimension_numbers<[1], [0], [0], [1], [0, 0, 1, 1], [], []>, transpose_lhs_hint = false} : vector<192x512xbf16>, vector<512x32xbf16>, vector<192x32xf32> -> vector<192x32xf32>
    %dot_general3A_818 = arith.constant dense<0.000000e+00> : vector<192x32xf32>
    %dot_general3A_819 = tpu.matmul %convert_element_type3A_815, %get3A_811, %dot_general3A_818 {dimension_numbers = #tpu.dot_dimension_numbers<[1], [0], [0], [1], [0, 0, 1, 1], [], []>, transpose_lhs_hint = false} : vector<192x512xbf16>, vector<512x32xbf16>, vector<192x32xf32> -> vector<192x32xf32>
    %add3A_820 = arith.addf %dot_general3A_817, %dot_general3A_819 : vector<192x32xf32>
    %ge3A_821 = arith.constant 0.000000e+00 : f32
    %ge3A_822 = vector.broadcast %ge3A_821 : f32 to vector<192x32xf32>
    %ge3A_823 = arith.cmpf oge, %add3A_820, %ge3A_822 : vector<192x32xf32>
    %mul3A_824 = arith.constant 0.00999999977 : f32
    %mul3A_825 = vector.broadcast %mul3A_824 : f32 to vector<192x32xf32>
    %mul3A_826 = arith.mulf %mul3A_825, %add3A_820 : vector<192x32xf32>
    %select_n3A_827 = arith.select %ge3A_823, %add3A_820, %mul3A_826 : vector<192x32xi1>, vector<192x32xf32>
    %get3A_828 = arith.constant 3 : index
    %get3A_829 = arith.constant 0 : index
    %get3A_830 = arith.constant 0 : index
    %get3A_831 = vector.load %arg10[%get3A_828, %get3A_829, %get3A_830] : memref<8x32x512xbf16, #tpu.memory_space<vmem>>, vector<1x32x512xbf16>
    %get3A_832 = vector.shape_cast %get3A_831 : vector<1x32x512xbf16> to vector<32x512xbf16>
    %convert_element_type3A_833 = arith.truncf %select_n3A_827 : vector<192x32xf32> to vector<192x32xbf16>
    %dot_general3A_834 = arith.constant dense<0.000000e+00> : vector<192x512xf32>
    %dot_general3A_835 = tpu.matmul %convert_element_type3A_833, %get3A_832, %dot_general3A_834 {dimension_numbers = #tpu.dot_dimension_numbers<[1], [0], [0], [1], [0, 0, 1, 1], [], []>, transpose_lhs_hint = false} : vector<192x32xbf16>, vector<32x512xbf16>, vector<192x512xf32> -> vector<192x512xf32>
    %get3A_836 = arith.constant 3 : index
    %get3A_837 = arith.constant 0 : index
    %get3A_838 = vector.load %arg11[%get3A_836, %get3A_837] : memref<8x512xf32, #tpu.memory_space<vmem>>, vector<1x512xf32>
    %get3A_839 = vector.shape_cast %get3A_838 : vector<1x512xf32> to vector<512xf32>
    %broadcast_in_dim3A_840 = vector.shape_cast %get3A_839 : vector<512xf32> to vector<1x512xf32>
    %add3A_841 = vector.broadcast %broadcast_in_dim3A_840 : vector<1x512xf32> to vector<192x512xf32>
    %add3A_842 = arith.addf %dot_general3A_835, %add3A_841 : vector<192x512xf32>
    %mul3A_843 = arith.mulf %add3A_842, %convert_element_type3A_792 : vector<192x512xf32>
    %get3A_844 = arith.constant 0 : index
    %get3A_845 = arith.constant 0 : index
    %get3A_846 = vector.load %arg14[%get3A_844, %get3A_845] : memref<2048x32xbf16, #tpu.memory_space<vmem>>, vector<512x32xbf16>
    %convert_element_type3A_847 = arith.truncf %mul3A_843 : vector<192x512xf32> to vector<192x512xbf16>
    %convert_element_type3A_848 = arith.extf %convert_element_type3A_847 : vector<192x512xbf16> to vector<192x512xf32>
    %sub3A_849 = arith.subf %mul3A_843, %convert_element_type3A_848 : vector<192x512xf32>
    %convert_element_type3A_850 = arith.truncf %sub3A_849 : vector<192x512xf32> to vector<192x512xbf16>
    %dot_general3A_851 = arith.constant dense<0.000000e+00> : vector<192x32xf32>
    %dot_general3A_852 = tpu.matmul %convert_element_type3A_847, %get3A_846, %dot_general3A_851 {dimension_numbers = #tpu.dot_dimension_numbers<[1], [0], [0], [1], [0, 0, 1, 1], [], []>, transpose_lhs_hint = false} : vector<192x512xbf16>, vector<512x32xbf16>, vector<192x32xf32> -> vector<192x32xf32>
    %dot_general3A_853 = arith.constant dense<0.000000e+00> : vector<192x32xf32>
    %dot_general3A_854 = tpu.matmul %convert_element_type3A_850, %get3A_846, %dot_general3A_853 {dimension_numbers = #tpu.dot_dimension_numbers<[1], [0], [0], [1], [0, 0, 1, 1], [], []>, transpose_lhs_hint = false} : vector<192x512xbf16>, vector<512x32xbf16>, vector<192x32xf32> -> vector<192x32xf32>
    %add3A_855 = arith.addf %dot_general3A_852, %dot_general3A_854 : vector<192x32xf32>
    %ge3A_856 = arith.constant 0.000000e+00 : f32
    %ge3A_857 = vector.broadcast %ge3A_856 : f32 to vector<192x32xf32>
    %ge3A_858 = arith.cmpf oge, %add3A_855, %ge3A_857 : vector<192x32xf32>
    %mul3A_859 = arith.constant 0.00999999977 : f32
    %mul3A_860 = vector.broadcast %mul3A_859 : f32 to vector<192x32xf32>
    %mul3A_861 = arith.mulf %mul3A_860, %add3A_855 : vector<192x32xf32>
    %select_n3A_862 = arith.select %ge3A_858, %add3A_855, %mul3A_861 : vector<192x32xi1>, vector<192x32xf32>
    %get3A_863 = arith.constant 3 : index
    %get3A_864 = arith.constant 0 : index
    %get3A_865 = arith.constant 0 : index
    %get3A_866 = vector.load %arg12[%get3A_863, %get3A_864, %get3A_865] : memref<8x32x512xbf16, #tpu.memory_space<vmem>>, vector<1x32x512xbf16>
    %get3A_867 = vector.shape_cast %get3A_866 : vector<1x32x512xbf16> to vector<32x512xbf16>
    %convert_element_type3A_868 = arith.truncf %select_n3A_862 : vector<192x32xf32> to vector<192x32xbf16>
    %dot_general3A_869 = arith.constant dense<0.000000e+00> : vector<192x512xf32>
    %dot_general3A_870 = tpu.matmul %convert_element_type3A_868, %get3A_867, %dot_general3A_869 {dimension_numbers = #tpu.dot_dimension_numbers<[1], [0], [0], [1], [0, 0, 1, 1], [], []>, transpose_lhs_hint = false} : vector<192x32xbf16>, vector<32x512xbf16>, vector<192x512xf32> -> vector<192x512xf32>
    %get3A_871 = arith.constant 3 : index
    %get3A_872 = arith.constant 0 : index
    %get3A_873 = vector.load %arg13[%get3A_871, %get3A_872] : memref<8x512xf32, #tpu.memory_space<vmem>>, vector<1x512xf32>
    %get3A_874 = vector.shape_cast %get3A_873 : vector<1x512xf32> to vector<512xf32>
    %broadcast_in_dim3A_875 = vector.shape_cast %get3A_874 : vector<512xf32> to vector<1x512xf32>
    %add3A_876 = vector.broadcast %broadcast_in_dim3A_875 : vector<1x512xf32> to vector<192x512xf32>
    %add3A_877 = arith.addf %dot_general3A_870, %add3A_876 : vector<192x512xf32>
    %jit3A_878 = arith.constant 0xFF800000 : f32
    %broadcast_in_dim3A_879 = vector.broadcast %jit3A_878 : f32 to vector<192x512xf32>
    %select_n3A_880 = arith.select %eq3A_790, %add3A_877, %broadcast_in_dim3A_879 : vector<192x512xi1>, vector<192x512xf32>
    %reduce_max3A_881 = arith.constant dense<0xFF800000> : vector<192xf32>
    %reduce_max3A_882 = vector.multi_reduction <maximumf>, %select_n3A_880, %reduce_max3A_881 [1] : vector<192x512xf32> to vector<192xf32>
    %broadcast_in_dim3A_883 = vector.shape_cast %reduce_max3A_882 : vector<192xf32> to vector<192x1xf32>
    %iota3A_884 = tpu.iota {dimensions = array<i32: 1>} : vector<192x512xi32>
    %eq3A_885 = vector.broadcast %broadcast_in_dim3A_883 : vector<192x1xf32> to vector<192x512xf32>
    %eq3A_886 = arith.cmpf oeq, %select_n3A_880, %eq3A_885 : vector<192x512xf32>
    %jit3A_887 = arith.constant 1073741824 : i32
    %broadcast_in_dim3A_888 = vector.broadcast %jit3A_887 : i32 to vector<192x512xi32>
    %select_n3A_889 = arith.select %eq3A_886, %iota3A_884, %broadcast_in_dim3A_888 : vector<192x512xi1>, vector<192x512xi32>
    %reduce_min3A_890 = arith.constant dense<2147483647> : vector<192xi32>
    %reduce_min3A_891 = vector.multi_reduction <minsi>, %select_n3A_889, %reduce_min3A_890 [1] : vector<192x512xi32> to vector<192xi32>
    %broadcast_in_dim3A_892 = vector.shape_cast %reduce_min3A_891 : vector<192xi32> to vector<192x1xi32>
    %mul3A_893 = arith.constant 32 : i32
    %mul3A_894 = vector.broadcast %mul3A_893 : i32 to vector<192x1xi32>
    %mul3A_895 = arith.muli %broadcast_in_dim3A_756, %mul3A_894 : vector<192x1xi32>
    %sub3A_896 = arith.subi %broadcast_in_dim3A_892, %mul3A_895 : vector<192x1xi32>
    %mul3A_897 = arith.constant 16 : i32
    %mul3A_898 = vector.broadcast %mul3A_897 : i32 to vector<192x1xi32>
    %mul3A_899 = arith.muli %broadcast_in_dim3A_756, %mul3A_898 : vector<192x1xi32>
    %add3A_900 = arith.addi %mul3A_899, %sub3A_896 : vector<192x1xi32>
    %sub3A_901 = arith.constant 8 : i32
    %sub3A_902 = vector.broadcast %sub3A_901 : i32 to vector<192x1xi32>
    %sub3A_903 = arith.subi %add3A_900, %sub3A_902 : vector<192x1xi32>
    %swap3A_904 = arith.constant 576 : index
    %swap3A_905 = arith.constant 0 : index
    %swap3A_906 = vector.load %arg16[%swap3A_904, %swap3A_905] : memref<1536x1xi32, #tpu.memory_space<vmem>>, vector<192x1xi32>
    tpu.vector_store %arg16[%swap3A_904, %swap3A_905], %sub3A_903 {strides = array<i32>} : memref<1536x1xi32, #tpu.memory_space<vmem>>, vector<192x1xi32>,
    %get3A_907 = arith.constant 0 : index
    %get3A_908 = arith.constant 0 : index
    %get3A_909 = arith.constant 4 : index
    %get3A_910 = arith.constant 0 : index
    %get3A_911 = vector.load %arg1[%get3A_907, %get3A_908, %get3A_909, %get3A_910] : memref<1x64x8x192xf32, #tpu.memory_space<vmem>>, vector<1x64x1x192xf32>
    %get3A_912 = vector.shape_cast %get3A_911 : vector<1x64x1x192xf32> to vector<64x192xf32>
    %transpose3A_913 = tpu.transpose %get3A_912, [1, 0] : vector<64x192xf32> -> vector<192x64xf32>
    %convert_element_type3A_914 = arith.truncf %transpose3A_913 : vector<192x64xf32> to vector<192x64xbf16>
    %swap3A_915 = arith.constant 768 : index
    %swap3A_916 = arith.constant 0 : index
    %swap3A_917 = vector.load %arg15[%swap3A_915, %swap3A_916] : memref<1536x64xbf16, #tpu.memory_space<vmem>>, vector<192x64xbf16>
    tpu.vector_store %arg15[%swap3A_915, %swap3A_916], %convert_element_type3A_914 {strides = array<i32>} : memref<1536x64xbf16, #tpu.memory_space<vmem>>, vector<192x64xbf16>,
    %get3A_918 = arith.constant 4 : index
    %get3A_919 = arith.constant 0 : index
    %get3A_920 = arith.constant 0 : index
    %get3A_921 = vector.load %arg2[%get3A_918, %get3A_919, %get3A_920] : memref<8x32x64xbf16, #tpu.memory_space<vmem>>, vector<1x32x64xbf16>
    %get3A_922 = vector.shape_cast %get3A_921 : vector<1x32x64xbf16> to vector<32x64xbf16>
    %convert_element_type3A_923 = arith.truncf %transpose3A_913 : vector<192x64xf32> to vector<192x64xbf16>
    %dot_general3A_924 = arith.constant dense<0.000000e+00> : vector<192x32xf32>
    %dot_general3A_925 = tpu.matmul %convert_element_type3A_923, %get3A_922, %dot_general3A_924 {dimension_numbers = #tpu.dot_dimension_numbers<[1], [1], [0], [0], [0, 0, 1, 0], [], []>, transpose_lhs_hint = false} : vector<192x64xbf16>, vector<32x64xbf16>, vector<192x32xf32> -> vector<192x32xf32>
    %get3A_926 = arith.constant 4 : index
    %get3A_927 = arith.constant 0 : index
    %get3A_928 = vector.load %arg3[%get3A_926, %get3A_927] : memref<8x32xf32, #tpu.memory_space<vmem>>, vector<1x32xf32>
    %get3A_929 = vector.shape_cast %get3A_928 : vector<1x32xf32> to vector<32xf32>
    %broadcast_in_dim3A_930 = vector.shape_cast %get3A_929 : vector<32xf32> to vector<1x32xf32>
    %add3A_931 = vector.broadcast %broadcast_in_dim3A_930 : vector<1x32xf32> to vector<192x32xf32>
    %add3A_932 = arith.addf %dot_general3A_925, %add3A_931 : vector<192x32xf32>
    %ge3A_933 = arith.constant 0.000000e+00 : f32
    %ge3A_934 = vector.broadcast %ge3A_933 : f32 to vector<192x32xf32>
    %ge3A_935 = arith.cmpf oge, %add3A_932, %ge3A_934 : vector<192x32xf32>
    %mul3A_936 = arith.constant 0.00999999977 : f32
    %mul3A_937 = vector.broadcast %mul3A_936 : f32 to vector<192x32xf32>
    %mul3A_938 = arith.mulf %mul3A_937, %add3A_932 : vector<192x32xf32>
    %select_n3A_939 = arith.select %ge3A_935, %add3A_932, %mul3A_938 : vector<192x32xi1>, vector<192x32xf32>
    %get3A_940 = arith.constant 4 : index
    %get3A_941 = arith.constant 0 : index
    %get3A_942 = arith.constant 0 : index
    %get3A_943 = vector.load %arg4[%get3A_940, %get3A_941, %get3A_942] : memref<8x32x32xbf16, #tpu.memory_space<vmem>>, vector<1x32x32xbf16>
    %get3A_944 = vector.shape_cast %get3A_943 : vector<1x32x32xbf16> to vector<32x32xbf16>
    %convert_element_type3A_945 = arith.truncf %select_n3A_939 : vector<192x32xf32> to vector<192x32xbf16>
    %dot_general3A_946 = arith.constant dense<0.000000e+00> : vector<192x32xf32>
    %dot_general3A_947 = tpu.matmul %convert_element_type3A_945, %get3A_944, %dot_general3A_946 {dimension_numbers = #tpu.dot_dimension_numbers<[1], [1], [0], [0], [0, 0, 1, 0], [], []>, transpose_lhs_hint = false} : vector<192x32xbf16>, vector<32x32xbf16>, vector<192x32xf32> -> vector<192x32xf32>
    %get3A_948 = arith.constant 4 : index
    %get3A_949 = arith.constant 0 : index
    %get3A_950 = vector.load %arg5[%get3A_948, %get3A_949] : memref<8x32xf32, #tpu.memory_space<vmem>>, vector<1x32xf32>
    %get3A_951 = vector.shape_cast %get3A_950 : vector<1x32xf32> to vector<32xf32>
    %broadcast_in_dim3A_952 = vector.shape_cast %get3A_951 : vector<32xf32> to vector<1x32xf32>
    %add3A_953 = vector.broadcast %broadcast_in_dim3A_952 : vector<1x32xf32> to vector<192x32xf32>
    %add3A_954 = arith.addf %dot_general3A_947, %add3A_953 : vector<192x32xf32>
    %ge3A_955 = arith.constant 0.000000e+00 : f32
    %ge3A_956 = vector.broadcast %ge3A_955 : f32 to vector<192x32xf32>
    %ge3A_957 = arith.cmpf oge, %add3A_954, %ge3A_956 : vector<192x32xf32>
    %mul3A_958 = arith.constant 0.00999999977 : f32
    %mul3A_959 = vector.broadcast %mul3A_958 : f32 to vector<192x32xf32>
    %mul3A_960 = arith.mulf %mul3A_959, %add3A_954 : vector<192x32xf32>
    %select_n3A_961 = arith.select %ge3A_957, %add3A_954, %mul3A_960 : vector<192x32xi1>, vector<192x32xf32>
    %get3A_962 = arith.constant 4 : index
    %get3A_963 = arith.constant 0 : index
    %get3A_964 = arith.constant 0 : index
    %get3A_965 = vector.load %arg6[%get3A_962, %get3A_963, %get3A_964] : memref<8x16x32xbf16, #tpu.memory_space<vmem>>, vector<1x16x32xbf16>
    %get3A_966 = vector.shape_cast %get3A_965 : vector<1x16x32xbf16> to vector<16x32xbf16>
    %convert_element_type3A_967 = arith.truncf %select_n3A_961 : vector<192x32xf32> to vector<192x32xbf16>
    %dot_general3A_968 = arith.constant dense<0.000000e+00> : vector<192x16xf32>
    %dot_general3A_969 = tpu.matmul %convert_element_type3A_967, %get3A_966, %dot_general3A_968 {dimension_numbers = #tpu.dot_dimension_numbers<[1], [1], [0], [0], [0, 0, 1, 0], [], []>, transpose_lhs_hint = false} : vector<192x32xbf16>, vector<16x32xbf16>, vector<192x16xf32> -> vector<192x16xf32>
    %get3A_970 = arith.constant 4 : index
    %get3A_971 = arith.constant 0 : index
    %get3A_972 = vector.load %arg7[%get3A_970, %get3A_971] : memref<8x16xf32, #tpu.memory_space<vmem>>, vector<1x16xf32>
    %get3A_973 = vector.shape_cast %get3A_972 : vector<1x16xf32> to vector<16xf32>
    %broadcast_in_dim3A_974 = vector.shape_cast %get3A_973 : vector<16xf32> to vector<1x16xf32>
    %add3A_975 = vector.broadcast %broadcast_in_dim3A_974 : vector<1x16xf32> to vector<192x16xf32>
    %add3A_976 = arith.addf %dot_general3A_969, %add3A_975 : vector<192x16xf32>
    %reduce_max3A_977 = arith.constant dense<0xFF800000> : vector<192xf32>
    %reduce_max3A_978 = vector.multi_reduction <maximumf>, %add3A_976, %reduce_max3A_977 [1] : vector<192x16xf32> to vector<192xf32>
    %broadcast_in_dim3A_979 = vector.shape_cast %reduce_max3A_978 : vector<192xf32> to vector<192x1xf32>
    %iota3A_980 = tpu.iota {dimensions = array<i32: 1>} : vector<192x16xi32>
    %eq3A_981 = vector.broadcast %broadcast_in_dim3A_979 : vector<192x1xf32> to vector<192x16xf32>
    %eq3A_982 = arith.cmpf oeq, %add3A_976, %eq3A_981 : vector<192x16xf32>
    %jit3A_983 = arith.constant 1073741824 : i32
    %broadcast_in_dim3A_984 = vector.broadcast %jit3A_983 : i32 to vector<192x16xi32>
    %select_n3A_985 = arith.select %eq3A_982, %iota3A_980, %broadcast_in_dim3A_984 : vector<192x16xi1>, vector<192x16xi32>
    %reduce_min3A_986 = arith.constant dense<2147483647> : vector<192xi32>
    %reduce_min3A_987 = vector.multi_reduction <minsi>, %select_n3A_985, %reduce_min3A_986 [1] : vector<192x16xi32> to vector<192xi32>
    %broadcast_in_dim3A_988 = vector.shape_cast %reduce_min3A_987 : vector<192xi32> to vector<192x1xi32>
    %iota3A_989 = tpu.iota {dimensions = array<i32: 1>} : vector<192x512xi32>
    %jit3A_990 = arith.constant 32 : i32
    %div3A_991 = vector.broadcast %jit3A_990 : i32 to vector<192x512xi32>
    %div3A_992 = arith.divsi %iota3A_989, %div3A_991 : vector<192x512xi32>
    %sign3A_993 = arith.constant 0 : i32
    %sign3A_994 = vector.broadcast %sign3A_993 : i32 to vector<192x512xi32>
    %sign3A_995 = arith.cmpi sgt, %iota3A_989, %sign3A_994 : vector<192x512xi32>
    %sign3A_996 = arith.extui %sign3A_995 : vector<192x512xi1> to vector<192x512xi32>
    %sign3A_997 = arith.constant 0 : i32
    %sign3A_998 = vector.broadcast %sign3A_997 : i32 to vector<192x512xi32>
    %sign3A_999 = arith.cmpi slt, %iota3A_989, %sign3A_998 : vector<192x512xi32>
    %sign3A_1000 = arith.extui %sign3A_999 : vector<192x512xi1> to vector<192x512xi32>
    %sign3A_1001 = arith.subi %sign3A_996, %sign3A_1000 : vector<192x512xi32>
    %sign3A_1002 = arith.constant 0 : i32
    %sign3A_1003 = arith.cmpi sgt, %jit3A_990, %sign3A_1002 : i32
    %sign3A_1004 = arith.extui %sign3A_1003 : i1 to i32
    %sign3A_1005 = arith.constant 0 : i32
    %sign3A_1006 = arith.cmpi slt, %jit3A_990, %sign3A_1005 : i32
    %sign3A_1007 = arith.extui %sign3A_1006 : i1 to i32
    %sign3A_1008 = arith.subi %sign3A_1004, %sign3A_1007 : i32
    %ne3A_1009 = vector.broadcast %sign3A_1008 : i32 to vector<192x512xi32>
    %ne3A_1010 = arith.cmpi ne, %sign3A_1001, %ne3A_1009 : vector<192x512xi32>
    %rem3A_1011 = vector.broadcast %jit3A_990 : i32 to vector<192x512xi32>
    %rem3A_1012 = arith.remsi %iota3A_989, %rem3A_1011 : vector<192x512xi32>
    %ne3A_1013 = arith.constant 0 : i32
    %ne3A_1014 = vector.broadcast %ne3A_1013 : i32 to vector<192x512xi32>
    %ne3A_1015 = arith.cmpi ne, %rem3A_1012, %ne3A_1014 : vector<192x512xi32>
    %and3A_1016 = arith.andi %ne3A_1010, %ne3A_1015 : vector<192x512xi1>
    %sub3A_1017 = arith.constant 1 : i32
    %sub3A_1018 = vector.broadcast %sub3A_1017 : i32 to vector<192x512xi32>
    %sub3A_1019 = arith.subi %div3A_992, %sub3A_1018 : vector<192x512xi32>
    %select_n3A_1020 = arith.select %and3A_1016, %sub3A_1019, %div3A_992 : vector<192x512xi1>, vector<192x512xi32>
    %eq3A_1021 = vector.broadcast %broadcast_in_dim3A_988 : vector<192x1xi32> to vector<192x512xi32>
    %eq3A_1022 = arith.cmpi eq, %select_n3A_1020, %eq3A_1021 : vector<192x512xi32>
    %convert_element_type3A_1023 = arith.extui %eq3A_1022 : vector<192x512xi1> to vector<192x512xi32>
    %convert_element_type3A_1024 = arith.sitofp %convert_element_type3A_1023 : vector<192x512xi32> to vector<192x512xf32>
    %get3A_1025 = arith.constant 4 : index
    %get3A_1026 = arith.constant 0 : index
    %get3A_1027 = arith.constant 0 : index
    %get3A_1028 = vector.load %arg8[%get3A_1025, %get3A_1026, %get3A_1027] : memref<8x64x512xbf16, #tpu.memory_space<vmem>>, vector<1x64x512xbf16>
    %get3A_1029 = vector.shape_cast %get3A_1028 : vector<1x64x512xbf16> to vector<64x512xbf16>
    %convert_element_type3A_1030 = arith.truncf %transpose3A_913 : vector<192x64xf32> to vector<192x64xbf16>
    %dot_general3A_1031 = arith.constant dense<0.000000e+00> : vector<192x512xf32>
    %dot_general3A_1032 = tpu.matmul %convert_element_type3A_1030, %get3A_1029, %dot_general3A_1031 {dimension_numbers = #tpu.dot_dimension_numbers<[1], [0], [0], [1], [0, 0, 1, 1], [], []>, transpose_lhs_hint = false} : vector<192x64xbf16>, vector<64x512xbf16>, vector<192x512xf32> -> vector<192x512xf32>
    %get3A_1033 = arith.constant 4 : index
    %get3A_1034 = arith.constant 0 : index
    %get3A_1035 = vector.load %arg9[%get3A_1033, %get3A_1034] : memref<8x512xf32, #tpu.memory_space<vmem>>, vector<1x512xf32>
    %get3A_1036 = vector.shape_cast %get3A_1035 : vector<1x512xf32> to vector<512xf32>
    %broadcast_in_dim3A_1037 = vector.shape_cast %get3A_1036 : vector<512xf32> to vector<1x512xf32>
    %add3A_1038 = vector.broadcast %broadcast_in_dim3A_1037 : vector<1x512xf32> to vector<192x512xf32>
    %add3A_1039 = arith.addf %dot_general3A_1032, %add3A_1038 : vector<192x512xf32>
    %mul3A_1040 = arith.mulf %add3A_1039, %convert_element_type3A_1024 : vector<192x512xf32>
    %get3A_1041 = arith.constant 0 : index
    %get3A_1042 = arith.constant 0 : index
    %get3A_1043 = vector.load %arg14[%get3A_1041, %get3A_1042] : memref<2048x32xbf16, #tpu.memory_space<vmem>>, vector<512x32xbf16>
    %convert_element_type3A_1044 = arith.truncf %mul3A_1040 : vector<192x512xf32> to vector<192x512xbf16>
    %convert_element_type3A_1045 = arith.extf %convert_element_type3A_1044 : vector<192x512xbf16> to vector<192x512xf32>
    %sub3A_1046 = arith.subf %mul3A_1040, %convert_element_type3A_1045 : vector<192x512xf32>
    %convert_element_type3A_1047 = arith.truncf %sub3A_1046 : vector<192x512xf32> to vector<192x512xbf16>
    %dot_general3A_1048 = arith.constant dense<0.000000e+00> : vector<192x32xf32>
    %dot_general3A_1049 = tpu.matmul %convert_element_type3A_1044, %get3A_1043, %dot_general3A_1048 {dimension_numbers = #tpu.dot_dimension_numbers<[1], [0], [0], [1], [0, 0, 1, 1], [], []>, transpose_lhs_hint = false} : vector<192x512xbf16>, vector<512x32xbf16>, vector<192x32xf32> -> vector<192x32xf32>
    %dot_general3A_1050 = arith.constant dense<0.000000e+00> : vector<192x32xf32>
    %dot_general3A_1051 = tpu.matmul %convert_element_type3A_1047, %get3A_1043, %dot_general3A_1050 {dimension_numbers = #tpu.dot_dimension_numbers<[1], [0], [0], [1], [0, 0, 1, 1], [], []>, transpose_lhs_hint = false} : vector<192x512xbf16>, vector<512x32xbf16>, vector<192x32xf32> -> vector<192x32xf32>
    %add3A_1052 = arith.addf %dot_general3A_1049, %dot_general3A_1051 : vector<192x32xf32>
    %ge3A_1053 = arith.constant 0.000000e+00 : f32
    %ge3A_1054 = vector.broadcast %ge3A_1053 : f32 to vector<192x32xf32>
    %ge3A_1055 = arith.cmpf oge, %add3A_1052, %ge3A_1054 : vector<192x32xf32>
    %mul3A_1056 = arith.constant 0.00999999977 : f32
    %mul3A_1057 = vector.broadcast %mul3A_1056 : f32 to vector<192x32xf32>
    %mul3A_1058 = arith.mulf %mul3A_1057, %add3A_1052 : vector<192x32xf32>
    %select_n3A_1059 = arith.select %ge3A_1055, %add3A_1052, %mul3A_1058 : vector<192x32xi1>, vector<192x32xf32>
    %get3A_1060 = arith.constant 4 : index
    %get3A_1061 = arith.constant 0 : index
    %get3A_1062 = arith.constant 0 : index
    %get3A_1063 = vector.load %arg10[%get3A_1060, %get3A_1061, %get3A_1062] : memref<8x32x512xbf16, #tpu.memory_space<vmem>>, vector<1x32x512xbf16>
    %get3A_1064 = vector.shape_cast %get3A_1063 : vector<1x32x512xbf16> to vector<32x512xbf16>
    %convert_element_type3A_1065 = arith.truncf %select_n3A_1059 : vector<192x32xf32> to vector<192x32xbf16>
    %dot_general3A_1066 = arith.constant dense<0.000000e+00> : vector<192x512xf32>
    %dot_general3A_1067 = tpu.matmul %convert_element_type3A_1065, %get3A_1064, %dot_general3A_1066 {dimension_numbers = #tpu.dot_dimension_numbers<[1], [0], [0], [1], [0, 0, 1, 1], [], []>, transpose_lhs_hint = false} : vector<192x32xbf16>, vector<32x512xbf16>, vector<192x512xf32> -> vector<192x512xf32>
    %get3A_1068 = arith.constant 4 : index
    %get3A_1069 = arith.constant 0 : index
    %get3A_1070 = vector.load %arg11[%get3A_1068, %get3A_1069] : memref<8x512xf32, #tpu.memory_space<vmem>>, vector<1x512xf32>
    %get3A_1071 = vector.shape_cast %get3A_1070 : vector<1x512xf32> to vector<512xf32>
    %broadcast_in_dim3A_1072 = vector.shape_cast %get3A_1071 : vector<512xf32> to vector<1x512xf32>
    %add3A_1073 = vector.broadcast %broadcast_in_dim3A_1072 : vector<1x512xf32> to vector<192x512xf32>
    %add3A_1074 = arith.addf %dot_general3A_1067, %add3A_1073 : vector<192x512xf32>
    %mul3A_1075 = arith.mulf %add3A_1074, %convert_element_type3A_1024 : vector<192x512xf32>
    %get3A_1076 = arith.constant 0 : index
    %get3A_1077 = arith.constant 0 : index
    %get3A_1078 = vector.load %arg14[%get3A_1076, %get3A_1077] : memref<2048x32xbf16, #tpu.memory_space<vmem>>, vector<512x32xbf16>
    %convert_element_type3A_1079 = arith.truncf %mul3A_1075 : vector<192x512xf32> to vector<192x512xbf16>
    %convert_element_type3A_1080 = arith.extf %convert_element_type3A_1079 : vector<192x512xbf16> to vector<192x512xf32>
    %sub3A_1081 = arith.subf %mul3A_1075, %convert_element_type3A_1080 : vector<192x512xf32>
    %convert_element_type3A_1082 = arith.truncf %sub3A_1081 : vector<192x512xf32> to vector<192x512xbf16>
    %dot_general3A_1083 = arith.constant dense<0.000000e+00> : vector<192x32xf32>
    %dot_general3A_1084 = tpu.matmul %convert_element_type3A_1079, %get3A_1078, %dot_general3A_1083 {dimension_numbers = #tpu.dot_dimension_numbers<[1], [0], [0], [1], [0, 0, 1, 1], [], []>, transpose_lhs_hint = false} : vector<192x512xbf16>, vector<512x32xbf16>, vector<192x32xf32> -> vector<192x32xf32>
    %dot_general3A_1085 = arith.constant dense<0.000000e+00> : vector<192x32xf32>
    %dot_general3A_1086 = tpu.matmul %convert_element_type3A_1082, %get3A_1078, %dot_general3A_1085 {dimension_numbers = #tpu.dot_dimension_numbers<[1], [0], [0], [1], [0, 0, 1, 1], [], []>, transpose_lhs_hint = false} : vector<192x512xbf16>, vector<512x32xbf16>, vector<192x32xf32> -> vector<192x32xf32>
    %add3A_1087 = arith.addf %dot_general3A_1084, %dot_general3A_1086 : vector<192x32xf32>
    %ge3A_1088 = arith.constant 0.000000e+00 : f32
    %ge3A_1089 = vector.broadcast %ge3A_1088 : f32 to vector<192x32xf32>
    %ge3A_1090 = arith.cmpf oge, %add3A_1087, %ge3A_1089 : vector<192x32xf32>
    %mul3A_1091 = arith.constant 0.00999999977 : f32
    %mul3A_1092 = vector.broadcast %mul3A_1091 : f32 to vector<192x32xf32>
    %mul3A_1093 = arith.mulf %mul3A_1092, %add3A_1087 : vector<192x32xf32>
    %select_n3A_1094 = arith.select %ge3A_1090, %add3A_1087, %mul3A_1093 : vector<192x32xi1>, vector<192x32xf32>
    %get3A_1095 = arith.constant 4 : index
    %get3A_1096 = arith.constant 0 : index
    %get3A_1097 = arith.constant 0 : index
    %get3A_1098 = vector.load %arg12[%get3A_1095, %get3A_1096, %get3A_1097] : memref<8x32x512xbf16, #tpu.memory_space<vmem>>, vector<1x32x512xbf16>
    %get3A_1099 = vector.shape_cast %get3A_1098 : vector<1x32x512xbf16> to vector<32x512xbf16>
    %convert_element_type3A_1100 = arith.truncf %select_n3A_1094 : vector<192x32xf32> to vector<192x32xbf16>
    %dot_general3A_1101 = arith.constant dense<0.000000e+00> : vector<192x512xf32>
    %dot_general3A_1102 = tpu.matmul %convert_element_type3A_1100, %get3A_1099, %dot_general3A_1101 {dimension_numbers = #tpu.dot_dimension_numbers<[1], [0], [0], [1], [0, 0, 1, 1], [], []>, transpose_lhs_hint = false} : vector<192x32xbf16>, vector<32x512xbf16>, vector<192x512xf32> -> vector<192x512xf32>
    %get3A_1103 = arith.constant 4 : index
    %get3A_1104 = arith.constant 0 : index
    %get3A_1105 = vector.load %arg13[%get3A_1103, %get3A_1104] : memref<8x512xf32, #tpu.memory_space<vmem>>, vector<1x512xf32>
    %get3A_1106 = vector.shape_cast %get3A_1105 : vector<1x512xf32> to vector<512xf32>
    %broadcast_in_dim3A_1107 = vector.shape_cast %get3A_1106 : vector<512xf32> to vector<1x512xf32>
    %add3A_1108 = vector.broadcast %broadcast_in_dim3A_1107 : vector<1x512xf32> to vector<192x512xf32>
    %add3A_1109 = arith.addf %dot_general3A_1102, %add3A_1108 : vector<192x512xf32>
    %jit3A_1110 = arith.constant 0xFF800000 : f32
    %broadcast_in_dim3A_1111 = vector.broadcast %jit3A_1110 : f32 to vector<192x512xf32>
    %select_n3A_1112 = arith.select %eq3A_1022, %add3A_1109, %broadcast_in_dim3A_1111 : vector<192x512xi1>, vector<192x512xf32>
    %reduce_max3A_1113 = arith.constant dense<0xFF800000> : vector<192xf32>
    %reduce_max3A_1114 = vector.multi_reduction <maximumf>, %select_n3A_1112, %reduce_max3A_1113 [1] : vector<192x512xf32> to vector<192xf32>
    %broadcast_in_dim3A_1115 = vector.shape_cast %reduce_max3A_1114 : vector<192xf32> to vector<192x1xf32>
    %iota3A_1116 = tpu.iota {dimensions = array<i32: 1>} : vector<192x512xi32>
    %eq3A_1117 = vector.broadcast %broadcast_in_dim3A_1115 : vector<192x1xf32> to vector<192x512xf32>
    %eq3A_1118 = arith.cmpf oeq, %select_n3A_1112, %eq3A_1117 : vector<192x512xf32>
    %jit3A_1119 = arith.constant 1073741824 : i32
    %broadcast_in_dim3A_1120 = vector.broadcast %jit3A_1119 : i32 to vector<192x512xi32>
    %select_n3A_1121 = arith.select %eq3A_1118, %iota3A_1116, %broadcast_in_dim3A_1120 : vector<192x512xi1>, vector<192x512xi32>
    %reduce_min3A_1122 = arith.constant dense<2147483647> : vector<192xi32>
    %reduce_min3A_1123 = vector.multi_reduction <minsi>, %select_n3A_1121, %reduce_min3A_1122 [1] : vector<192x512xi32> to vector<192xi32>
    %broadcast_in_dim3A_1124 = vector.shape_cast %reduce_min3A_1123 : vector<192xi32> to vector<192x1xi32>
    %mul3A_1125 = arith.constant 32 : i32
    %mul3A_1126 = vector.broadcast %mul3A_1125 : i32 to vector<192x1xi32>
    %mul3A_1127 = arith.muli %broadcast_in_dim3A_988, %mul3A_1126 : vector<192x1xi32>
    %sub3A_1128 = arith.subi %broadcast_in_dim3A_1124, %mul3A_1127 : vector<192x1xi32>
    %mul3A_1129 = arith.constant 16 : i32
    %mul3A_1130 = vector.broadcast %mul3A_1129 : i32 to vector<192x1xi32>
    %mul3A_1131 = arith.muli %broadcast_in_dim3A_988, %mul3A_1130 : vector<192x1xi32>
    %add3A_1132 = arith.addi %mul3A_1131, %sub3A_1128 : vector<192x1xi32>
    %sub3A_1133 = arith.constant 8 : i32
    %sub3A_1134 = vector.broadcast %sub3A_1133 : i32 to vector<192x1xi32>
    %sub3A_1135 = arith.subi %add3A_1132, %sub3A_1134 : vector<192x1xi32>
    %swap3A_1136 = arith.constant 768 : index
    %swap3A_1137 = arith.constant 0 : index
    %swap3A_1138 = vector.load %arg16[%swap3A_1136, %swap3A_1137] : memref<1536x1xi32, #tpu.memory_space<vmem>>, vector<192x1xi32>
    tpu.vector_store %arg16[%swap3A_1136, %swap3A_1137], %sub3A_1135 {strides = array<i32>} : memref<1536x1xi32, #tpu.memory_space<vmem>>, vector<192x1xi32>,
    %get3A_1139 = arith.constant 0 : index
    %get3A_1140 = arith.constant 0 : index
    %get3A_1141 = arith.constant 5 : index
    %get3A_1142 = arith.constant 0 : index
    %get3A_1143 = vector.load %arg1[%get3A_1139, %get3A_1140, %get3A_1141, %get3A_1142] : memref<1x64x8x192xf32, #tpu.memory_space<vmem>>, vector<1x64x1x192xf32>
    %get3A_1144 = vector.shape_cast %get3A_1143 : vector<1x64x1x192xf32> to vector<64x192xf32>
    %transpose3A_1145 = tpu.transpose %get3A_1144, [1, 0] : vector<64x192xf32> -> vector<192x64xf32>
    %convert_element_type3A_1146 = arith.truncf %transpose3A_1145 : vector<192x64xf32> to vector<192x64xbf16>
    %swap3A_1147 = arith.constant 960 : index
    %swap3A_1148 = arith.constant 0 : index
    %swap3A_1149 = vector.load %arg15[%swap3A_1147, %swap3A_1148] : memref<1536x64xbf16, #tpu.memory_space<vmem>>, vector<192x64xbf16>
    tpu.vector_store %arg15[%swap3A_1147, %swap3A_1148], %convert_element_type3A_1146 {strides = array<i32>} : memref<1536x64xbf16, #tpu.memory_space<vmem>>, vector<192x64xbf16>,
    %get3A_1150 = arith.constant 5 : index
    %get3A_1151 = arith.constant 0 : index
    %get3A_1152 = arith.constant 0 : index
    %get3A_1153 = vector.load %arg2[%get3A_1150, %get3A_1151, %get3A_1152] : memref<8x32x64xbf16, #tpu.memory_space<vmem>>, vector<1x32x64xbf16>
    %get3A_1154 = vector.shape_cast %get3A_1153 : vector<1x32x64xbf16> to vector<32x64xbf16>
    %convert_element_type3A_1155 = arith.truncf %transpose3A_1145 : vector<192x64xf32> to vector<192x64xbf16>
    %dot_general3A_1156 = arith.constant dense<0.000000e+00> : vector<192x32xf32>
    %dot_general3A_1157 = tpu.matmul %convert_element_type3A_1155, %get3A_1154, %dot_general3A_1156 {dimension_numbers = #tpu.dot_dimension_numbers<[1], [1], [0], [0], [0, 0, 1, 0], [], []>, transpose_lhs_hint = false} : vector<192x64xbf16>, vector<32x64xbf16>, vector<192x32xf32> -> vector<192x32xf32>
    %get3A_1158 = arith.constant 5 : index
    %get3A_1159 = arith.constant 0 : index
    %get3A_1160 = vector.load %arg3[%get3A_1158, %get3A_1159] : memref<8x32xf32, #tpu.memory_space<vmem>>, vector<1x32xf32>
    %get3A_1161 = vector.shape_cast %get3A_1160 : vector<1x32xf32> to vector<32xf32>
    %broadcast_in_dim3A_1162 = vector.shape_cast %get3A_1161 : vector<32xf32> to vector<1x32xf32>
    %add3A_1163 = vector.broadcast %broadcast_in_dim3A_1162 : vector<1x32xf32> to vector<192x32xf32>
    %add3A_1164 = arith.addf %dot_general3A_1157, %add3A_1163 : vector<192x32xf32>
    %ge3A_1165 = arith.constant 0.000000e+00 : f32
    %ge3A_1166 = vector.broadcast %ge3A_1165 : f32 to vector<192x32xf32>
    %ge3A_1167 = arith.cmpf oge, %add3A_1164, %ge3A_1166 : vector<192x32xf32>
    %mul3A_1168 = arith.constant 0.00999999977 : f32
    %mul3A_1169 = vector.broadcast %mul3A_1168 : f32 to vector<192x32xf32>
    %mul3A_1170 = arith.mulf %mul3A_1169, %add3A_1164 : vector<192x32xf32>
    %select_n3A_1171 = arith.select %ge3A_1167, %add3A_1164, %mul3A_1170 : vector<192x32xi1>, vector<192x32xf32>
    %get3A_1172 = arith.constant 5 : index
    %get3A_1173 = arith.constant 0 : index
    %get3A_1174 = arith.constant 0 : index
    %get3A_1175 = vector.load %arg4[%get3A_1172, %get3A_1173, %get3A_1174] : memref<8x32x32xbf16, #tpu.memory_space<vmem>>, vector<1x32x32xbf16>
    %get3A_1176 = vector.shape_cast %get3A_1175 : vector<1x32x32xbf16> to vector<32x32xbf16>
    %convert_element_type3A_1177 = arith.truncf %select_n3A_1171 : vector<192x32xf32> to vector<192x32xbf16>
    %dot_general3A_1178 = arith.constant dense<0.000000e+00> : vector<192x32xf32>
    %dot_general3A_1179 = tpu.matmul %convert_element_type3A_1177, %get3A_1176, %dot_general3A_1178 {dimension_numbers = #tpu.dot_dimension_numbers<[1], [1], [0], [0], [0, 0, 1, 0], [], []>, transpose_lhs_hint = false} : vector<192x32xbf16>, vector<32x32xbf16>, vector<192x32xf32> -> vector<192x32xf32>
    %get3A_1180 = arith.constant 5 : index
    %get3A_1181 = arith.constant 0 : index
    %get3A_1182 = vector.load %arg5[%get3A_1180, %get3A_1181] : memref<8x32xf32, #tpu.memory_space<vmem>>, vector<1x32xf32>
    %get3A_1183 = vector.shape_cast %get3A_1182 : vector<1x32xf32> to vector<32xf32>
    %broadcast_in_dim3A_1184 = vector.shape_cast %get3A_1183 : vector<32xf32> to vector<1x32xf32>
    %add3A_1185 = vector.broadcast %broadcast_in_dim3A_1184 : vector<1x32xf32> to vector<192x32xf32>
    %add3A_1186 = arith.addf %dot_general3A_1179, %add3A_1185 : vector<192x32xf32>
    %ge3A_1187 = arith.constant 0.000000e+00 : f32
    %ge3A_1188 = vector.broadcast %ge3A_1187 : f32 to vector<192x32xf32>
    %ge3A_1189 = arith.cmpf oge, %add3A_1186, %ge3A_1188 : vector<192x32xf32>
    %mul3A_1190 = arith.constant 0.00999999977 : f32
    %mul3A_1191 = vector.broadcast %mul3A_1190 : f32 to vector<192x32xf32>
    %mul3A_1192 = arith.mulf %mul3A_1191, %add3A_1186 : vector<192x32xf32>
    %select_n3A_1193 = arith.select %ge3A_1189, %add3A_1186, %mul3A_1192 : vector<192x32xi1>, vector<192x32xf32>
    %get3A_1194 = arith.constant 5 : index
    %get3A_1195 = arith.constant 0 : index
    %get3A_1196 = arith.constant 0 : index
    %get3A_1197 = vector.load %arg6[%get3A_1194, %get3A_1195, %get3A_1196] : memref<8x16x32xbf16, #tpu.memory_space<vmem>>, vector<1x16x32xbf16>
    %get3A_1198 = vector.shape_cast %get3A_1197 : vector<1x16x32xbf16> to vector<16x32xbf16>
    %convert_element_type3A_1199 = arith.truncf %select_n3A_1193 : vector<192x32xf32> to vector<192x32xbf16>
    %dot_general3A_1200 = arith.constant dense<0.000000e+00> : vector<192x16xf32>
    %dot_general3A_1201 = tpu.matmul %convert_element_type3A_1199, %get3A_1198, %dot_general3A_1200 {dimension_numbers = #tpu.dot_dimension_numbers<[1], [1], [0], [0], [0, 0, 1, 0], [], []>, transpose_lhs_hint = false} : vector<192x32xbf16>, vector<16x32xbf16>, vector<192x16xf32> -> vector<192x16xf32>
    %get3A_1202 = arith.constant 5 : index
    %get3A_1203 = arith.constant 0 : index
    %get3A_1204 = vector.load %arg7[%get3A_1202, %get3A_1203] : memref<8x16xf32, #tpu.memory_space<vmem>>, vector<1x16xf32>
    %get3A_1205 = vector.shape_cast %get3A_1204 : vector<1x16xf32> to vector<16xf32>
    %broadcast_in_dim3A_1206 = vector.shape_cast %get3A_1205 : vector<16xf32> to vector<1x16xf32>
    %add3A_1207 = vector.broadcast %broadcast_in_dim3A_1206 : vector<1x16xf32> to vector<192x16xf32>
    %add3A_1208 = arith.addf %dot_general3A_1201, %add3A_1207 : vector<192x16xf32>
    %reduce_max3A_1209 = arith.constant dense<0xFF800000> : vector<192xf32>
    %reduce_max3A_1210 = vector.multi_reduction <maximumf>, %add3A_1208, %reduce_max3A_1209 [1] : vector<192x16xf32> to vector<192xf32>
    %broadcast_in_dim3A_1211 = vector.shape_cast %reduce_max3A_1210 : vector<192xf32> to vector<192x1xf32>
    %iota3A_1212 = tpu.iota {dimensions = array<i32: 1>} : vector<192x16xi32>
    %eq3A_1213 = vector.broadcast %broadcast_in_dim3A_1211 : vector<192x1xf32> to vector<192x16xf32>
    %eq3A_1214 = arith.cmpf oeq, %add3A_1208, %eq3A_1213 : vector<192x16xf32>
    %jit3A_1215 = arith.constant 1073741824 : i32
    %broadcast_in_dim3A_1216 = vector.broadcast %jit3A_1215 : i32 to vector<192x16xi32>
    %select_n3A_1217 = arith.select %eq3A_1214, %iota3A_1212, %broadcast_in_dim3A_1216 : vector<192x16xi1>, vector<192x16xi32>
    %reduce_min3A_1218 = arith.constant dense<2147483647> : vector<192xi32>
    %reduce_min3A_1219 = vector.multi_reduction <minsi>, %select_n3A_1217, %reduce_min3A_1218 [1] : vector<192x16xi32> to vector<192xi32>
    %broadcast_in_dim3A_1220 = vector.shape_cast %reduce_min3A_1219 : vector<192xi32> to vector<192x1xi32>
    %iota3A_1221 = tpu.iota {dimensions = array<i32: 1>} : vector<192x512xi32>
    %jit3A_1222 = arith.constant 32 : i32
    %div3A_1223 = vector.broadcast %jit3A_1222 : i32 to vector<192x512xi32>
    %div3A_1224 = arith.divsi %iota3A_1221, %div3A_1223 : vector<192x512xi32>
    %sign3A_1225 = arith.constant 0 : i32
    %sign3A_1226 = vector.broadcast %sign3A_1225 : i32 to vector<192x512xi32>
    %sign3A_1227 = arith.cmpi sgt, %iota3A_1221, %sign3A_1226 : vector<192x512xi32>
    %sign3A_1228 = arith.extui %sign3A_1227 : vector<192x512xi1> to vector<192x512xi32>
    %sign3A_1229 = arith.constant 0 : i32
    %sign3A_1230 = vector.broadcast %sign3A_1229 : i32 to vector<192x512xi32>
    %sign3A_1231 = arith.cmpi slt, %iota3A_1221, %sign3A_1230 : vector<192x512xi32>
    %sign3A_1232 = arith.extui %sign3A_1231 : vector<192x512xi1> to vector<192x512xi32>
    %sign3A_1233 = arith.subi %sign3A_1228, %sign3A_1232 : vector<192x512xi32>
    %sign3A_1234 = arith.constant 0 : i32
    %sign3A_1235 = arith.cmpi sgt, %jit3A_1222, %sign3A_1234 : i32
    %sign3A_1236 = arith.extui %sign3A_1235 : i1 to i32
    %sign3A_1237 = arith.constant 0 : i32
    %sign3A_1238 = arith.cmpi slt, %jit3A_1222, %sign3A_1237 : i32
    %sign3A_1239 = arith.extui %sign3A_1238 : i1 to i32
    %sign3A_1240 = arith.subi %sign3A_1236, %sign3A_1239 : i32
    %ne3A_1241 = vector.broadcast %sign3A_1240 : i32 to vector<192x512xi32>
    %ne3A_1242 = arith.cmpi ne, %sign3A_1233, %ne3A_1241 : vector<192x512xi32>
    %rem3A_1243 = vector.broadcast %jit3A_1222 : i32 to vector<192x512xi32>
    %rem3A_1244 = arith.remsi %iota3A_1221, %rem3A_1243 : vector<192x512xi32>
    %ne3A_1245 = arith.constant 0 : i32
    %ne3A_1246 = vector.broadcast %ne3A_1245 : i32 to vector<192x512xi32>
    %ne3A_1247 = arith.cmpi ne, %rem3A_1244, %ne3A_1246 : vector<192x512xi32>
    %and3A_1248 = arith.andi %ne3A_1242, %ne3A_1247 : vector<192x512xi1>
    %sub3A_1249 = arith.constant 1 : i32
    %sub3A_1250 = vector.broadcast %sub3A_1249 : i32 to vector<192x512xi32>
    %sub3A_1251 = arith.subi %div3A_1224, %sub3A_1250 : vector<192x512xi32>
    %select_n3A_1252 = arith.select %and3A_1248, %sub3A_1251, %div3A_1224 : vector<192x512xi1>, vector<192x512xi32>
    %eq3A_1253 = vector.broadcast %broadcast_in_dim3A_1220 : vector<192x1xi32> to vector<192x512xi32>
    %eq3A_1254 = arith.cmpi eq, %select_n3A_1252, %eq3A_1253 : vector<192x512xi32>
    %convert_element_type3A_1255 = arith.extui %eq3A_1254 : vector<192x512xi1> to vector<192x512xi32>
    %convert_element_type3A_1256 = arith.sitofp %convert_element_type3A_1255 : vector<192x512xi32> to vector<192x512xf32>
    %get3A_1257 = arith.constant 5 : index
    %get3A_1258 = arith.constant 0 : index
    %get3A_1259 = arith.constant 0 : index
    %get3A_1260 = vector.load %arg8[%get3A_1257, %get3A_1258, %get3A_1259] : memref<8x64x512xbf16, #tpu.memory_space<vmem>>, vector<1x64x512xbf16>
    %get3A_1261 = vector.shape_cast %get3A_1260 : vector<1x64x512xbf16> to vector<64x512xbf16>
    %convert_element_type3A_1262 = arith.truncf %transpose3A_1145 : vector<192x64xf32> to vector<192x64xbf16>
    %dot_general3A_1263 = arith.constant dense<0.000000e+00> : vector<192x512xf32>
    %dot_general3A_1264 = tpu.matmul %convert_element_type3A_1262, %get3A_1261, %dot_general3A_1263 {dimension_numbers = #tpu.dot_dimension_numbers<[1], [0], [0], [1], [0, 0, 1, 1], [], []>, transpose_lhs_hint = false} : vector<192x64xbf16>, vector<64x512xbf16>, vector<192x512xf32> -> vector<192x512xf32>
    %get3A_1265 = arith.constant 5 : index
    %get3A_1266 = arith.constant 0 : index
    %get3A_1267 = vector.load %arg9[%get3A_1265, %get3A_1266] : memref<8x512xf32, #tpu.memory_space<vmem>>, vector<1x512xf32>
    %get3A_1268 = vector.shape_cast %get3A_1267 : vector<1x512xf32> to vector<512xf32>
    %broadcast_in_dim3A_1269 = vector.shape_cast %get3A_1268 : vector<512xf32> to vector<1x512xf32>
    %add3A_1270 = vector.broadcast %broadcast_in_dim3A_1269 : vector<1x512xf32> to vector<192x512xf32>
    %add3A_1271 = arith.addf %dot_general3A_1264, %add3A_1270 : vector<192x512xf32>
    %mul3A_1272 = arith.mulf %add3A_1271, %convert_element_type3A_1256 : vector<192x512xf32>
    %get3A_1273 = arith.constant 0 : index
    %get3A_1274 = arith.constant 0 : index
    %get3A_1275 = vector.load %arg14[%get3A_1273, %get3A_1274] : memref<2048x32xbf16, #tpu.memory_space<vmem>>, vector<512x32xbf16>
    %convert_element_type3A_1276 = arith.truncf %mul3A_1272 : vector<192x512xf32> to vector<192x512xbf16>
    %convert_element_type3A_1277 = arith.extf %convert_element_type3A_1276 : vector<192x512xbf16> to vector<192x512xf32>
    %sub3A_1278 = arith.subf %mul3A_1272, %convert_element_type3A_1277 : vector<192x512xf32>
    %convert_element_type3A_1279 = arith.truncf %sub3A_1278 : vector<192x512xf32> to vector<192x512xbf16>
    %dot_general3A_1280 = arith.constant dense<0.000000e+00> : vector<192x32xf32>
    %dot_general3A_1281 = tpu.matmul %convert_element_type3A_1276, %get3A_1275, %dot_general3A_1280 {dimension_numbers = #tpu.dot_dimension_numbers<[1], [0], [0], [1], [0, 0, 1, 1], [], []>, transpose_lhs_hint = false} : vector<192x512xbf16>, vector<512x32xbf16>, vector<192x32xf32> -> vector<192x32xf32>
    %dot_general3A_1282 = arith.constant dense<0.000000e+00> : vector<192x32xf32>
    %dot_general3A_1283 = tpu.matmul %convert_element_type3A_1279, %get3A_1275, %dot_general3A_1282 {dimension_numbers = #tpu.dot_dimension_numbers<[1], [0], [0], [1], [0, 0, 1, 1], [], []>, transpose_lhs_hint = false} : vector<192x512xbf16>, vector<512x32xbf16>, vector<192x32xf32> -> vector<192x32xf32>
    %add3A_1284 = arith.addf %dot_general3A_1281, %dot_general3A_1283 : vector<192x32xf32>
    %ge3A_1285 = arith.constant 0.000000e+00 : f32
    %ge3A_1286 = vector.broadcast %ge3A_1285 : f32 to vector<192x32xf32>
    %ge3A_1287 = arith.cmpf oge, %add3A_1284, %ge3A_1286 : vector<192x32xf32>
    %mul3A_1288 = arith.constant 0.00999999977 : f32
    %mul3A_1289 = vector.broadcast %mul3A_1288 : f32 to vector<192x32xf32>
    %mul3A_1290 = arith.mulf %mul3A_1289, %add3A_1284 : vector<192x32xf32>
    %select_n3A_1291 = arith.select %ge3A_1287, %add3A_1284, %mul3A_1290 : vector<192x32xi1>, vector<192x32xf32>
    %get3A_1292 = arith.constant 5 : index
    %get3A_1293 = arith.constant 0 : index
    %get3A_1294 = arith.constant 0 : index
    %get3A_1295 = vector.load %arg10[%get3A_1292, %get3A_1293, %get3A_1294] : memref<8x32x512xbf16, #tpu.memory_space<vmem>>, vector<1x32x512xbf16>
    %get3A_1296 = vector.shape_cast %get3A_1295 : vector<1x32x512xbf16> to vector<32x512xbf16>
    %convert_element_type3A_1297 = arith.truncf %select_n3A_1291 : vector<192x32xf32> to vector<192x32xbf16>
    %dot_general3A_1298 = arith.constant dense<0.000000e+00> : vector<192x512xf32>
    %dot_general3A_1299 = tpu.matmul %convert_element_type3A_1297, %get3A_1296, %dot_general3A_1298 {dimension_numbers = #tpu.dot_dimension_numbers<[1], [0], [0], [1], [0, 0, 1, 1], [], []>, transpose_lhs_hint = false} : vector<192x32xbf16>, vector<32x512xbf16>, vector<192x512xf32> -> vector<192x512xf32>
    %get3A_1300 = arith.constant 5 : index
    %get3A_1301 = arith.constant 0 : index
    %get3A_1302 = vector.load %arg11[%get3A_1300, %get3A_1301] : memref<8x512xf32, #tpu.memory_space<vmem>>, vector<1x512xf32>
    %get3A_1303 = vector.shape_cast %get3A_1302 : vector<1x512xf32> to vector<512xf32>
    %broadcast_in_dim3A_1304 = vector.shape_cast %get3A_1303 : vector<512xf32> to vector<1x512xf32>
    %add3A_1305 = vector.broadcast %broadcast_in_dim3A_1304 : vector<1x512xf32> to vector<192x512xf32>
    %add3A_1306 = arith.addf %dot_general3A_1299, %add3A_1305 : vector<192x512xf32>
    %mul3A_1307 = arith.mulf %add3A_1306, %convert_element_type3A_1256 : vector<192x512xf32>
    %get3A_1308 = arith.constant 0 : index
    %get3A_1309 = arith.constant 0 : index
    %get3A_1310 = vector.load %arg14[%get3A_1308, %get3A_1309] : memref<2048x32xbf16, #tpu.memory_space<vmem>>, vector<512x32xbf16>
    %convert_element_type3A_1311 = arith.truncf %mul3A_1307 : vector<192x512xf32> to vector<192x512xbf16>
    %convert_element_type3A_1312 = arith.extf %convert_element_type3A_1311 : vector<192x512xbf16> to vector<192x512xf32>
    %sub3A_1313 = arith.subf %mul3A_1307, %convert_element_type3A_1312 : vector<192x512xf32>
    %convert_element_type3A_1314 = arith.truncf %sub3A_1313 : vector<192x512xf32> to vector<192x512xbf16>
    %dot_general3A_1315 = arith.constant dense<0.000000e+00> : vector<192x32xf32>
    %dot_general3A_1316 = tpu.matmul %convert_element_type3A_1311, %get3A_1310, %dot_general3A_1315 {dimension_numbers = #tpu.dot_dimension_numbers<[1], [0], [0], [1], [0, 0, 1, 1], [], []>, transpose_lhs_hint = false} : vector<192x512xbf16>, vector<512x32xbf16>, vector<192x32xf32> -> vector<192x32xf32>
    %dot_general3A_1317 = arith.constant dense<0.000000e+00> : vector<192x32xf32>
    %dot_general3A_1318 = tpu.matmul %convert_element_type3A_1314, %get3A_1310, %dot_general3A_1317 {dimension_numbers = #tpu.dot_dimension_numbers<[1], [0], [0], [1], [0, 0, 1, 1], [], []>, transpose_lhs_hint = false} : vector<192x512xbf16>, vector<512x32xbf16>, vector<192x32xf32> -> vector<192x32xf32>
    %add3A_1319 = arith.addf %dot_general3A_1316, %dot_general3A_1318 : vector<192x32xf32>
    %ge3A_1320 = arith.constant 0.000000e+00 : f32
    %ge3A_1321 = vector.broadcast %ge3A_1320 : f32 to vector<192x32xf32>
    %ge3A_1322 = arith.cmpf oge, %add3A_1319, %ge3A_1321 : vector<192x32xf32>
    %mul3A_1323 = arith.constant 0.00999999977 : f32
    %mul3A_1324 = vector.broadcast %mul3A_1323 : f32 to vector<192x32xf32>
    %mul3A_1325 = arith.mulf %mul3A_1324, %add3A_1319 : vector<192x32xf32>
    %select_n3A_1326 = arith.select %ge3A_1322, %add3A_1319, %mul3A_1325 : vector<192x32xi1>, vector<192x32xf32>
    %get3A_1327 = arith.constant 5 : index
    %get3A_1328 = arith.constant 0 : index
    %get3A_1329 = arith.constant 0 : index
    %get3A_1330 = vector.load %arg12[%get3A_1327, %get3A_1328, %get3A_1329] : memref<8x32x512xbf16, #tpu.memory_space<vmem>>, vector<1x32x512xbf16>
    %get3A_1331 = vector.shape_cast %get3A_1330 : vector<1x32x512xbf16> to vector<32x512xbf16>
    %convert_element_type3A_1332 = arith.truncf %select_n3A_1326 : vector<192x32xf32> to vector<192x32xbf16>
    %dot_general3A_1333 = arith.constant dense<0.000000e+00> : vector<192x512xf32>
    %dot_general3A_1334 = tpu.matmul %convert_element_type3A_1332, %get3A_1331, %dot_general3A_1333 {dimension_numbers = #tpu.dot_dimension_numbers<[1], [0], [0], [1], [0, 0, 1, 1], [], []>, transpose_lhs_hint = false} : vector<192x32xbf16>, vector<32x512xbf16>, vector<192x512xf32> -> vector<192x512xf32>
    %get3A_1335 = arith.constant 5 : index
    %get3A_1336 = arith.constant 0 : index
    %get3A_1337 = vector.load %arg13[%get3A_1335, %get3A_1336] : memref<8x512xf32, #tpu.memory_space<vmem>>, vector<1x512xf32>
    %get3A_1338 = vector.shape_cast %get3A_1337 : vector<1x512xf32> to vector<512xf32>
    %broadcast_in_dim3A_1339 = vector.shape_cast %get3A_1338 : vector<512xf32> to vector<1x512xf32>
    %add3A_1340 = vector.broadcast %broadcast_in_dim3A_1339 : vector<1x512xf32> to vector<192x512xf32>
    %add3A_1341 = arith.addf %dot_general3A_1334, %add3A_1340 : vector<192x512xf32>
    %jit3A_1342 = arith.constant 0xFF800000 : f32
    %broadcast_in_dim3A_1343 = vector.broadcast %jit3A_1342 : f32 to vector<192x512xf32>
    %select_n3A_1344 = arith.select %eq3A_1254, %add3A_1341, %broadcast_in_dim3A_1343 : vector<192x512xi1>, vector<192x512xf32>
    %reduce_max3A_1345 = arith.constant dense<0xFF800000> : vector<192xf32>
    %reduce_max3A_1346 = vector.multi_reduction <maximumf>, %select_n3A_1344, %reduce_max3A_1345 [1] : vector<192x512xf32> to vector<192xf32>
    %broadcast_in_dim3A_1347 = vector.shape_cast %reduce_max3A_1346 : vector<192xf32> to vector<192x1xf32>
    %iota3A_1348 = tpu.iota {dimensions = array<i32: 1>} : vector<192x512xi32>
    %eq3A_1349 = vector.broadcast %broadcast_in_dim3A_1347 : vector<192x1xf32> to vector<192x512xf32>
    %eq3A_1350 = arith.cmpf oeq, %select_n3A_1344, %eq3A_1349 : vector<192x512xf32>
    %jit3A_1351 = arith.constant 1073741824 : i32
    %broadcast_in_dim3A_1352 = vector.broadcast %jit3A_1351 : i32 to vector<192x512xi32>
    %select_n3A_1353 = arith.select %eq3A_1350, %iota3A_1348, %broadcast_in_dim3A_1352 : vector<192x512xi1>, vector<192x512xi32>
    %reduce_min3A_1354 = arith.constant dense<2147483647> : vector<192xi32>
    %reduce_min3A_1355 = vector.multi_reduction <minsi>, %select_n3A_1353, %reduce_min3A_1354 [1] : vector<192x512xi32> to vector<192xi32>
    %broadcast_in_dim3A_1356 = vector.shape_cast %reduce_min3A_1355 : vector<192xi32> to vector<192x1xi32>
    %mul3A_1357 = arith.constant 32 : i32
    %mul3A_1358 = vector.broadcast %mul3A_1357 : i32 to vector<192x1xi32>
    %mul3A_1359 = arith.muli %broadcast_in_dim3A_1220, %mul3A_1358 : vector<192x1xi32>
    %sub3A_1360 = arith.subi %broadcast_in_dim3A_1356, %mul3A_1359 : vector<192x1xi32>
    %mul3A_1361 = arith.constant 16 : i32
    %mul3A_1362 = vector.broadcast %mul3A_1361 : i32 to vector<192x1xi32>
    %mul3A_1363 = arith.muli %broadcast_in_dim3A_1220, %mul3A_1362 : vector<192x1xi32>
    %add3A_1364 = arith.addi %mul3A_1363, %sub3A_1360 : vector<192x1xi32>
    %sub3A_1365 = arith.constant 8 : i32
    %sub3A_1366 = vector.broadcast %sub3A_1365 : i32 to vector<192x1xi32>
    %sub3A_1367 = arith.subi %add3A_1364, %sub3A_1366 : vector<192x1xi32>
    %swap3A_1368 = arith.constant 960 : index
    %swap3A_1369 = arith.constant 0 : index
    %swap3A_1370 = vector.load %arg16[%swap3A_1368, %swap3A_1369] : memref<1536x1xi32, #tpu.memory_space<vmem>>, vector<192x1xi32>
    tpu.vector_store %arg16[%swap3A_1368, %swap3A_1369], %sub3A_1367 {strides = array<i32>} : memref<1536x1xi32, #tpu.memory_space<vmem>>, vector<192x1xi32>,
    %get3A_1371 = arith.constant 0 : index
    %get3A_1372 = arith.constant 0 : index
    %get3A_1373 = arith.constant 6 : index
    %get3A_1374 = arith.constant 0 : index
    %get3A_1375 = vector.load %arg1[%get3A_1371, %get3A_1372, %get3A_1373, %get3A_1374] : memref<1x64x8x192xf32, #tpu.memory_space<vmem>>, vector<1x64x1x192xf32>
    %get3A_1376 = vector.shape_cast %get3A_1375 : vector<1x64x1x192xf32> to vector<64x192xf32>
    %transpose3A_1377 = tpu.transpose %get3A_1376, [1, 0] : vector<64x192xf32> -> vector<192x64xf32>
    %convert_element_type3A_1378 = arith.truncf %transpose3A_1377 : vector<192x64xf32> to vector<192x64xbf16>
    %swap3A_1379 = arith.constant 1152 : index
    %swap3A_1380 = arith.constant 0 : index
    %swap3A_1381 = vector.load %arg15[%swap3A_1379, %swap3A_1380] : memref<1536x64xbf16, #tpu.memory_space<vmem>>, vector<192x64xbf16>
    tpu.vector_store %arg15[%swap3A_1379, %swap3A_1380], %convert_element_type3A_1378 {strides = array<i32>} : memref<1536x64xbf16, #tpu.memory_space<vmem>>, vector<192x64xbf16>,
    %get3A_1382 = arith.constant 6 : index
    %get3A_1383 = arith.constant 0 : index
    %get3A_1384 = arith.constant 0 : index
    %get3A_1385 = vector.load %arg2[%get3A_1382, %get3A_1383, %get3A_1384] : memref<8x32x64xbf16, #tpu.memory_space<vmem>>, vector<1x32x64xbf16>
    %get3A_1386 = vector.shape_cast %get3A_1385 : vector<1x32x64xbf16> to vector<32x64xbf16>
    %convert_element_type3A_1387 = arith.truncf %transpose3A_1377 : vector<192x64xf32> to vector<192x64xbf16>
    %dot_general3A_1388 = arith.constant dense<0.000000e+00> : vector<192x32xf32>
    %dot_general3A_1389 = tpu.matmul %convert_element_type3A_1387, %get3A_1386, %dot_general3A_1388 {dimension_numbers = #tpu.dot_dimension_numbers<[1], [1], [0], [0], [0, 0, 1, 0], [], []>, transpose_lhs_hint = false} : vector<192x64xbf16>, vector<32x64xbf16>, vector<192x32xf32> -> vector<192x32xf32>
    %get3A_1390 = arith.constant 6 : index
    %get3A_1391 = arith.constant 0 : index
    %get3A_1392 = vector.load %arg3[%get3A_1390, %get3A_1391] : memref<8x32xf32, #tpu.memory_space<vmem>>, vector<1x32xf32>
    %get3A_1393 = vector.shape_cast %get3A_1392 : vector<1x32xf32> to vector<32xf32>
    %broadcast_in_dim3A_1394 = vector.shape_cast %get3A_1393 : vector<32xf32> to vector<1x32xf32>
    %add3A_1395 = vector.broadcast %broadcast_in_dim3A_1394 : vector<1x32xf32> to vector<192x32xf32>
    %add3A_1396 = arith.addf %dot_general3A_1389, %add3A_1395 : vector<192x32xf32>
    %ge3A_1397 = arith.constant 0.000000e+00 : f32
    %ge3A_1398 = vector.broadcast %ge3A_1397 : f32 to vector<192x32xf32>
    %ge3A_1399 = arith.cmpf oge, %add3A_1396, %ge3A_1398 : vector<192x32xf32>
    %mul3A_1400 = arith.constant 0.00999999977 : f32
    %mul3A_1401 = vector.broadcast %mul3A_1400 : f32 to vector<192x32xf32>
    %mul3A_1402 = arith.mulf %mul3A_1401, %add3A_1396 : vector<192x32xf32>
    %select_n3A_1403 = arith.select %ge3A_1399, %add3A_1396, %mul3A_1402 : vector<192x32xi1>, vector<192x32xf32>
    %get3A_1404 = arith.constant 6 : index
    %get3A_1405 = arith.constant 0 : index
    %get3A_1406 = arith.constant 0 : index
    %get3A_1407 = vector.load %arg4[%get3A_1404, %get3A_1405, %get3A_1406] : memref<8x32x32xbf16, #tpu.memory_space<vmem>>, vector<1x32x32xbf16>
    %get3A_1408 = vector.shape_cast %get3A_1407 : vector<1x32x32xbf16> to vector<32x32xbf16>
    %convert_element_type3A_1409 = arith.truncf %select_n3A_1403 : vector<192x32xf32> to vector<192x32xbf16>
    %dot_general3A_1410 = arith.constant dense<0.000000e+00> : vector<192x32xf32>
    %dot_general3A_1411 = tpu.matmul %convert_element_type3A_1409, %get3A_1408, %dot_general3A_1410 {dimension_numbers = #tpu.dot_dimension_numbers<[1], [1], [0], [0], [0, 0, 1, 0], [], []>, transpose_lhs_hint = false} : vector<192x32xbf16>, vector<32x32xbf16>, vector<192x32xf32> -> vector<192x32xf32>
    %get3A_1412 = arith.constant 6 : index
    %get3A_1413 = arith.constant 0 : index
    %get3A_1414 = vector.load %arg5[%get3A_1412, %get3A_1413] : memref<8x32xf32, #tpu.memory_space<vmem>>, vector<1x32xf32>
    %get3A_1415 = vector.shape_cast %get3A_1414 : vector<1x32xf32> to vector<32xf32>
    %broadcast_in_dim3A_1416 = vector.shape_cast %get3A_1415 : vector<32xf32> to vector<1x32xf32>
    %add3A_1417 = vector.broadcast %broadcast_in_dim3A_1416 : vector<1x32xf32> to vector<192x32xf32>
    %add3A_1418 = arith.addf %dot_general3A_1411, %add3A_1417 : vector<192x32xf32>
    %ge3A_1419 = arith.constant 0.000000e+00 : f32
    %ge3A_1420 = vector.broadcast %ge3A_1419 : f32 to vector<192x32xf32>
    %ge3A_1421 = arith.cmpf oge, %add3A_1418, %ge3A_1420 : vector<192x32xf32>
    %mul3A_1422 = arith.constant 0.00999999977 : f32
    %mul3A_1423 = vector.broadcast %mul3A_1422 : f32 to vector<192x32xf32>
    %mul3A_1424 = arith.mulf %mul3A_1423, %add3A_1418 : vector<192x32xf32>
    %select_n3A_1425 = arith.select %ge3A_1421, %add3A_1418, %mul3A_1424 : vector<192x32xi1>, vector<192x32xf32>
    %get3A_1426 = arith.constant 6 : index
    %get3A_1427 = arith.constant 0 : index
    %get3A_1428 = arith.constant 0 : index
    %get3A_1429 = vector.load %arg6[%get3A_1426, %get3A_1427, %get3A_1428] : memref<8x16x32xbf16, #tpu.memory_space<vmem>>, vector<1x16x32xbf16>
    %get3A_1430 = vector.shape_cast %get3A_1429 : vector<1x16x32xbf16> to vector<16x32xbf16>
    %convert_element_type3A_1431 = arith.truncf %select_n3A_1425 : vector<192x32xf32> to vector<192x32xbf16>
    %dot_general3A_1432 = arith.constant dense<0.000000e+00> : vector<192x16xf32>
    %dot_general3A_1433 = tpu.matmul %convert_element_type3A_1431, %get3A_1430, %dot_general3A_1432 {dimension_numbers = #tpu.dot_dimension_numbers<[1], [1], [0], [0], [0, 0, 1, 0], [], []>, transpose_lhs_hint = false} : vector<192x32xbf16>, vector<16x32xbf16>, vector<192x16xf32> -> vector<192x16xf32>
    %get3A_1434 = arith.constant 6 : index
    %get3A_1435 = arith.constant 0 : index
    %get3A_1436 = vector.load %arg7[%get3A_1434, %get3A_1435] : memref<8x16xf32, #tpu.memory_space<vmem>>, vector<1x16xf32>
    %get3A_1437 = vector.shape_cast %get3A_1436 : vector<1x16xf32> to vector<16xf32>
    %broadcast_in_dim3A_1438 = vector.shape_cast %get3A_1437 : vector<16xf32> to vector<1x16xf32>
    %add3A_1439 = vector.broadcast %broadcast_in_dim3A_1438 : vector<1x16xf32> to vector<192x16xf32>
    %add3A_1440 = arith.addf %dot_general3A_1433, %add3A_1439 : vector<192x16xf32>
    %reduce_max3A_1441 = arith.constant dense<0xFF800000> : vector<192xf32>
    %reduce_max3A_1442 = vector.multi_reduction <maximumf>, %add3A_1440, %reduce_max3A_1441 [1] : vector<192x16xf32> to vector<192xf32>
    %broadcast_in_dim3A_1443 = vector.shape_cast %reduce_max3A_1442 : vector<192xf32> to vector<192x1xf32>
    %iota3A_1444 = tpu.iota {dimensions = array<i32: 1>} : vector<192x16xi32>
    %eq3A_1445 = vector.broadcast %broadcast_in_dim3A_1443 : vector<192x1xf32> to vector<192x16xf32>
    %eq3A_1446 = arith.cmpf oeq, %add3A_1440, %eq3A_1445 : vector<192x16xf32>
    %jit3A_1447 = arith.constant 1073741824 : i32
    %broadcast_in_dim3A_1448 = vector.broadcast %jit3A_1447 : i32 to vector<192x16xi32>
    %select_n3A_1449 = arith.select %eq3A_1446, %iota3A_1444, %broadcast_in_dim3A_1448 : vector<192x16xi1>, vector<192x16xi32>
    %reduce_min3A_1450 = arith.constant dense<2147483647> : vector<192xi32>
    %reduce_min3A_1451 = vector.multi_reduction <minsi>, %select_n3A_1449, %reduce_min3A_1450 [1] : vector<192x16xi32> to vector<192xi32>
    %broadcast_in_dim3A_1452 = vector.shape_cast %reduce_min3A_1451 : vector<192xi32> to vector<192x1xi32>
    %iota3A_1453 = tpu.iota {dimensions = array<i32: 1>} : vector<192x512xi32>
    %jit3A_1454 = arith.constant 32 : i32
    %div3A_1455 = vector.broadcast %jit3A_1454 : i32 to vector<192x512xi32>
    %div3A_1456 = arith.divsi %iota3A_1453, %div3A_1455 : vector<192x512xi32>
    %sign3A_1457 = arith.constant 0 : i32
    %sign3A_1458 = vector.broadcast %sign3A_1457 : i32 to vector<192x512xi32>
    %sign3A_1459 = arith.cmpi sgt, %iota3A_1453, %sign3A_1458 : vector<192x512xi32>
    %sign3A_1460 = arith.extui %sign3A_1459 : vector<192x512xi1> to vector<192x512xi32>
    %sign3A_1461 = arith.constant 0 : i32
    %sign3A_1462 = vector.broadcast %sign3A_1461 : i32 to vector<192x512xi32>
    %sign3A_1463 = arith.cmpi slt, %iota3A_1453, %sign3A_1462 : vector<192x512xi32>
    %sign3A_1464 = arith.extui %sign3A_1463 : vector<192x512xi1> to vector<192x512xi32>
    %sign3A_1465 = arith.subi %sign3A_1460, %sign3A_1464 : vector<192x512xi32>
    %sign3A_1466 = arith.constant 0 : i32
    %sign3A_1467 = arith.cmpi sgt, %jit3A_1454, %sign3A_1466 : i32
    %sign3A_1468 = arith.extui %sign3A_1467 : i1 to i32
    %sign3A_1469 = arith.constant 0 : i32
    %sign3A_1470 = arith.cmpi slt, %jit3A_1454, %sign3A_1469 : i32
    %sign3A_1471 = arith.extui %sign3A_1470 : i1 to i32
    %sign3A_1472 = arith.subi %sign3A_1468, %sign3A_1471 : i32
    %ne3A_1473 = vector.broadcast %sign3A_1472 : i32 to vector<192x512xi32>
    %ne3A_1474 = arith.cmpi ne, %sign3A_1465, %ne3A_1473 : vector<192x512xi32>
    %rem3A_1475 = vector.broadcast %jit3A_1454 : i32 to vector<192x512xi32>
    %rem3A_1476 = arith.remsi %iota3A_1453, %rem3A_1475 : vector<192x512xi32>
    %ne3A_1477 = arith.constant 0 : i32
    %ne3A_1478 = vector.broadcast %ne3A_1477 : i32 to vector<192x512xi32>
    %ne3A_1479 = arith.cmpi ne, %rem3A_1476, %ne3A_1478 : vector<192x512xi32>
    %and3A_1480 = arith.andi %ne3A_1474, %ne3A_1479 : vector<192x512xi1>
    %sub3A_1481 = arith.constant 1 : i32
    %sub3A_1482 = vector.broadcast %sub3A_1481 : i32 to vector<192x512xi32>
    %sub3A_1483 = arith.subi %div3A_1456, %sub3A_1482 : vector<192x512xi32>
    %select_n3A_1484 = arith.select %and3A_1480, %sub3A_1483, %div3A_1456 : vector<192x512xi1>, vector<192x512xi32>
    %eq3A_1485 = vector.broadcast %broadcast_in_dim3A_1452 : vector<192x1xi32> to vector<192x512xi32>
    %eq3A_1486 = arith.cmpi eq, %select_n3A_1484, %eq3A_1485 : vector<192x512xi32>
    %convert_element_type3A_1487 = arith.extui %eq3A_1486 : vector<192x512xi1> to vector<192x512xi32>
    %convert_element_type3A_1488 = arith.sitofp %convert_element_type3A_1487 : vector<192x512xi32> to vector<192x512xf32>
    %get3A_1489 = arith.constant 6 : index
    %get3A_1490 = arith.constant 0 : index
    %get3A_1491 = arith.constant 0 : index
    %get3A_1492 = vector.load %arg8[%get3A_1489, %get3A_1490, %get3A_1491] : memref<8x64x512xbf16, #tpu.memory_space<vmem>>, vector<1x64x512xbf16>
    %get3A_1493 = vector.shape_cast %get3A_1492 : vector<1x64x512xbf16> to vector<64x512xbf16>
    %convert_element_type3A_1494 = arith.truncf %transpose3A_1377 : vector<192x64xf32> to vector<192x64xbf16>
    %dot_general3A_1495 = arith.constant dense<0.000000e+00> : vector<192x512xf32>
    %dot_general3A_1496 = tpu.matmul %convert_element_type3A_1494, %get3A_1493, %dot_general3A_1495 {dimension_numbers = #tpu.dot_dimension_numbers<[1], [0], [0], [1], [0, 0, 1, 1], [], []>, transpose_lhs_hint = false} : vector<192x64xbf16>, vector<64x512xbf16>, vector<192x512xf32> -> vector<192x512xf32>
    %get3A_1497 = arith.constant 6 : index
    %get3A_1498 = arith.constant 0 : index
    %get3A_1499 = vector.load %arg9[%get3A_1497, %get3A_1498] : memref<8x512xf32, #tpu.memory_space<vmem>>, vector<1x512xf32>
    %get3A_1500 = vector.shape_cast %get3A_1499 : vector<1x512xf32> to vector<512xf32>
    %broadcast_in_dim3A_1501 = vector.shape_cast %get3A_1500 : vector<512xf32> to vector<1x512xf32>
    %add3A_1502 = vector.broadcast %broadcast_in_dim3A_1501 : vector<1x512xf32> to vector<192x512xf32>
    %add3A_1503 = arith.addf %dot_general3A_1496, %add3A_1502 : vector<192x512xf32>
    %mul3A_1504 = arith.mulf %add3A_1503, %convert_element_type3A_1488 : vector<192x512xf32>
    %get3A_1505 = arith.constant 0 : index
    %get3A_1506 = arith.constant 0 : index
    %get3A_1507 = vector.load %arg14[%get3A_1505, %get3A_1506] : memref<2048x32xbf16, #tpu.memory_space<vmem>>, vector<512x32xbf16>
    %convert_element_type3A_1508 = arith.truncf %mul3A_1504 : vector<192x512xf32> to vector<192x512xbf16>
    %convert_element_type3A_1509 = arith.extf %convert_element_type3A_1508 : vector<192x512xbf16> to vector<192x512xf32>
    %sub3A_1510 = arith.subf %mul3A_1504, %convert_element_type3A_1509 : vector<192x512xf32>
    %convert_element_type3A_1511 = arith.truncf %sub3A_1510 : vector<192x512xf32> to vector<192x512xbf16>
    %dot_general3A_1512 = arith.constant dense<0.000000e+00> : vector<192x32xf32>
    %dot_general3A_1513 = tpu.matmul %convert_element_type3A_1508, %get3A_1507, %dot_general3A_1512 {dimension_numbers = #tpu.dot_dimension_numbers<[1], [0], [0], [1], [0, 0, 1, 1], [], []>, transpose_lhs_hint = false} : vector<192x512xbf16>, vector<512x32xbf16>, vector<192x32xf32> -> vector<192x32xf32>
    %dot_general3A_1514 = arith.constant dense<0.000000e+00> : vector<192x32xf32>
    %dot_general3A_1515 = tpu.matmul %convert_element_type3A_1511, %get3A_1507, %dot_general3A_1514 {dimension_numbers = #tpu.dot_dimension_numbers<[1], [0], [0], [1], [0, 0, 1, 1], [], []>, transpose_lhs_hint = false} : vector<192x512xbf16>, vector<512x32xbf16>, vector<192x32xf32> -> vector<192x32xf32>
    %add3A_1516 = arith.addf %dot_general3A_1513, %dot_general3A_1515 : vector<192x32xf32>
    %ge3A_1517 = arith.constant 0.000000e+00 : f32
    %ge3A_1518 = vector.broadcast %ge3A_1517 : f32 to vector<192x32xf32>
    %ge3A_1519 = arith.cmpf oge, %add3A_1516, %ge3A_1518 : vector<192x32xf32>
    %mul3A_1520 = arith.constant 0.00999999977 : f32
    %mul3A_1521 = vector.broadcast %mul3A_1520 : f32 to vector<192x32xf32>
    %mul3A_1522 = arith.mulf %mul3A_1521, %add3A_1516 : vector<192x32xf32>
    %select_n3A_1523 = arith.select %ge3A_1519, %add3A_1516, %mul3A_1522 : vector<192x32xi1>, vector<192x32xf32>
    %get3A_1524 = arith.constant 6 : index
    %get3A_1525 = arith.constant 0 : index
    %get3A_1526 = arith.constant 0 : index
    %get3A_1527 = vector.load %arg10[%get3A_1524, %get3A_1525, %get3A_1526] : memref<8x32x512xbf16, #tpu.memory_space<vmem>>, vector<1x32x512xbf16>
    %get3A_1528 = vector.shape_cast %get3A_1527 : vector<1x32x512xbf16> to vector<32x512xbf16>
    %convert_element_type3A_1529 = arith.truncf %select_n3A_1523 : vector<192x32xf32> to vector<192x32xbf16>
    %dot_general3A_1530 = arith.constant dense<0.000000e+00> : vector<192x512xf32>
    %dot_general3A_1531 = tpu.matmul %convert_element_type3A_1529, %get3A_1528, %dot_general3A_1530 {dimension_numbers = #tpu.dot_dimension_numbers<[1], [0], [0], [1], [0, 0, 1, 1], [], []>, transpose_lhs_hint = false} : vector<192x32xbf16>, vector<32x512xbf16>, vector<192x512xf32> -> vector<192x512xf32>
    %get3A_1532 = arith.constant 6 : index
    %get3A_1533 = arith.constant 0 : index
    %get3A_1534 = vector.load %arg11[%get3A_1532, %get3A_1533] : memref<8x512xf32, #tpu.memory_space<vmem>>, vector<1x512xf32>
    %get3A_1535 = vector.shape_cast %get3A_1534 : vector<1x512xf32> to vector<512xf32>
    %broadcast_in_dim3A_1536 = vector.shape_cast %get3A_1535 : vector<512xf32> to vector<1x512xf32>
    %add3A_1537 = vector.broadcast %broadcast_in_dim3A_1536 : vector<1x512xf32> to vector<192x512xf32>
    %add3A_1538 = arith.addf %dot_general3A_1531, %add3A_1537 : vector<192x512xf32>
    %mul3A_1539 = arith.mulf %add3A_1538, %convert_element_type3A_1488 : vector<192x512xf32>
    %get3A_1540 = arith.constant 0 : index
    %get3A_1541 = arith.constant 0 : index
    %get3A_1542 = vector.load %arg14[%get3A_1540, %get3A_1541] : memref<2048x32xbf16, #tpu.memory_space<vmem>>, vector<512x32xbf16>
    %convert_element_type3A_1543 = arith.truncf %mul3A_1539 : vector<192x512xf32> to vector<192x512xbf16>
    %convert_element_type3A_1544 = arith.extf %convert_element_type3A_1543 : vector<192x512xbf16> to vector<192x512xf32>
    %sub3A_1545 = arith.subf %mul3A_1539, %convert_element_type3A_1544 : vector<192x512xf32>
    %convert_element_type3A_1546 = arith.truncf %sub3A_1545 : vector<192x512xf32> to vector<192x512xbf16>
    %dot_general3A_1547 = arith.constant dense<0.000000e+00> : vector<192x32xf32>
    %dot_general3A_1548 = tpu.matmul %convert_element_type3A_1543, %get3A_1542, %dot_general3A_1547 {dimension_numbers = #tpu.dot_dimension_numbers<[1], [0], [0], [1], [0, 0, 1, 1], [], []>, transpose_lhs_hint = false} : vector<192x512xbf16>, vector<512x32xbf16>, vector<192x32xf32> -> vector<192x32xf32>
    %dot_general3A_1549 = arith.constant dense<0.000000e+00> : vector<192x32xf32>
    %dot_general3A_1550 = tpu.matmul %convert_element_type3A_1546, %get3A_1542, %dot_general3A_1549 {dimension_numbers = #tpu.dot_dimension_numbers<[1], [0], [0], [1], [0, 0, 1, 1], [], []>, transpose_lhs_hint = false} : vector<192x512xbf16>, vector<512x32xbf16>, vector<192x32xf32> -> vector<192x32xf32>
    %add3A_1551 = arith.addf %dot_general3A_1548, %dot_general3A_1550 : vector<192x32xf32>
    %ge3A_1552 = arith.constant 0.000000e+00 : f32
    %ge3A_1553 = vector.broadcast %ge3A_1552 : f32 to vector<192x32xf32>
    %ge3A_1554 = arith.cmpf oge, %add3A_1551, %ge3A_1553 : vector<192x32xf32>
    %mul3A_1555 = arith.constant 0.00999999977 : f32
    %mul3A_1556 = vector.broadcast %mul3A_1555 : f32 to vector<192x32xf32>
    %mul3A_1557 = arith.mulf %mul3A_1556, %add3A_1551 : vector<192x32xf32>
    %select_n3A_1558 = arith.select %ge3A_1554, %add3A_1551, %mul3A_1557 : vector<192x32xi1>, vector<192x32xf32>
    %get3A_1559 = arith.constant 6 : index
    %get3A_1560 = arith.constant 0 : index
    %get3A_1561 = arith.constant 0 : index
    %get3A_1562 = vector.load %arg12[%get3A_1559, %get3A_1560, %get3A_1561] : memref<8x32x512xbf16, #tpu.memory_space<vmem>>, vector<1x32x512xbf16>
    %get3A_1563 = vector.shape_cast %get3A_1562 : vector<1x32x512xbf16> to vector<32x512xbf16>
    %convert_element_type3A_1564 = arith.truncf %select_n3A_1558 : vector<192x32xf32> to vector<192x32xbf16>
    %dot_general3A_1565 = arith.constant dense<0.000000e+00> : vector<192x512xf32>
    %dot_general3A_1566 = tpu.matmul %convert_element_type3A_1564, %get3A_1563, %dot_general3A_1565 {dimension_numbers = #tpu.dot_dimension_numbers<[1], [0], [0], [1], [0, 0, 1, 1], [], []>, transpose_lhs_hint = false} : vector<192x32xbf16>, vector<32x512xbf16>, vector<192x512xf32> -> vector<192x512xf32>
    %get3A_1567 = arith.constant 6 : index
    %get3A_1568 = arith.constant 0 : index
    %get3A_1569 = vector.load %arg13[%get3A_1567, %get3A_1568] : memref<8x512xf32, #tpu.memory_space<vmem>>, vector<1x512xf32>
    %get3A_1570 = vector.shape_cast %get3A_1569 : vector<1x512xf32> to vector<512xf32>
    %broadcast_in_dim3A_1571 = vector.shape_cast %get3A_1570 : vector<512xf32> to vector<1x512xf32>
    %add3A_1572 = vector.broadcast %broadcast_in_dim3A_1571 : vector<1x512xf32> to vector<192x512xf32>
    %add3A_1573 = arith.addf %dot_general3A_1566, %add3A_1572 : vector<192x512xf32>
    %jit3A_1574 = arith.constant 0xFF800000 : f32
    %broadcast_in_dim3A_1575 = vector.broadcast %jit3A_1574 : f32 to vector<192x512xf32>
    %select_n3A_1576 = arith.select %eq3A_1486, %add3A_1573, %broadcast_in_dim3A_1575 : vector<192x512xi1>, vector<192x512xf32>
    %reduce_max3A_1577 = arith.constant dense<0xFF800000> : vector<192xf32>
    %reduce_max3A_1578 = vector.multi_reduction <maximumf>, %select_n3A_1576, %reduce_max3A_1577 [1] : vector<192x512xf32> to vector<192xf32>
    %broadcast_in_dim3A_1579 = vector.shape_cast %reduce_max3A_1578 : vector<192xf32> to vector<192x1xf32>
    %iota3A_1580 = tpu.iota {dimensions = array<i32: 1>} : vector<192x512xi32>
    %eq3A_1581 = vector.broadcast %broadcast_in_dim3A_1579 : vector<192x1xf32> to vector<192x512xf32>
    %eq3A_1582 = arith.cmpf oeq, %select_n3A_1576, %eq3A_1581 : vector<192x512xf32>
    %jit3A_1583 = arith.constant 1073741824 : i32
    %broadcast_in_dim3A_1584 = vector.broadcast %jit3A_1583 : i32 to vector<192x512xi32>
    %select_n3A_1585 = arith.select %eq3A_1582, %iota3A_1580, %broadcast_in_dim3A_1584 : vector<192x512xi1>, vector<192x512xi32>
    %reduce_min3A_1586 = arith.constant dense<2147483647> : vector<192xi32>
    %reduce_min3A_1587 = vector.multi_reduction <minsi>, %select_n3A_1585, %reduce_min3A_1586 [1] : vector<192x512xi32> to vector<192xi32>
    %broadcast_in_dim3A_1588 = vector.shape_cast %reduce_min3A_1587 : vector<192xi32> to vector<192x1xi32>
    %mul3A_1589 = arith.constant 32 : i32
    %mul3A_1590 = vector.broadcast %mul3A_1589 : i32 to vector<192x1xi32>
    %mul3A_1591 = arith.muli %broadcast_in_dim3A_1452, %mul3A_1590 : vector<192x1xi32>
    %sub3A_1592 = arith.subi %broadcast_in_dim3A_1588, %mul3A_1591 : vector<192x1xi32>
    %mul3A_1593 = arith.constant 16 : i32
    %mul3A_1594 = vector.broadcast %mul3A_1593 : i32 to vector<192x1xi32>
    %mul3A_1595 = arith.muli %broadcast_in_dim3A_1452, %mul3A_1594 : vector<192x1xi32>
    %add3A_1596 = arith.addi %mul3A_1595, %sub3A_1592 : vector<192x1xi32>
    %sub3A_1597 = arith.constant 8 : i32
    %sub3A_1598 = vector.broadcast %sub3A_1597 : i32 to vector<192x1xi32>
    %sub3A_1599 = arith.subi %add3A_1596, %sub3A_1598 : vector<192x1xi32>
    %swap3A_1600 = arith.constant 1152 : index
    %swap3A_1601 = arith.constant 0 : index
    %swap3A_1602 = vector.load %arg16[%swap3A_1600, %swap3A_1601] : memref<1536x1xi32, #tpu.memory_space<vmem>>, vector<192x1xi32>
    tpu.vector_store %arg16[%swap3A_1600, %swap3A_1601], %sub3A_1599 {strides = array<i32>} : memref<1536x1xi32, #tpu.memory_space<vmem>>, vector<192x1xi32>,
    %get3A_1603 = arith.constant 0 : index
    %get3A_1604 = arith.constant 0 : index
    %get3A_1605 = arith.constant 7 : index
    %get3A_1606 = arith.constant 0 : index
    %get3A_1607 = vector.load %arg1[%get3A_1603, %get3A_1604, %get3A_1605, %get3A_1606] : memref<1x64x8x192xf32, #tpu.memory_space<vmem>>, vector<1x64x1x192xf32>
    %get3A_1608 = vector.shape_cast %get3A_1607 : vector<1x64x1x192xf32> to vector<64x192xf32>
    %transpose3A_1609 = tpu.transpose %get3A_1608, [1, 0] : vector<64x192xf32> -> vector<192x64xf32>
    %convert_element_type3A_1610 = arith.truncf %transpose3A_1609 : vector<192x64xf32> to vector<192x64xbf16>
    %swap3A_1611 = arith.constant 1344 : index
    %swap3A_1612 = arith.constant 0 : index
    %swap3A_1613 = vector.load %arg15[%swap3A_1611, %swap3A_1612] : memref<1536x64xbf16, #tpu.memory_space<vmem>>, vector<192x64xbf16>
    tpu.vector_store %arg15[%swap3A_1611, %swap3A_1612], %convert_element_type3A_1610 {strides = array<i32>} : memref<1536x64xbf16, #tpu.memory_space<vmem>>, vector<192x64xbf16>,
    %get3A_1614 = arith.constant 7 : index
    %get3A_1615 = arith.constant 0 : index
    %get3A_1616 = arith.constant 0 : index
    %get3A_1617 = vector.load %arg2[%get3A_1614, %get3A_1615, %get3A_1616] : memref<8x32x64xbf16, #tpu.memory_space<vmem>>, vector<1x32x64xbf16>
    %get3A_1618 = vector.shape_cast %get3A_1617 : vector<1x32x64xbf16> to vector<32x64xbf16>
    %convert_element_type3A_1619 = arith.truncf %transpose3A_1609 : vector<192x64xf32> to vector<192x64xbf16>
    %dot_general3A_1620 = arith.constant dense<0.000000e+00> : vector<192x32xf32>
    %dot_general3A_1621 = tpu.matmul %convert_element_type3A_1619, %get3A_1618, %dot_general3A_1620 {dimension_numbers = #tpu.dot_dimension_numbers<[1], [1], [0], [0], [0, 0, 1, 0], [], []>, transpose_lhs_hint = false} : vector<192x64xbf16>, vector<32x64xbf16>, vector<192x32xf32> -> vector<192x32xf32>
    %get3A_1622 = arith.constant 7 : index
    %get3A_1623 = arith.constant 0 : index
    %get3A_1624 = vector.load %arg3[%get3A_1622, %get3A_1623] : memref<8x32xf32, #tpu.memory_space<vmem>>, vector<1x32xf32>
    %get3A_1625 = vector.shape_cast %get3A_1624 : vector<1x32xf32> to vector<32xf32>
    %broadcast_in_dim3A_1626 = vector.shape_cast %get3A_1625 : vector<32xf32> to vector<1x32xf32>
    %add3A_1627 = vector.broadcast %broadcast_in_dim3A_1626 : vector<1x32xf32> to vector<192x32xf32>
    %add3A_1628 = arith.addf %dot_general3A_1621, %add3A_1627 : vector<192x32xf32>
    %ge3A_1629 = arith.constant 0.000000e+00 : f32
    %ge3A_1630 = vector.broadcast %ge3A_1629 : f32 to vector<192x32xf32>
    %ge3A_1631 = arith.cmpf oge, %add3A_1628, %ge3A_1630 : vector<192x32xf32>
    %mul3A_1632 = arith.constant 0.00999999977 : f32
    %mul3A_1633 = vector.broadcast %mul3A_1632 : f32 to vector<192x32xf32>
    %mul3A_1634 = arith.mulf %mul3A_1633, %add3A_1628 : vector<192x32xf32>
    %select_n3A_1635 = arith.select %ge3A_1631, %add3A_1628, %mul3A_1634 : vector<192x32xi1>, vector<192x32xf32>
    %get3A_1636 = arith.constant 7 : index
    %get3A_1637 = arith.constant 0 : index
    %get3A_1638 = arith.constant 0 : index
    %get3A_1639 = vector.load %arg4[%get3A_1636, %get3A_1637, %get3A_1638] : memref<8x32x32xbf16, #tpu.memory_space<vmem>>, vector<1x32x32xbf16>
    %get3A_1640 = vector.shape_cast %get3A_1639 : vector<1x32x32xbf16> to vector<32x32xbf16>
    %convert_element_type3A_1641 = arith.truncf %select_n3A_1635 : vector<192x32xf32> to vector<192x32xbf16>
    %dot_general3A_1642 = arith.constant dense<0.000000e+00> : vector<192x32xf32>
    %dot_general3A_1643 = tpu.matmul %convert_element_type3A_1641, %get3A_1640, %dot_general3A_1642 {dimension_numbers = #tpu.dot_dimension_numbers<[1], [1], [0], [0], [0, 0, 1, 0], [], []>, transpose_lhs_hint = false} : vector<192x32xbf16>, vector<32x32xbf16>, vector<192x32xf32> -> vector<192x32xf32>
    %get3A_1644 = arith.constant 7 : index
    %get3A_1645 = arith.constant 0 : index
    %get3A_1646 = vector.load %arg5[%get3A_1644, %get3A_1645] : memref<8x32xf32, #tpu.memory_space<vmem>>, vector<1x32xf32>
    %get3A_1647 = vector.shape_cast %get3A_1646 : vector<1x32xf32> to vector<32xf32>
    %broadcast_in_dim3A_1648 = vector.shape_cast %get3A_1647 : vector<32xf32> to vector<1x32xf32>
    %add3A_1649 = vector.broadcast %broadcast_in_dim3A_1648 : vector<1x32xf32> to vector<192x32xf32>
    %add3A_1650 = arith.addf %dot_general3A_1643, %add3A_1649 : vector<192x32xf32>
    %ge3A_1651 = arith.constant 0.000000e+00 : f32
    %ge3A_1652 = vector.broadcast %ge3A_1651 : f32 to vector<192x32xf32>
    %ge3A_1653 = arith.cmpf oge, %add3A_1650, %ge3A_1652 : vector<192x32xf32>
    %mul3A_1654 = arith.constant 0.00999999977 : f32
    %mul3A_1655 = vector.broadcast %mul3A_1654 : f32 to vector<192x32xf32>
    %mul3A_1656 = arith.mulf %mul3A_1655, %add3A_1650 : vector<192x32xf32>
    %select_n3A_1657 = arith.select %ge3A_1653, %add3A_1650, %mul3A_1656 : vector<192x32xi1>, vector<192x32xf32>
    %get3A_1658 = arith.constant 7 : index
    %get3A_1659 = arith.constant 0 : index
    %get3A_1660 = arith.constant 0 : index
    %get3A_1661 = vector.load %arg6[%get3A_1658, %get3A_1659, %get3A_1660] : memref<8x16x32xbf16, #tpu.memory_space<vmem>>, vector<1x16x32xbf16>
    %get3A_1662 = vector.shape_cast %get3A_1661 : vector<1x16x32xbf16> to vector<16x32xbf16>
    %convert_element_type3A_1663 = arith.truncf %select_n3A_1657 : vector<192x32xf32> to vector<192x32xbf16>
    %dot_general3A_1664 = arith.constant dense<0.000000e+00> : vector<192x16xf32>
    %dot_general3A_1665 = tpu.matmul %convert_element_type3A_1663, %get3A_1662, %dot_general3A_1664 {dimension_numbers = #tpu.dot_dimension_numbers<[1], [1], [0], [0], [0, 0, 1, 0], [], []>, transpose_lhs_hint = false} : vector<192x32xbf16>, vector<16x32xbf16>, vector<192x16xf32> -> vector<192x16xf32>
    %get3A_1666 = arith.constant 7 : index
    %get3A_1667 = arith.constant 0 : index
    %get3A_1668 = vector.load %arg7[%get3A_1666, %get3A_1667] : memref<8x16xf32, #tpu.memory_space<vmem>>, vector<1x16xf32>
    %get3A_1669 = vector.shape_cast %get3A_1668 : vector<1x16xf32> to vector<16xf32>
    %broadcast_in_dim3A_1670 = vector.shape_cast %get3A_1669 : vector<16xf32> to vector<1x16xf32>
    %add3A_1671 = vector.broadcast %broadcast_in_dim3A_1670 : vector<1x16xf32> to vector<192x16xf32>
    %add3A_1672 = arith.addf %dot_general3A_1665, %add3A_1671 : vector<192x16xf32>
    %reduce_max3A_1673 = arith.constant dense<0xFF800000> : vector<192xf32>
    %reduce_max3A_1674 = vector.multi_reduction <maximumf>, %add3A_1672, %reduce_max3A_1673 [1] : vector<192x16xf32> to vector<192xf32>
    %broadcast_in_dim3A_1675 = vector.shape_cast %reduce_max3A_1674 : vector<192xf32> to vector<192x1xf32>
    %iota3A_1676 = tpu.iota {dimensions = array<i32: 1>} : vector<192x16xi32>
    %eq3A_1677 = vector.broadcast %broadcast_in_dim3A_1675 : vector<192x1xf32> to vector<192x16xf32>
    %eq3A_1678 = arith.cmpf oeq, %add3A_1672, %eq3A_1677 : vector<192x16xf32>
    %jit3A_1679 = arith.constant 1073741824 : i32
    %broadcast_in_dim3A_1680 = vector.broadcast %jit3A_1679 : i32 to vector<192x16xi32>
    %select_n3A_1681 = arith.select %eq3A_1678, %iota3A_1676, %broadcast_in_dim3A_1680 : vector<192x16xi1>, vector<192x16xi32>
    %reduce_min3A_1682 = arith.constant dense<2147483647> : vector<192xi32>
    %reduce_min3A_1683 = vector.multi_reduction <minsi>, %select_n3A_1681, %reduce_min3A_1682 [1] : vector<192x16xi32> to vector<192xi32>
    %broadcast_in_dim3A_1684 = vector.shape_cast %reduce_min3A_1683 : vector<192xi32> to vector<192x1xi32>
    %iota3A_1685 = tpu.iota {dimensions = array<i32: 1>} : vector<192x512xi32>
    %jit3A_1686 = arith.constant 32 : i32
    %div3A_1687 = vector.broadcast %jit3A_1686 : i32 to vector<192x512xi32>
    %div3A_1688 = arith.divsi %iota3A_1685, %div3A_1687 : vector<192x512xi32>
    %sign3A_1689 = arith.constant 0 : i32
    %sign3A_1690 = vector.broadcast %sign3A_1689 : i32 to vector<192x512xi32>
    %sign3A_1691 = arith.cmpi sgt, %iota3A_1685, %sign3A_1690 : vector<192x512xi32>
    %sign3A_1692 = arith.extui %sign3A_1691 : vector<192x512xi1> to vector<192x512xi32>
    %sign3A_1693 = arith.constant 0 : i32
    %sign3A_1694 = vector.broadcast %sign3A_1693 : i32 to vector<192x512xi32>
    %sign3A_1695 = arith.cmpi slt, %iota3A_1685, %sign3A_1694 : vector<192x512xi32>
    %sign3A_1696 = arith.extui %sign3A_1695 : vector<192x512xi1> to vector<192x512xi32>
    %sign3A_1697 = arith.subi %sign3A_1692, %sign3A_1696 : vector<192x512xi32>
    %sign3A_1698 = arith.constant 0 : i32
    %sign3A_1699 = arith.cmpi sgt, %jit3A_1686, %sign3A_1698 : i32
    %sign3A_1700 = arith.extui %sign3A_1699 : i1 to i32
    %sign3A_1701 = arith.constant 0 : i32
    %sign3A_1702 = arith.cmpi slt, %jit3A_1686, %sign3A_1701 : i32
    %sign3A_1703 = arith.extui %sign3A_1702 : i1 to i32
    %sign3A_1704 = arith.subi %sign3A_1700, %sign3A_1703 : i32
    %ne3A_1705 = vector.broadcast %sign3A_1704 : i32 to vector<192x512xi32>
    %ne3A_1706 = arith.cmpi ne, %sign3A_1697, %ne3A_1705 : vector<192x512xi32>
    %rem3A_1707 = vector.broadcast %jit3A_1686 : i32 to vector<192x512xi32>
    %rem3A_1708 = arith.remsi %iota3A_1685, %rem3A_1707 : vector<192x512xi32>
    %ne3A_1709 = arith.constant 0 : i32
    %ne3A_1710 = vector.broadcast %ne3A_1709 : i32 to vector<192x512xi32>
    %ne3A_1711 = arith.cmpi ne, %rem3A_1708, %ne3A_1710 : vector<192x512xi32>
    %and3A_1712 = arith.andi %ne3A_1706, %ne3A_1711 : vector<192x512xi1>
    %sub3A_1713 = arith.constant 1 : i32
    %sub3A_1714 = vector.broadcast %sub3A_1713 : i32 to vector<192x512xi32>
    %sub3A_1715 = arith.subi %div3A_1688, %sub3A_1714 : vector<192x512xi32>
    %select_n3A_1716 = arith.select %and3A_1712, %sub3A_1715, %div3A_1688 : vector<192x512xi1>, vector<192x512xi32>
    %eq3A_1717 = vector.broadcast %broadcast_in_dim3A_1684 : vector<192x1xi32> to vector<192x512xi32>
    %eq3A_1718 = arith.cmpi eq, %select_n3A_1716, %eq3A_1717 : vector<192x512xi32>
    %convert_element_type3A_1719 = arith.extui %eq3A_1718 : vector<192x512xi1> to vector<192x512xi32>
    %convert_element_type3A_1720 = arith.sitofp %convert_element_type3A_1719 : vector<192x512xi32> to vector<192x512xf32>
    %get3A_1721 = arith.constant 7 : index
    %get3A_1722 = arith.constant 0 : index
    %get3A_1723 = arith.constant 0 : index
    %get3A_1724 = vector.load %arg8[%get3A_1721, %get3A_1722, %get3A_1723] : memref<8x64x512xbf16, #tpu.memory_space<vmem>>, vector<1x64x512xbf16>
    %get3A_1725 = vector.shape_cast %get3A_1724 : vector<1x64x512xbf16> to vector<64x512xbf16>
    %convert_element_type3A_1726 = arith.truncf %transpose3A_1609 : vector<192x64xf32> to vector<192x64xbf16>
    %dot_general3A_1727 = arith.constant dense<0.000000e+00> : vector<192x512xf32>
    %dot_general3A_1728 = tpu.matmul %convert_element_type3A_1726, %get3A_1725, %dot_general3A_1727 {dimension_numbers = #tpu.dot_dimension_numbers<[1], [0], [0], [1], [0, 0, 1, 1], [], []>, transpose_lhs_hint = false} : vector<192x64xbf16>, vector<64x512xbf16>, vector<192x512xf32> -> vector<192x512xf32>
    %get3A_1729 = arith.constant 7 : index
    %get3A_1730 = arith.constant 0 : index
    %get3A_1731 = vector.load %arg9[%get3A_1729, %get3A_1730] : memref<8x512xf32, #tpu.memory_space<vmem>>, vector<1x512xf32>
    %get3A_1732 = vector.shape_cast %get3A_1731 : vector<1x512xf32> to vector<512xf32>
    %broadcast_in_dim3A_1733 = vector.shape_cast %get3A_1732 : vector<512xf32> to vector<1x512xf32>
    %add3A_1734 = vector.broadcast %broadcast_in_dim3A_1733 : vector<1x512xf32> to vector<192x512xf32>
    %add3A_1735 = arith.addf %dot_general3A_1728, %add3A_1734 : vector<192x512xf32>
    %mul3A_1736 = arith.mulf %add3A_1735, %convert_element_type3A_1720 : vector<192x512xf32>
    %get3A_1737 = arith.constant 0 : index
    %get3A_1738 = arith.constant 0 : index
    %get3A_1739 = vector.load %arg14[%get3A_1737, %get3A_1738] : memref<2048x32xbf16, #tpu.memory_space<vmem>>, vector<512x32xbf16>
    %convert_element_type3A_1740 = arith.truncf %mul3A_1736 : vector<192x512xf32> to vector<192x512xbf16>
    %convert_element_type3A_1741 = arith.extf %convert_element_type3A_1740 : vector<192x512xbf16> to vector<192x512xf32>
    %sub3A_1742 = arith.subf %mul3A_1736, %convert_element_type3A_1741 : vector<192x512xf32>
    %convert_element_type3A_1743 = arith.truncf %sub3A_1742 : vector<192x512xf32> to vector<192x512xbf16>
    %dot_general3A_1744 = arith.constant dense<0.000000e+00> : vector<192x32xf32>
    %dot_general3A_1745 = tpu.matmul %convert_element_type3A_1740, %get3A_1739, %dot_general3A_1744 {dimension_numbers = #tpu.dot_dimension_numbers<[1], [0], [0], [1], [0, 0, 1, 1], [], []>, transpose_lhs_hint = false} : vector<192x512xbf16>, vector<512x32xbf16>, vector<192x32xf32> -> vector<192x32xf32>
    %dot_general3A_1746 = arith.constant dense<0.000000e+00> : vector<192x32xf32>
    %dot_general3A_1747 = tpu.matmul %convert_element_type3A_1743, %get3A_1739, %dot_general3A_1746 {dimension_numbers = #tpu.dot_dimension_numbers<[1], [0], [0], [1], [0, 0, 1, 1], [], []>, transpose_lhs_hint = false} : vector<192x512xbf16>, vector<512x32xbf16>, vector<192x32xf32> -> vector<192x32xf32>
    %add3A_1748 = arith.addf %dot_general3A_1745, %dot_general3A_1747 : vector<192x32xf32>
    %ge3A_1749 = arith.constant 0.000000e+00 : f32
    %ge3A_1750 = vector.broadcast %ge3A_1749 : f32 to vector<192x32xf32>
    %ge3A_1751 = arith.cmpf oge, %add3A_1748, %ge3A_1750 : vector<192x32xf32>
    %mul3A_1752 = arith.constant 0.00999999977 : f32
    %mul3A_1753 = vector.broadcast %mul3A_1752 : f32 to vector<192x32xf32>
    %mul3A_1754 = arith.mulf %mul3A_1753, %add3A_1748 : vector<192x32xf32>
    %select_n3A_1755 = arith.select %ge3A_1751, %add3A_1748, %mul3A_1754 : vector<192x32xi1>, vector<192x32xf32>
    %get3A_1756 = arith.constant 7 : index
    %get3A_1757 = arith.constant 0 : index
    %get3A_1758 = arith.constant 0 : index
    %get3A_1759 = vector.load %arg10[%get3A_1756, %get3A_1757, %get3A_1758] : memref<8x32x512xbf16, #tpu.memory_space<vmem>>, vector<1x32x512xbf16>
    %get3A_1760 = vector.shape_cast %get3A_1759 : vector<1x32x512xbf16> to vector<32x512xbf16>
    %convert_element_type3A_1761 = arith.truncf %select_n3A_1755 : vector<192x32xf32> to vector<192x32xbf16>
    %dot_general3A_1762 = arith.constant dense<0.000000e+00> : vector<192x512xf32>
    %dot_general3A_1763 = tpu.matmul %convert_element_type3A_1761, %get3A_1760, %dot_general3A_1762 {dimension_numbers = #tpu.dot_dimension_numbers<[1], [0], [0], [1], [0, 0, 1, 1], [], []>, transpose_lhs_hint = false} : vector<192x32xbf16>, vector<32x512xbf16>, vector<192x512xf32> -> vector<192x512xf32>
    %get3A_1764 = arith.constant 7 : index
    %get3A_1765 = arith.constant 0 : index
    %get3A_1766 = vector.load %arg11[%get3A_1764, %get3A_1765] : memref<8x512xf32, #tpu.memory_space<vmem>>, vector<1x512xf32>
    %get3A_1767 = vector.shape_cast %get3A_1766 : vector<1x512xf32> to vector<512xf32>
    %broadcast_in_dim3A_1768 = vector.shape_cast %get3A_1767 : vector<512xf32> to vector<1x512xf32>
    %add3A_1769 = vector.broadcast %broadcast_in_dim3A_1768 : vector<1x512xf32> to vector<192x512xf32>
    %add3A_1770 = arith.addf %dot_general3A_1763, %add3A_1769 : vector<192x512xf32>
    %mul3A_1771 = arith.mulf %add3A_1770, %convert_element_type3A_1720 : vector<192x512xf32>
    %get3A_1772 = arith.constant 0 : index
    %get3A_1773 = arith.constant 0 : index
    %get3A_1774 = vector.load %arg14[%get3A_1772, %get3A_1773] : memref<2048x32xbf16, #tpu.memory_space<vmem>>, vector<512x32xbf16>
    %convert_element_type3A_1775 = arith.truncf %mul3A_1771 : vector<192x512xf32> to vector<192x512xbf16>
    %convert_element_type3A_1776 = arith.extf %convert_element_type3A_1775 : vector<192x512xbf16> to vector<192x512xf32>
    %sub3A_1777 = arith.subf %mul3A_1771, %convert_element_type3A_1776 : vector<192x512xf32>
    %convert_element_type3A_1778 = arith.truncf %sub3A_1777 : vector<192x512xf32> to vector<192x512xbf16>
    %dot_general3A_1779 = arith.constant dense<0.000000e+00> : vector<192x32xf32>
    %dot_general3A_1780 = tpu.matmul %convert_element_type3A_1775, %get3A_1774, %dot_general3A_1779 {dimension_numbers = #tpu.dot_dimension_numbers<[1], [0], [0], [1], [0, 0, 1, 1], [], []>, transpose_lhs_hint = false} : vector<192x512xbf16>, vector<512x32xbf16>, vector<192x32xf32> -> vector<192x32xf32>
    %dot_general3A_1781 = arith.constant dense<0.000000e+00> : vector<192x32xf32>
    %dot_general3A_1782 = tpu.matmul %convert_element_type3A_1778, %get3A_1774, %dot_general3A_1781 {dimension_numbers = #tpu.dot_dimension_numbers<[1], [0], [0], [1], [0, 0, 1, 1], [], []>, transpose_lhs_hint = false} : vector<192x512xbf16>, vector<512x32xbf16>, vector<192x32xf32> -> vector<192x32xf32>
    %add3A_1783 = arith.addf %dot_general3A_1780, %dot_general3A_1782 : vector<192x32xf32>
    %ge3A_1784 = arith.constant 0.000000e+00 : f32
    %ge3A_1785 = vector.broadcast %ge3A_1784 : f32 to vector<192x32xf32>
    %ge3A_1786 = arith.cmpf oge, %add3A_1783, %ge3A_1785 : vector<192x32xf32>
    %mul3A_1787 = arith.constant 0.00999999977 : f32
    %mul3A_1788 = vector.broadcast %mul3A_1787 : f32 to vector<192x32xf32>
    %mul3A_1789 = arith.mulf %mul3A_1788, %add3A_1783 : vector<192x32xf32>
    %select_n3A_1790 = arith.select %ge3A_1786, %add3A_1783, %mul3A_1789 : vector<192x32xi1>, vector<192x32xf32>
    %get3A_1791 = arith.constant 7 : index
    %get3A_1792 = arith.constant 0 : index
    %get3A_1793 = arith.constant 0 : index
    %get3A_1794 = vector.load %arg12[%get3A_1791, %get3A_1792, %get3A_1793] : memref<8x32x512xbf16, #tpu.memory_space<vmem>>, vector<1x32x512xbf16>
    %get3A_1795 = vector.shape_cast %get3A_1794 : vector<1x32x512xbf16> to vector<32x512xbf16>
    %convert_element_type3A_1796 = arith.truncf %select_n3A_1790 : vector<192x32xf32> to vector<192x32xbf16>
    %dot_general3A_1797 = arith.constant dense<0.000000e+00> : vector<192x512xf32>
    %dot_general3A_1798 = tpu.matmul %convert_element_type3A_1796, %get3A_1795, %dot_general3A_1797 {dimension_numbers = #tpu.dot_dimension_numbers<[1], [0], [0], [1], [0, 0, 1, 1], [], []>, transpose_lhs_hint = false} : vector<192x32xbf16>, vector<32x512xbf16>, vector<192x512xf32> -> vector<192x512xf32>
    %get3A_1799 = arith.constant 7 : index
    %get3A_1800 = arith.constant 0 : index
    %get3A_1801 = vector.load %arg13[%get3A_1799, %get3A_1800] : memref<8x512xf32, #tpu.memory_space<vmem>>, vector<1x512xf32>
    %get3A_1802 = vector.shape_cast %get3A_1801 : vector<1x512xf32> to vector<512xf32>
    %broadcast_in_dim3A_1803 = vector.shape_cast %get3A_1802 : vector<512xf32> to vector<1x512xf32>
    %add3A_1804 = vector.broadcast %broadcast_in_dim3A_1803 : vector<1x512xf32> to vector<192x512xf32>
    %add3A_1805 = arith.addf %dot_general3A_1798, %add3A_1804 : vector<192x512xf32>
    %jit3A_1806 = arith.constant 0xFF800000 : f32
    %broadcast_in_dim3A_1807 = vector.broadcast %jit3A_1806 : f32 to vector<192x512xf32>
    %select_n3A_1808 = arith.select %eq3A_1718, %add3A_1805, %broadcast_in_dim3A_1807 : vector<192x512xi1>, vector<192x512xf32>
    %reduce_max3A_1809 = arith.constant dense<0xFF800000> : vector<192xf32>
    %reduce_max3A_1810 = vector.multi_reduction <maximumf>, %select_n3A_1808, %reduce_max3A_1809 [1] : vector<192x512xf32> to vector<192xf32>
    %broadcast_in_dim3A_1811 = vector.shape_cast %reduce_max3A_1810 : vector<192xf32> to vector<192x1xf32>
    %iota3A_1812 = tpu.iota {dimensions = array<i32: 1>} : vector<192x512xi32>
    %eq3A_1813 = vector.broadcast %broadcast_in_dim3A_1811 : vector<192x1xf32> to vector<192x512xf32>
    %eq3A_1814 = arith.cmpf oeq, %select_n3A_1808, %eq3A_1813 : vector<192x512xf32>
    %jit3A_1815 = arith.constant 1073741824 : i32
    %broadcast_in_dim3A_1816 = vector.broadcast %jit3A_1815 : i32 to vector<192x512xi32>
    %select_n3A_1817 = arith.select %eq3A_1814, %iota3A_1812, %broadcast_in_dim3A_1816 : vector<192x512xi1>, vector<192x512xi32>
    %reduce_min3A_1818 = arith.constant dense<2147483647> : vector<192xi32>
    %reduce_min3A_1819 = vector.multi_reduction <minsi>, %select_n3A_1817, %reduce_min3A_1818 [1] : vector<192x512xi32> to vector<192xi32>
    %broadcast_in_dim3A_1820 = vector.shape_cast %reduce_min3A_1819 : vector<192xi32> to vector<192x1xi32>
    %mul3A_1821 = arith.constant 32 : i32
    %mul3A_1822 = vector.broadcast %mul3A_1821 : i32 to vector<192x1xi32>
    %mul3A_1823 = arith.muli %broadcast_in_dim3A_1684, %mul3A_1822 : vector<192x1xi32>
    %sub3A_1824 = arith.subi %broadcast_in_dim3A_1820, %mul3A_1823 : vector<192x1xi32>
    %mul3A_1825 = arith.constant 16 : i32
    %mul3A_1826 = vector.broadcast %mul3A_1825 : i32 to vector<192x1xi32>
    %mul3A_1827 = arith.muli %broadcast_in_dim3A_1684, %mul3A_1826 : vector<192x1xi32>
    %add3A_1828 = arith.addi %mul3A_1827, %sub3A_1824 : vector<192x1xi32>
    %sub3A_1829 = arith.constant 8 : i32
    %sub3A_1830 = vector.broadcast %sub3A_1829 : i32 to vector<192x1xi32>
    %sub3A_1831 = arith.subi %add3A_1828, %sub3A_1830 : vector<192x1xi32>
    %swap3A_1832 = arith.constant 1344 : index
    %swap3A_1833 = arith.constant 0 : index
    %swap3A_1834 = vector.load %arg16[%swap3A_1832, %swap3A_1833] : memref<1536x1xi32, #tpu.memory_space<vmem>>, vector<192x1xi32>
    tpu.vector_store %arg16[%swap3A_1832, %swap3A_1833], %sub3A_1831 {strides = array<i32>} : memref<1536x1xi32, #tpu.memory_space<vmem>>, vector<192x1xi32>,
    return
  }
  func.func @transform_0(%arg0: i32) -> (i32, i32, i32, i32) {
    %c0_i32 = arith.constant 0 : i32
    %c0_i32_0 = arith.constant 0 : i32
    %c0_i32_1 = arith.constant 0 : i32
    %c0_i32_2 = arith.constant 0 : i32
    return %c0_i32, %c0_i32_0, %arg0, %c0_i32_1 : i32, i32, i32, i32
  }
  func.func @transform_1(%arg0: i32) -> (i32, i32, i32) {
    %c0_i32 = arith.constant 0 : i32
    %c0_i32_0 = arith.constant 0 : i32
    %c0_i32_1 = arith.constant 0 : i32
    return %arg0, %c0_i32, %c0_i32_0 : i32, i32, i32
  }
  func.func @transform_2(%arg0: i32) -> (i32, i32) {
    %c0_i32 = arith.constant 0 : i32
    %c0_i32_0 = arith.constant 0 : i32
    return %arg0, %c0_i32 : i32, i32
  }
  func.func @transform_3(%arg0: i32) -> (i32, i32, i32) {
    %c0_i32 = arith.constant 0 : i32
    %c0_i32_0 = arith.constant 0 : i32
    %c0_i32_1 = arith.constant 0 : i32
    return %arg0, %c0_i32, %c0_i32_0 : i32, i32, i32
  }
  func.func @transform_4(%arg0: i32) -> (i32, i32) {
    %c0_i32 = arith.constant 0 : i32
    %c0_i32_0 = arith.constant 0 : i32
    return %arg0, %c0_i32 : i32, i32
  }
  func.func @transform_5(%arg0: i32) -> (i32, i32, i32) {
    %c0_i32 = arith.constant 0 : i32
    %c0_i32_0 = arith.constant 0 : i32
    %c0_i32_1 = arith.constant 0 : i32
    return %arg0, %c0_i32, %c0_i32_0 : i32, i32, i32
  }
  func.func @transform_6(%arg0: i32) -> (i32, i32) {
    %c0_i32 = arith.constant 0 : i32
    %c0_i32_0 = arith.constant 0 : i32
    return %arg0, %c0_i32 : i32, i32
  }
  func.func @transform_7(%arg0: i32) -> (i32, i32, i32) {
    %c0_i32 = arith.constant 0 : i32
    %c0_i32_0 = arith.constant 0 : i32
    %c0_i32_1 = arith.constant 0 : i32
    return %arg0, %c0_i32, %c0_i32_0 : i32, i32, i32
  }
  func.func @transform_8(%arg0: i32) -> (i32, i32) {
    %c0_i32 = arith.constant 0 : i32
    %c0_i32_0 = arith.constant 0 : i32
    return %arg0, %c0_i32 : i32, i32
  }
  func.func @transform_9(%arg0: i32) -> (i32, i32, i32) {
    %c0_i32 = arith.constant 0 : i32
    %c0_i32_0 = arith.constant 0 : i32
    %c0_i32_1 = arith.constant 0 : i32
    return %arg0, %c0_i32, %c0_i32_0 : i32, i32, i32
  }
  func.func @transform_10(%arg0: i32) -> (i32, i32) {
    %c0_i32 = arith.constant 0 : i32
    %c0_i32_0 = arith.constant 0 : i32
    return %arg0, %c0_i32 : i32, i32
  }
  func.func @transform_11(%arg0: i32) -> (i32, i32, i32) {
    %c0_i32 = arith.constant 0 : i32
    %c0_i32_0 = arith.constant 0 : i32
    %c0_i32_1 = arith.constant 0 : i32
    return %arg0, %c0_i32, %c0_i32_0 : i32, i32, i32
  }
  func.func @transform_12(%arg0: i32) -> (i32, i32) {
    %c0_i32 = arith.constant 0 : i32
    %c0_i32_0 = arith.constant 0 : i32
    return %arg0, %c0_i32 : i32, i32
  }
  func.func @transform_13(%arg0: i32) -> (i32, i32) {
    %c0_i32 = arith.constant 0 : i32
    %c0_i32_0 = arith.constant 0 : i32
    %c0_i32_1 = arith.constant 0 : i32
    return %c0_i32, %c0_i32_0 : i32, i32
  }
  func.func @transform_14(%arg0: i32) -> (i32, i32) {
    %c0_i32 = arith.constant 0 : i32
    %c0_i32_0 = arith.constant 0 : i32
    return %arg0, %c0_i32 : i32, i32
  }
  func.func @transform_15(%arg0: i32) -> (i32, i32) {
    %c0_i32 = arith.constant 0 : i32
    %c0_i32_0 = arith.constant 0 : i32
    return %arg0, %c0_i32 : i32, i32
  }
}

module attributes {stable_mosaic.version = 14 : i64} {
  func.func @_stage3_body(%arg0: i32, %arg1: i32, %arg2: memref<384x64xbf16, #tpu.memory_space<vmem>>, %arg3: memref<384x1xi32, #tpu.memory_space<vmem>>, %arg4: memref<1x256x2048xbf16, #tpu.memory_space<vmem>>, %arg5: memref<1x256x32xf32, #tpu.memory_space<vmem>>, %arg6: memref<1x256x1024xbf16, #tpu.memory_space<vmem>>, %arg7: memref<1x256x32xf32, #tpu.memory_space<vmem>>, %arg8: memref<1x512x1024xbf16, #tpu.memory_space<vmem>>, %arg9: memref<1x512x32xf32, #tpu.memory_space<vmem>>, %arg10: memref<64x2048xbf16, #tpu.memory_space<vmem>>, %arg11: memref<2048x32xbf16, #tpu.memory_space<vmem>>, %arg12: memref<384x1xi32, #tpu.memory_space<vmem>>) attributes {dimension_semantics = [#tpu.dimension_semantics<arbitrary>, #tpu.dimension_semantics<arbitrary>], iteration_bounds = array<i64: 56, 2>, scalar_prefetch = 0 : i64, scratch_operands = 0 : i64, tpu.core_type = #tpu.core_type<tc>, window_params = [{transform_indices = @transform_0, window_bounds = array<i64: 384, 64>}, {transform_indices = @transform_1, window_bounds = array<i64: 384, 1>}, {transform_indices = @transform_2, window_bounds = array<i64: 1, 256, 2048>}, {transform_indices = @transform_3, window_bounds = array<i64: 1, 256, 32>}, {transform_indices = @transform_4, window_bounds = array<i64: 1, 256, 1024>}, {transform_indices = @transform_5, window_bounds = array<i64: 1, 256, 32>}, {transform_indices = @transform_6, window_bounds = array<i64: 1, 512, 1024>}, {transform_indices = @transform_7, window_bounds = array<i64: 1, 512, 32>}, {pipeline_mode = #tpu.pipeline_mode<synchronous>, transform_indices = @transform_8, window_bounds = array<i64: 64, 2048>}, {pipeline_mode = #tpu.pipeline_mode<synchronous>, transform_indices = @transform_9, window_bounds = array<i64: 2048, 32>}, {transform_indices = @transform_10, window_bounds = array<i64: 384, 1>}]} {
    %get3A = arith.constant 0 : index
    %get3A_0 = arith.constant 0 : index
    %get3A_1 = vector.load %arg2[%get3A, %get3A_0] : memref<384x64xbf16, #tpu.memory_space<vmem>>, vector<384x64xbf16>
    %get3A_2 = arith.constant 0 : index
    %get3A_3 = arith.constant 0 : index
    %get3A_4 = vector.load %arg3[%get3A_2, %get3A_3] : memref<384x1xi32, #tpu.memory_space<vmem>>, vector<384x1xi32>
    %jit3A = arith.constant 0 : i32
    %jit3A_5 = arith.constant 255 : i32
    %max3A = vector.broadcast %jit3A : i32 to vector<384x1xi32>
    %max3A_6 = arith.maxsi %max3A, %get3A_4 : vector<384x1xi32>
    %min3A = vector.broadcast %jit3A_5 : i32 to vector<384x1xi32>
    %min3A_7 = arith.minsi %min3A, %max3A_6 : vector<384x1xi32>
    %iota3A = tpu.iota {dimensions = array<i32: 1>} : vector<384x256xi32>
    %eq3A = vector.broadcast %min3A_7 : vector<384x1xi32> to vector<384x256xi32>
    %eq3A_8 = arith.cmpi eq, %iota3A, %eq3A : vector<384x256xi32>
    %convert_element_type3A = arith.extui %eq3A_8 : vector<384x256xi1> to vector<384x256xi32>
    %convert_element_type3A_9 = arith.sitofp %convert_element_type3A : vector<384x256xi32> to vector<384x256xf32>
    %convert_element_type3A_10 = arith.truncf %convert_element_type3A_9 : vector<384x256xf32> to vector<384x256xbf16>
    %get3A_11 = arith.constant 0 : index
    %get3A_12 = arith.constant 0 : index
    %get3A_13 = arith.constant 0 : index
    %get3A_14 = vector.load %arg5[%get3A_11, %get3A_12, %get3A_13] : memref<1x256x32xf32, #tpu.memory_space<vmem>>, vector<1x256x32xf32>
    %get3A_15 = vector.shape_cast %get3A_14 : vector<1x256x32xf32> to vector<256x32xf32>
    %convert_element_type3A_16 = arith.truncf %get3A_15 : vector<256x32xf32> to vector<256x32xbf16>
    %dot_general3A = arith.constant dense<0.000000e+00> : vector<384x32xf32>
    %dot_general3A_17 = tpu.matmul %convert_element_type3A_10, %convert_element_type3A_16, %dot_general3A {dimension_numbers = #tpu.dot_dimension_numbers<[1], [0], [0], [1], [0, 0, 1, 1], [], []>, transpose_lhs_hint = false} : vector<384x256xbf16>, vector<256x32xbf16>, vector<384x32xf32> -> vector<384x32xf32>
    %slice3A = vector.extract_strided_slice %get3A_1 {offsets = [0, 0], sizes = [384, 32], strides = [1, 1]} : vector<384x64xbf16> to vector<384x32xbf16>
    %get3A_18 = arith.constant 0 : index
    %get3A_19 = arith.constant 0 : index
    %get3A_20 = vector.load %arg10[%get3A_18, %get3A_19] : memref<64x2048xbf16, #tpu.memory_space<vmem>>, vector<32x1024xbf16>
    %dot_general3A_21 = arith.constant dense<0.000000e+00> : vector<384x1024xf32>
    %dot_general3A_22 = tpu.matmul %slice3A, %get3A_20, %dot_general3A_21 {dimension_numbers = #tpu.dot_dimension_numbers<[1], [0], [0], [1], [0, 0, 1, 1], [], []>, transpose_lhs_hint = false} : vector<384x32xbf16>, vector<32x1024xbf16>, vector<384x1024xf32> -> vector<384x1024xf32>
    %get3A_23 = arith.constant 0 : index
    %get3A_24 = arith.constant 0 : index
    %get3A_25 = arith.constant 0 : index
    %get3A_26 = vector.load %arg4[%get3A_23, %get3A_24, %get3A_25] : memref<1x256x2048xbf16, #tpu.memory_space<vmem>>, vector<1x256x2048xbf16>
    %get3A_27 = vector.shape_cast %get3A_26 : vector<1x256x2048xbf16> to vector<256x2048xbf16>
    %slice3A_28 = vector.extract_strided_slice %get3A_27 {offsets = [0, 0], sizes = [256, 1024], strides = [1, 1]} : vector<256x2048xbf16> to vector<256x1024xbf16>
    %dot_general3A_29 = arith.constant dense<0.000000e+00> : vector<384x1024xf32>
    %dot_general3A_30 = tpu.matmul %convert_element_type3A_10, %slice3A_28, %dot_general3A_29 {dimension_numbers = #tpu.dot_dimension_numbers<[1], [0], [0], [1], [0, 0, 1, 1], [], []>, transpose_lhs_hint = false} : vector<384x256xbf16>, vector<256x1024xbf16>, vector<384x1024xf32> -> vector<384x1024xf32>
    %convert_element_type3A_31 = arith.truncf %dot_general3A_22 : vector<384x1024xf32> to vector<384x1024xbf16>
    %convert_element_type3A_32 = arith.extf %convert_element_type3A_31 : vector<384x1024xbf16> to vector<384x1024xf32>
    %convert_element_type3A_33 = arith.truncf %dot_general3A_30 : vector<384x1024xf32> to vector<384x1024xbf16>
    %convert_element_type3A_34 = arith.extf %convert_element_type3A_33 : vector<384x1024xbf16> to vector<384x1024xf32>
    %mul3A = arith.mulf %convert_element_type3A_32, %convert_element_type3A_34 : vector<384x1024xf32>
    %get3A_35 = arith.constant 0 : index
    %get3A_36 = arith.constant 0 : index
    %get3A_37 = vector.load %arg11[%get3A_35, %get3A_36] : memref<2048x32xbf16, #tpu.memory_space<vmem>>, vector<1024x32xbf16>
    %convert_element_type3A_38 = arith.truncf %mul3A : vector<384x1024xf32> to vector<384x1024xbf16>
    %dot_general3A_39 = arith.constant dense<0.000000e+00> : vector<384x32xf32>
    %dot_general3A_40 = tpu.matmul %convert_element_type3A_38, %get3A_37, %dot_general3A_39 {dimension_numbers = #tpu.dot_dimension_numbers<[1], [0], [0], [1], [0, 0, 1, 1], [], []>, transpose_lhs_hint = false} : vector<384x1024xbf16>, vector<1024x32xbf16>, vector<384x32xf32> -> vector<384x32xf32>
    %add3A = arith.addf %dot_general3A_17, %dot_general3A_40 : vector<384x32xf32>
    %slice3A_41 = vector.extract_strided_slice %get3A_1 {offsets = [0, 32], sizes = [384, 32], strides = [1, 1]} : vector<384x64xbf16> to vector<384x32xbf16>
    %get3A_42 = arith.constant 0 : index
    %get3A_43 = arith.constant 0 : index
    %get3A_44 = vector.load %arg10[%get3A_42, %get3A_43] : memref<64x2048xbf16, #tpu.memory_space<vmem>>, vector<32x1024xbf16>
    %dot_general3A_45 = arith.constant dense<0.000000e+00> : vector<384x1024xf32>
    %dot_general3A_46 = tpu.matmul %slice3A_41, %get3A_44, %dot_general3A_45 {dimension_numbers = #tpu.dot_dimension_numbers<[1], [0], [0], [1], [0, 0, 1, 1], [], []>, transpose_lhs_hint = false} : vector<384x32xbf16>, vector<32x1024xbf16>, vector<384x1024xf32> -> vector<384x1024xf32>
    %get3A_47 = arith.constant 0 : index
    %get3A_48 = arith.constant 0 : index
    %get3A_49 = arith.constant 0 : index
    %get3A_50 = vector.load %arg4[%get3A_47, %get3A_48, %get3A_49] : memref<1x256x2048xbf16, #tpu.memory_space<vmem>>, vector<1x256x2048xbf16>
    %get3A_51 = vector.shape_cast %get3A_50 : vector<1x256x2048xbf16> to vector<256x2048xbf16>
    %slice3A_52 = vector.extract_strided_slice %get3A_51 {offsets = [0, 1024], sizes = [256, 1024], strides = [1, 1]} : vector<256x2048xbf16> to vector<256x1024xbf16>
    %dot_general3A_53 = arith.constant dense<0.000000e+00> : vector<384x1024xf32>
    %dot_general3A_54 = tpu.matmul %convert_element_type3A_10, %slice3A_52, %dot_general3A_53 {dimension_numbers = #tpu.dot_dimension_numbers<[1], [0], [0], [1], [0, 0, 1, 1], [], []>, transpose_lhs_hint = false} : vector<384x256xbf16>, vector<256x1024xbf16>, vector<384x1024xf32> -> vector<384x1024xf32>
    %convert_element_type3A_55 = arith.truncf %dot_general3A_46 : vector<384x1024xf32> to vector<384x1024xbf16>
    %convert_element_type3A_56 = arith.extf %convert_element_type3A_55 : vector<384x1024xbf16> to vector<384x1024xf32>
    %convert_element_type3A_57 = arith.truncf %dot_general3A_54 : vector<384x1024xf32> to vector<384x1024xbf16>
    %convert_element_type3A_58 = arith.extf %convert_element_type3A_57 : vector<384x1024xbf16> to vector<384x1024xf32>
    %mul3A_59 = arith.mulf %convert_element_type3A_56, %convert_element_type3A_58 : vector<384x1024xf32>
    %get3A_60 = arith.constant 0 : index
    %get3A_61 = arith.constant 0 : index
    %get3A_62 = vector.load %arg11[%get3A_60, %get3A_61] : memref<2048x32xbf16, #tpu.memory_space<vmem>>, vector<1024x32xbf16>
    %convert_element_type3A_63 = arith.truncf %mul3A_59 : vector<384x1024xf32> to vector<384x1024xbf16>
    %dot_general3A_64 = arith.constant dense<0.000000e+00> : vector<384x32xf32>
    %dot_general3A_65 = tpu.matmul %convert_element_type3A_63, %get3A_62, %dot_general3A_64 {dimension_numbers = #tpu.dot_dimension_numbers<[1], [0], [0], [1], [0, 0, 1, 1], [], []>, transpose_lhs_hint = false} : vector<384x1024xbf16>, vector<1024x32xbf16>, vector<384x32xf32> -> vector<384x32xf32>
    %add3A_66 = arith.addf %add3A, %dot_general3A_65 : vector<384x32xf32>
    %ge3A = arith.constant 0.000000e+00 : f32
    %ge3A_67 = vector.broadcast %ge3A : f32 to vector<384x32xf32>
    %ge3A_68 = arith.cmpf oge, %add3A_66, %ge3A_67 : vector<384x32xf32>
    %mul3A_69 = arith.constant 0.00999999977 : f32
    %mul3A_70 = vector.broadcast %mul3A_69 : f32 to vector<384x32xf32>
    %mul3A_71 = arith.mulf %mul3A_70, %add3A_66 : vector<384x32xf32>
    %select_n3A = arith.select %ge3A_68, %add3A_66, %mul3A_71 : vector<384x32xi1>, vector<384x32xf32>
    %get3A_72 = arith.constant 0 : index
    %get3A_73 = arith.constant 0 : index
    %get3A_74 = vector.load %arg10[%get3A_72, %get3A_73] : memref<64x2048xbf16, #tpu.memory_space<vmem>>, vector<32x1024xbf16>
    %convert_element_type3A_75 = arith.truncf %select_n3A : vector<384x32xf32> to vector<384x32xbf16>
    %dot_general3A_76 = arith.constant dense<0.000000e+00> : vector<384x1024xf32>
    %dot_general3A_77 = tpu.matmul %convert_element_type3A_75, %get3A_74, %dot_general3A_76 {dimension_numbers = #tpu.dot_dimension_numbers<[1], [0], [0], [1], [0, 0, 1, 1], [], []>, transpose_lhs_hint = false} : vector<384x32xbf16>, vector<32x1024xbf16>, vector<384x1024xf32> -> vector<384x1024xf32>
    %get3A_78 = arith.constant 0 : index
    %get3A_79 = arith.constant 0 : index
    %get3A_80 = arith.constant 0 : index
    %get3A_81 = vector.load %arg6[%get3A_78, %get3A_79, %get3A_80] : memref<1x256x1024xbf16, #tpu.memory_space<vmem>>, vector<1x256x1024xbf16>
    %get3A_82 = vector.shape_cast %get3A_81 : vector<1x256x1024xbf16> to vector<256x1024xbf16>
    %dot_general3A_83 = arith.constant dense<0.000000e+00> : vector<384x1024xf32>
    %dot_general3A_84 = tpu.matmul %convert_element_type3A_10, %get3A_82, %dot_general3A_83 {dimension_numbers = #tpu.dot_dimension_numbers<[1], [0], [0], [1], [0, 0, 1, 1], [], []>, transpose_lhs_hint = false} : vector<384x256xbf16>, vector<256x1024xbf16>, vector<384x1024xf32> -> vector<384x1024xf32>
    %convert_element_type3A_85 = arith.truncf %dot_general3A_77 : vector<384x1024xf32> to vector<384x1024xbf16>
    %convert_element_type3A_86 = arith.extf %convert_element_type3A_85 : vector<384x1024xbf16> to vector<384x1024xf32>
    %convert_element_type3A_87 = arith.truncf %dot_general3A_84 : vector<384x1024xf32> to vector<384x1024xbf16>
    %convert_element_type3A_88 = arith.extf %convert_element_type3A_87 : vector<384x1024xbf16> to vector<384x1024xf32>
    %mul3A_89 = arith.mulf %convert_element_type3A_86, %convert_element_type3A_88 : vector<384x1024xf32>
    %get3A_90 = arith.constant 0 : index
    %get3A_91 = arith.constant 0 : index
    %get3A_92 = vector.load %arg11[%get3A_90, %get3A_91] : memref<2048x32xbf16, #tpu.memory_space<vmem>>, vector<1024x32xbf16>
    %convert_element_type3A_93 = arith.truncf %mul3A_89 : vector<384x1024xf32> to vector<384x1024xbf16>
    %dot_general3A_94 = arith.constant dense<0.000000e+00> : vector<384x32xf32>
    %dot_general3A_95 = tpu.matmul %convert_element_type3A_93, %get3A_92, %dot_general3A_94 {dimension_numbers = #tpu.dot_dimension_numbers<[1], [0], [0], [1], [0, 0, 1, 1], [], []>, transpose_lhs_hint = false} : vector<384x1024xbf16>, vector<1024x32xbf16>, vector<384x32xf32> -> vector<384x32xf32>
    %get3A_96 = arith.constant 0 : index
    %get3A_97 = arith.constant 0 : index
    %get3A_98 = arith.constant 0 : index
    %get3A_99 = vector.load %arg7[%get3A_96, %get3A_97, %get3A_98] : memref<1x256x32xf32, #tpu.memory_space<vmem>>, vector<1x256x32xf32>
    %get3A_100 = vector.shape_cast %get3A_99 : vector<1x256x32xf32> to vector<256x32xf32>
    %convert_element_type3A_101 = arith.truncf %get3A_100 : vector<256x32xf32> to vector<256x32xbf16>
    %dot_general3A_102 = arith.constant dense<0.000000e+00> : vector<384x32xf32>
    %dot_general3A_103 = tpu.matmul %convert_element_type3A_10, %convert_element_type3A_101, %dot_general3A_102 {dimension_numbers = #tpu.dot_dimension_numbers<[1], [0], [0], [1], [0, 0, 1, 1], [], []>, transpose_lhs_hint = false} : vector<384x256xbf16>, vector<256x32xbf16>, vector<384x32xf32> -> vector<384x32xf32>
    %add3A_104 = arith.addf %dot_general3A_95, %dot_general3A_103 : vector<384x32xf32>
    %ge3A_105 = arith.constant 0.000000e+00 : f32
    %ge3A_106 = vector.broadcast %ge3A_105 : f32 to vector<384x32xf32>
    %ge3A_107 = arith.cmpf oge, %add3A_104, %ge3A_106 : vector<384x32xf32>
    %mul3A_108 = arith.constant 0.00999999977 : f32
    %mul3A_109 = vector.broadcast %mul3A_108 : f32 to vector<384x32xf32>
    %mul3A_110 = arith.mulf %mul3A_109, %add3A_104 : vector<384x32xf32>
    %select_n3A_111 = arith.select %ge3A_107, %add3A_104, %mul3A_110 : vector<384x32xi1>, vector<384x32xf32>
    %get3A_112 = arith.constant 0 : index
    %get3A_113 = arith.constant 0 : index
    %get3A_114 = vector.load %arg10[%get3A_112, %get3A_113] : memref<64x2048xbf16, #tpu.memory_space<vmem>>, vector<32x1024xbf16>
    %convert_element_type3A_115 = arith.truncf %select_n3A_111 : vector<384x32xf32> to vector<384x32xbf16>
    %dot_general3A_116 = arith.constant dense<0.000000e+00> : vector<384x1024xf32>
    %dot_general3A_117 = tpu.matmul %convert_element_type3A_115, %get3A_114, %dot_general3A_116 {dimension_numbers = #tpu.dot_dimension_numbers<[1], [0], [0], [1], [0, 0, 1, 1], [], []>, transpose_lhs_hint = false} : vector<384x32xbf16>, vector<32x1024xbf16>, vector<384x1024xf32> -> vector<384x1024xf32>
    %slice3A_118 = vector.extract_strided_slice %convert_element_type3A_10 {offsets = [0, 0], sizes = [192, 256], strides = [1, 1]} : vector<384x256xbf16> to vector<192x256xbf16>
    %get3A_119 = arith.constant 0 : index
    %get3A_120 = arith.constant 0 : index
    %get3A_121 = arith.constant 0 : index
    %get3A_122 = vector.load %arg8[%get3A_119, %get3A_120, %get3A_121] : memref<1x512x1024xbf16, #tpu.memory_space<vmem>>, vector<1x512x1024xbf16>
    %get3A_123 = vector.shape_cast %get3A_122 : vector<1x512x1024xbf16> to vector<512x1024xbf16>
    %slice3A_124 = vector.extract_strided_slice %get3A_123 {offsets = [0, 0], sizes = [256, 1024], strides = [1, 1]} : vector<512x1024xbf16> to vector<256x1024xbf16>
    %dot_general3A_125 = arith.constant dense<0.000000e+00> : vector<192x1024xf32>
    %dot_general3A_126 = tpu.matmul %slice3A_118, %slice3A_124, %dot_general3A_125 {dimension_numbers = #tpu.dot_dimension_numbers<[1], [0], [0], [1], [0, 0, 1, 1], [], []>, transpose_lhs_hint = false} : vector<192x256xbf16>, vector<256x1024xbf16>, vector<192x1024xf32> -> vector<192x1024xf32>
    %slice3A_127 = vector.extract_strided_slice %dot_general3A_117 {offsets = [0, 0], sizes = [192, 1024], strides = [1, 1]} : vector<384x1024xf32> to vector<192x1024xf32>
    %convert_element_type3A_128 = arith.truncf %slice3A_127 : vector<192x1024xf32> to vector<192x1024xbf16>
    %convert_element_type3A_129 = arith.extf %convert_element_type3A_128 : vector<192x1024xbf16> to vector<192x1024xf32>
    %convert_element_type3A_130 = arith.truncf %dot_general3A_126 : vector<192x1024xf32> to vector<192x1024xbf16>
    %convert_element_type3A_131 = arith.extf %convert_element_type3A_130 : vector<192x1024xbf16> to vector<192x1024xf32>
    %mul3A_132 = arith.mulf %convert_element_type3A_129, %convert_element_type3A_131 : vector<192x1024xf32>
    %get3A_133 = arith.constant 0 : index
    %get3A_134 = arith.constant 0 : index
    %get3A_135 = vector.load %arg11[%get3A_133, %get3A_134] : memref<2048x32xbf16, #tpu.memory_space<vmem>>, vector<1024x32xbf16>
    %convert_element_type3A_136 = arith.truncf %mul3A_132 : vector<192x1024xf32> to vector<192x1024xbf16>
    %dot_general3A_137 = arith.constant dense<0.000000e+00> : vector<192x32xf32>
    %dot_general3A_138 = tpu.matmul %convert_element_type3A_136, %get3A_135, %dot_general3A_137 {dimension_numbers = #tpu.dot_dimension_numbers<[1], [0], [0], [1], [0, 0, 1, 1], [], []>, transpose_lhs_hint = false} : vector<192x1024xbf16>, vector<1024x32xbf16>, vector<192x32xf32> -> vector<192x32xf32>
    %get3A_139 = arith.constant 0 : index
    %get3A_140 = arith.constant 0 : index
    %get3A_141 = arith.constant 0 : index
    %get3A_142 = vector.load %arg9[%get3A_139, %get3A_140, %get3A_141] : memref<1x512x32xf32, #tpu.memory_space<vmem>>, vector<1x512x32xf32>
    %get3A_143 = vector.shape_cast %get3A_142 : vector<1x512x32xf32> to vector<512x32xf32>
    %slice3A_144 = vector.extract_strided_slice %get3A_143 {offsets = [0, 0], sizes = [256, 32], strides = [1, 1]} : vector<512x32xf32> to vector<256x32xf32>
    %convert_element_type3A_145 = arith.truncf %slice3A_144 : vector<256x32xf32> to vector<256x32xbf16>
    %dot_general3A_146 = arith.constant dense<0.000000e+00> : vector<192x32xf32>
    %dot_general3A_147 = tpu.matmul %slice3A_118, %convert_element_type3A_145, %dot_general3A_146 {dimension_numbers = #tpu.dot_dimension_numbers<[1], [0], [0], [1], [0, 0, 1, 1], [], []>, transpose_lhs_hint = false} : vector<192x256xbf16>, vector<256x32xbf16>, vector<192x32xf32> -> vector<192x32xf32>
    %add3A_148 = arith.addf %dot_general3A_138, %dot_general3A_147 : vector<192x32xf32>
    %slice3A_149 = vector.extract_strided_slice %convert_element_type3A_10 {offsets = [192, 0], sizes = [192, 256], strides = [1, 1]} : vector<384x256xbf16> to vector<192x256xbf16>
    %get3A_150 = arith.constant 0 : index
    %get3A_151 = arith.constant 0 : index
    %get3A_152 = arith.constant 0 : index
    %get3A_153 = vector.load %arg8[%get3A_150, %get3A_151, %get3A_152] : memref<1x512x1024xbf16, #tpu.memory_space<vmem>>, vector<1x512x1024xbf16>
    %get3A_154 = vector.shape_cast %get3A_153 : vector<1x512x1024xbf16> to vector<512x1024xbf16>
    %slice3A_155 = vector.extract_strided_slice %get3A_154 {offsets = [256, 0], sizes = [256, 1024], strides = [1, 1]} : vector<512x1024xbf16> to vector<256x1024xbf16>
    %dot_general3A_156 = arith.constant dense<0.000000e+00> : vector<192x1024xf32>
    %dot_general3A_157 = tpu.matmul %slice3A_149, %slice3A_155, %dot_general3A_156 {dimension_numbers = #tpu.dot_dimension_numbers<[1], [0], [0], [1], [0, 0, 1, 1], [], []>, transpose_lhs_hint = false} : vector<192x256xbf16>, vector<256x1024xbf16>, vector<192x1024xf32> -> vector<192x1024xf32>
    %slice3A_158 = vector.extract_strided_slice %dot_general3A_117 {offsets = [192, 0], sizes = [192, 1024], strides = [1, 1]} : vector<384x1024xf32> to vector<192x1024xf32>
    %convert_element_type3A_159 = arith.truncf %slice3A_158 : vector<192x1024xf32> to vector<192x1024xbf16>
    %convert_element_type3A_160 = arith.extf %convert_element_type3A_159 : vector<192x1024xbf16> to vector<192x1024xf32>
    %convert_element_type3A_161 = arith.truncf %dot_general3A_157 : vector<192x1024xf32> to vector<192x1024xbf16>
    %convert_element_type3A_162 = arith.extf %convert_element_type3A_161 : vector<192x1024xbf16> to vector<192x1024xf32>
    %mul3A_163 = arith.mulf %convert_element_type3A_160, %convert_element_type3A_162 : vector<192x1024xf32>
    %get3A_164 = arith.constant 0 : index
    %get3A_165 = arith.constant 0 : index
    %get3A_166 = vector.load %arg11[%get3A_164, %get3A_165] : memref<2048x32xbf16, #tpu.memory_space<vmem>>, vector<1024x32xbf16>
    %convert_element_type3A_167 = arith.truncf %mul3A_163 : vector<192x1024xf32> to vector<192x1024xbf16>
    %dot_general3A_168 = arith.constant dense<0.000000e+00> : vector<192x32xf32>
    %dot_general3A_169 = tpu.matmul %convert_element_type3A_167, %get3A_166, %dot_general3A_168 {dimension_numbers = #tpu.dot_dimension_numbers<[1], [0], [0], [1], [0, 0, 1, 1], [], []>, transpose_lhs_hint = false} : vector<192x1024xbf16>, vector<1024x32xbf16>, vector<192x32xf32> -> vector<192x32xf32>
    %get3A_170 = arith.constant 0 : index
    %get3A_171 = arith.constant 0 : index
    %get3A_172 = arith.constant 0 : index
    %get3A_173 = vector.load %arg9[%get3A_170, %get3A_171, %get3A_172] : memref<1x512x32xf32, #tpu.memory_space<vmem>>, vector<1x512x32xf32>
    %get3A_174 = vector.shape_cast %get3A_173 : vector<1x512x32xf32> to vector<512x32xf32>
    %slice3A_175 = vector.extract_strided_slice %get3A_174 {offsets = [256, 0], sizes = [256, 32], strides = [1, 1]} : vector<512x32xf32> to vector<256x32xf32>
    %convert_element_type3A_176 = arith.truncf %slice3A_175 : vector<256x32xf32> to vector<256x32xbf16>
    %dot_general3A_177 = arith.constant dense<0.000000e+00> : vector<192x32xf32>
    %dot_general3A_178 = tpu.matmul %slice3A_149, %convert_element_type3A_176, %dot_general3A_177 {dimension_numbers = #tpu.dot_dimension_numbers<[1], [0], [0], [1], [0, 0, 1, 1], [], []>, transpose_lhs_hint = false} : vector<192x256xbf16>, vector<256x32xbf16>, vector<192x32xf32> -> vector<192x32xf32>
    %add3A_179 = arith.addf %dot_general3A_169, %dot_general3A_178 : vector<192x32xf32>
    %concatenate3A = tpu.concatenate %add3A_148, %add3A_179 in 0 : vector<192x32xf32>, vector<192x32xf32> -> vector<384x32xf32>
    %reduce_max3A = arith.constant dense<0xFF800000> : vector<384xf32>
    %reduce_max3A_180 = vector.multi_reduction <maximumf>, %concatenate3A, %reduce_max3A [1] : vector<384x32xf32> to vector<384xf32>
    %broadcast_in_dim3A = vector.shape_cast %reduce_max3A_180 : vector<384xf32> to vector<384x1xf32>
    %iota3A_181 = tpu.iota {dimensions = array<i32: 1>} : vector<384x32xi32>
    %eq3A_182 = vector.broadcast %broadcast_in_dim3A : vector<384x1xf32> to vector<384x32xf32>
    %eq3A_183 = arith.cmpf oeq, %concatenate3A, %eq3A_182 : vector<384x32xf32>
    %jit3A_184 = arith.constant 1073741824 : i32
    %broadcast_in_dim3A_185 = vector.broadcast %jit3A_184 : i32 to vector<384x32xi32>
    %select_n3A_186 = arith.select %eq3A_183, %iota3A_181, %broadcast_in_dim3A_185 : vector<384x32xi1>, vector<384x32xi32>
    %reduce_min3A = arith.constant dense<2147483647> : vector<384xi32>
    %reduce_min3A_187 = vector.multi_reduction <minsi>, %select_n3A_186, %reduce_min3A [1] : vector<384x32xi32> to vector<384xi32>
    %broadcast_in_dim3A_188 = vector.shape_cast %reduce_min3A_187 : vector<384xi32> to vector<384x1xi32>
    %mul3A_189 = arith.constant 16 : i32
    %mul3A_190 = vector.broadcast %mul3A_189 : i32 to vector<384x1xi32>
    %mul3A_191 = arith.muli %get3A_4, %mul3A_190 : vector<384x1xi32>
    %add3A_192 = arith.addi %mul3A_191, %broadcast_in_dim3A_188 : vector<384x1xi32>
    %sub3A = arith.constant 8 : i32
    %sub3A_193 = vector.broadcast %sub3A : i32 to vector<384x1xi32>
    %sub3A_194 = arith.subi %add3A_192, %sub3A_193 : vector<384x1xi32>
    %jit3A_195 = arith.constant 0 : i32
    %jit3A_196 = arith.constant 4095 : i32
    %max3A_197 = vector.broadcast %jit3A_195 : i32 to vector<384x1xi32>
    %max3A_198 = arith.maxsi %max3A_197, %sub3A_194 : vector<384x1xi32>
    %min3A_199 = vector.broadcast %jit3A_196 : i32 to vector<384x1xi32>
    %min3A_200 = arith.minsi %min3A_199, %max3A_198 : vector<384x1xi32>
    %swap3A = arith.constant 0 : index
    %swap3A_201 = arith.constant 0 : index
    %swap3A_202 = vector.load %arg12[%swap3A, %swap3A_201] : memref<384x1xi32, #tpu.memory_space<vmem>>, vector<384x1xi32>
    tpu.vector_store %arg12[%swap3A, %swap3A_201], %min3A_200 {strides = array<i32>} : memref<384x1xi32, #tpu.memory_space<vmem>>, vector<384x1xi32>,
    return
  }
  func.func @transform_0(%arg0: i32, %arg1: i32) -> (i32, i32) {
    %mul3A = arith.constant 2 : i32
    %mul3A_0 = arith.muli %arg0, %mul3A : i32
    %add3A = arith.addi %mul3A_0, %arg1 : i32
    %c0_i32 = arith.constant 0 : i32
    %c0_i32_1 = arith.constant 0 : i32
    return %add3A, %c0_i32 : i32, i32
  }
  func.func @transform_1(%arg0: i32, %arg1: i32) -> (i32, i32) {
    %mul3A = arith.constant 2 : i32
    %mul3A_0 = arith.muli %arg0, %mul3A : i32
    %add3A = arith.addi %mul3A_0, %arg1 : i32
    %c0_i32 = arith.constant 0 : i32
    %c0_i32_1 = arith.constant 0 : i32
    return %add3A, %c0_i32 : i32, i32
  }
  func.func @transform_2(%arg0: i32, %arg1: i32) -> (i32, i32, i32) {
    %c0_i32 = arith.constant 0 : i32
    %c0_i32_0 = arith.constant 0 : i32
    %c0_i32_1 = arith.constant 0 : i32
    return %arg0, %c0_i32, %c0_i32_0 : i32, i32, i32
  }
  func.func @transform_3(%arg0: i32, %arg1: i32) -> (i32, i32, i32) {
    %c0_i32 = arith.constant 0 : i32
    %c0_i32_0 = arith.constant 0 : i32
    %c0_i32_1 = arith.constant 0 : i32
    return %arg0, %c0_i32, %c0_i32_0 : i32, i32, i32
  }
  func.func @transform_4(%arg0: i32, %arg1: i32) -> (i32, i32, i32) {
    %c0_i32 = arith.constant 0 : i32
    %c0_i32_0 = arith.constant 0 : i32
    %c0_i32_1 = arith.constant 0 : i32
    return %arg0, %c0_i32, %c0_i32_0 : i32, i32, i32
  }
  func.func @transform_5(%arg0: i32, %arg1: i32) -> (i32, i32, i32) {
    %c0_i32 = arith.constant 0 : i32
    %c0_i32_0 = arith.constant 0 : i32
    %c0_i32_1 = arith.constant 0 : i32
    return %arg0, %c0_i32, %c0_i32_0 : i32, i32, i32
  }
  func.func @transform_6(%arg0: i32, %arg1: i32) -> (i32, i32, i32) {
    %mul3A = arith.constant 2 : i32
    %mul3A_0 = arith.muli %arg0, %mul3A : i32
    %add3A = arith.addi %mul3A_0, %arg1 : i32
    %c0_i32 = arith.constant 0 : i32
    %c0_i32_1 = arith.constant 0 : i32
    %c0_i32_2 = arith.constant 0 : i32
    return %add3A, %c0_i32, %c0_i32_1 : i32, i32, i32
  }
  func.func @transform_7(%arg0: i32, %arg1: i32) -> (i32, i32, i32) {
    %mul3A = arith.constant 2 : i32
    %mul3A_0 = arith.muli %arg0, %mul3A : i32
    %add3A = arith.addi %mul3A_0, %arg1 : i32
    %c0_i32 = arith.constant 0 : i32
    %c0_i32_1 = arith.constant 0 : i32
    %c0_i32_2 = arith.constant 0 : i32
    return %add3A, %c0_i32, %c0_i32_1 : i32, i32, i32
  }
  func.func @transform_8(%arg0: i32, %arg1: i32) -> (i32, i32) {
    %c0_i32 = arith.constant 0 : i32
    %c0_i32_0 = arith.constant 0 : i32
    %c0_i32_1 = arith.constant 0 : i32
    return %c0_i32, %c0_i32_0 : i32, i32
  }
  func.func @transform_9(%arg0: i32, %arg1: i32) -> (i32, i32) {
    %c0_i32 = arith.constant 0 : i32
    %c0_i32_0 = arith.constant 0 : i32
    %c0_i32_1 = arith.constant 0 : i32
    return %c0_i32, %c0_i32_0 : i32, i32
  }
  func.func @transform_10(%arg0: i32, %arg1: i32) -> (i32, i32) {
    %mul3A = arith.constant 2 : i32
    %mul3A_0 = arith.muli %arg0, %mul3A : i32
    %add3A = arith.addi %mul3A_0, %arg1 : i32
    %c0_i32 = arith.constant 0 : i32
    %c0_i32_1 = arith.constant 0 : i32
    return %add3A, %c0_i32 : i32, i32
  }
}

</mosaic_0001>

<sc_bundles>
// kernel: sparse-core-data-format-call.1.cloned.1.call-start
scs
called_computation.1_lowered:
.L_overlay_start_0:
0x0: {  	s1 =	sld [smem:$0x3FD9]  }
0x1: {  	s2 =	sld [smem:$0x3FFE];
	_ =	sdelay $0x1  }
0x2: {  	s3 =	srdreg.scid  }
0x3: {  	s0 =	sand.u32 $0x1, s3  }
0x4: {  	s17 =	sshll.u32 s0, $0xA;
	s1 =	sadd.s32 s2, s1  }
0x5: {  	s1 =	sadd.s32 s1, s17  }
0x6: {  	[smem:$0x3FB5] =	sst s1  }
0x7: {  	_ = 	snop  }
0x8: {  	(tm) =	ssettm $0x1  }
0x9: {  	s18 =	sld [smem:$0x3FFB];
	_ =	sdelay $0x3  }
0xa: {  	_ =	strace s18  }
0xb: {  	s1 =	sld [smem:$0x3FFC];
	_ =	sdelay $0x3  }
0xc: {  	_ =	strace s1  }
0xd: {  	s1 =	sld [smem:$0x3FFD];
	_ =	sdelay $0x3  }
0xe: {  	_ =	strace s1  }
0xf: {  	_ =	strace $0x8FFFFFFF  }
0x10: {  	s19 =	sld [smem:$0x3FDB];
	_ =	sdelay $0x1  }
0x11: {  	s20 =	simm.s32 $_scs_section_size  }
0x12: {  	s4 =	simm.s32 $_size__tile_overlayer_lowered;
	s5 =	simm.s32 $_tile_overlayer_lowered  }
0x13: {  	s23 =	simm.s32 $0x1BFF;
	s22 =	sshll.u32 s5, $0x1;
	s1 =	sadd.s32 s20, s19  }
0x14: {  	s6 =	simm.s32 $0x0;
	s21 =	sshll.u32 s4, $0x1;
	s4 =	sadd.s32 s22, s1  }
0x15: {  	[timem:s6], [sflag:s23] =	dma.local [hbm:s4], s21  }
0x16: {  	_ =	swait.ge [sflag:s23], s21  }
0x17: {  	s2 =	ssub.s32 $0x0, s21;
	[sflag:s23] =	ssyncset.done $0x0  }
0x18: {  	[sflag:s23] =	ssyncadd.s32 s2;
	_ =	sdelay $0x1  }
0x19: {  	s24 =	simm.s32 $0x1B8B  }
0x1a: {  	_ =	swait.ge [sflag:s24], $0x1  }
0x1b: {  	[sflag:s24] =	ssyncset.done $0x0  }
0x1c: {  	s26 =	simm.s32 $0x1B8E;
	s25 =	sld [smem:$0x3FFE];
	[sflag:s24] =	ssyncadd.s32 $0xFFFFFFFF  }
0x1d: {  	s27 =	simm.s32 $execute0_lowered;
	[smem:$0x3FD2] =	sst s26  }
0x1e: {  	s4 =	sshll.u32 s27, $0x1;
	_ =	strace $0x80000046;
	[dreg:$0x1] =	wrdreg $0xFFFFFFFF  }
0x1f: {  	s28 =	simm.s32 $_size_execute0_lowered;
	s1 =	sadd.s32 s1, s4;
	[dreg:$0x0] =	wrdreg $0x0  }
0x20: {  	s4 =	sshll.u32 s28, $0x1;
	[dreg:$0x2] =	wrdreg s1  }
0x21: {  	[dreg:$0x3] =	wrdreg s4  }
0x22: {  	[dreg:$0x4] =	wrdreg $0xC0  }
0x23: {  	_ =	task [dreg:s6], $0x5FFFF  }
0x24: {  	[dreg:$0x1] =	wrdreg $0xFFFFFFFF  }
0x25: {  	[dreg:$0x0] =	wrdreg $0x60  }
0x26: {  	[dreg:$0x2] =	wrdreg s25  }
0x27: {  	[dreg:$0x3] =	wrdreg $0xA  }
0x28: {  	_ =	task.clear_ibuf [dreg:s6], $0x4FFFF;
	_ =	strace $0x90000046  }
0x29: {  	s29 =	simm.s32 $0xA;
	_ =	strace $0x80000048  }
0x2a: {  	_ =	swait.ge [sflag:s29], $0x1  }
0x2b: {  	[sflag:s29] =	ssyncadd.s32 $0xFFFFFFFF  }
0x2c: {  	_ =	strace $0x90000048  }
0x2d: {  	_ =	sfence  }
0x2e: {  	s30 =	sld [smem:$0x0];
	_ =	sdelay $0x2  }
0x2f: {  	s31 =	sshll.u32 s3, $0xD;
	s3 =	sshrl.u32 s3, $0x2  }
0x30: {  	s2 =	sand.u32 $0x4000, s31;
	s1 =	sadd.s32 s3, s30  }
0x31: {  	s0 =	sor.u32 s2, s0;
	s1 =	sshll.u32 s1, $0x11  }
0x32: {  	s0 =	sor.u32 s1, s0  }
0x33: {  	s0 =	sadd.s32 $0x8F2B, s0  }
0x34: {  	[sflag:s0] =	ssyncadd.remote.s32 $0x1  }
0x35: {  	_ =	sfence.sel $0xFFFF  }
0x36: {  	[dreg:$0x0] =	wrdreg $0xFFFFFFFF;
	(pc) =	sbr.abs _section_cstart, $3  }
0x37: {  	[dreg:$0x1] =	wrdreg $0xFFFFFFFF  }
0x38: {  	_ =	task.clear_ibuf [dreg:s6], $0x2FFFF;
	_ =	strace $0x9FFFFFFF  }
0x39: {  	(tm) =	ssettm $0x7FFFFFFF  }
tec
execute0_lowered:
.L_overlay_start_1:
0x0: {  	(tag) =	ssettag $0x1  }
0x1: {  	s0 =	srdreg.scid  }
0x2: {  	s1 =	sshll.u32 s0, $0x4  }
0x3: {  	s0 =	stileid.u32;
	s1 =	sand.u32 $0x10, s1  }
0x4: {  	s1 =	sor.u32 s0, s1  }
0x5: {  	s6 =	rddreg [dreg:$0x0];
	s7 =	simm.s32 $0x2;
	s2 =	sshll.u32 s1, $0x1  }
0x6: {  	s14 =	simm.s32 $0x0;
	s8 =	simm.s32 $0x400;
	s1 =	ssub.s32 $0x100, s2  }
0x7: {  	s9 =	simm.s32 $0x1C00;
	s13 =	simm.s32 $0x0;
	s3 =	sand.u32 $0x3E, s1  }
0x8: {  	s10 =	simm.s32 $0x0;
	p0 =	sne.s32 s3, $0x0;
	s3 =	simm.s32 $0x1  }
.Ltmp0:
0x9: {  	s4 =	sshrl.u32 s1, $0x6;
	s3 =	simm.s32 @!p0 $0x0;
	(pc) =	sbr.rel .LBB1_1-.Ltmp0, $4  }
0xa: {  	s12 =	simm.s32 $0x0;
	s1 =	rddreg [dreg:$0x1];
	s4 =	sadd.s32 s3, s4  }
0xb: {  	_ =	strace $0x80000047;
	s3 =	simm.s32 $0x1;
	s4 =	smul.u32 $0x7, s4  }
0xc: {  	s5 =	sadd.s32 $0x2C00, s6;
	s6 =	sadd.s32 $0x1C2C00, s6;
	[sflag:s3] =	ssyncpa.u1 $0x0  }
0xd: {  	s11 =	smov.u32 s2;
	[sflag:s7] =	ssyncpa.u1 $0x0;
	s7 =	sadd.s32 $0x1, s4  }
.LBB1_11:
0xe: {  	s15 =	sadd.s32 $0x8, s10  }
0xf: {  	s13 =	sadd.s32 $0x40, s11;
	s17 =	smov.u32 s11;
	p1 =	sgt.s32 s15, $0x37  }
0x10: {  	s17 =	smov.u32 @p1 s13  }
0x11: {  	s15 =	simm.s32 @p1 $0x0;
	p1 =	sgt.s32 s17, $0xFF  }
0x12: {  	s17 =	smov.u32 @p1 s2;
	p1 =	sne.s32 s12, s7  }
.Ltmp1:
0x13: {  	p0 =	slt.u32 s12, $0x2;
	(pc) =	sbr.rel @!p1 .LBB1_12-.Ltmp1, $4  }
0x14: {  	s16 =	simm.s32 @!p0 $0x2  }
0x15: {  	s14 =	smov.u32 s10;
	_ =	swait.ge @!p0 [sflag:s16], $0x4000  }
0x16: {  	s13 =	smov.u32 s11;
	[sflag:s16] =	ssyncset.done @!p0 $0x0;
	s10 =	smov.u32 s15  }
0x17: {  	s12 =	sadd.s32 $0x1, s12;
	[sflag:s16] =	ssyncadd.s32 @!p0 $0xFFFFC000;
	s11 =	smov.u32 s17  }
.LBB1_1:
0x18: {  	p0 =	sge.u32 s12, s4  }
0x19: {  	s15 =	smul.u32 @!p0 $0x1C00, s11  }
0x1a: {  	s31 =	sadd.s32 $0xFFFFFFFF, s12;
	s16 =	sxor.u32 @!p0 $0xFFFFFFFF, s12;
	s17 =	sshll.u32 @!p0 s10, $0x7  }
0x1b: {  	s18 =	simm.s32 @!p0 $0xE000;
	s16 =	sshll.u32 @!p0 s16, $0xE;
	s15 =	sadd.s32 @!p0 s5, s15  }
0x1c: {  	s16 =	sand.u32 @!p0 $0x4000, s16;
	s15 =	sadd.s32 @!p0 s17, s15;
	s17 =	simm.s32 @!p0 $0x2000  }
0x1d: {  	[tilespmem:s16], [sflag:$0x1] =	stream.strided.gather @!p0 [hbm4b:s15+s17], $0x4000, s18, s17, $0x38;
	[tilespmem:$0x10000] =	vst v63  }
0x1e: {  	p0 =	sge.u32 s31, s4  }
.Ltmp2:
0x1f: {  	_ = 	snop;
	(pc) =	sbr.rel @p0 .LBB1_11-.Ltmp2, $1  }
0x20: {  	_ =	sdelay $0x3  }
0x21: {  	_ =	swait.ge [sflag:s3], $0x4000;
	s15 =	sshll.u32 s12, $0xE  }
0x22: {  	s17 =	simm.s32 $0x0;
	[sflag:s3] =	ssyncset.done $0x0;
	s16 =	sand.u32 $0x4000, s15  }
0x23: {  	p1 =	por $0x1, $0x1;
	[sflag:s3] =	ssyncadd.s32 $0xFFFFC000;
	s15 =	sor.u32 $0x8000, s16  }
.LBB1_3:
0x24: {  	s18 =	sshra.s32 s17, $0x2;
	p0 =	por p1, p1  }
0x25: {  	s19 =	simm.s32 $0x0;
	s17 =	sadd.s32 s18, s16;
	s18 =	sadd.s32 s18, s15  }
.LBB1_4:
0x26: {  	s20 =	sshll.u32 s19, $0xA  }
0x27: {  	s20 =	sand.u32 $0x3FFFFC00, s20  }
0x28: {  	s22 =	sadd.s32 s20, s17  }
0x29: {  	s23 =	sadd.s32 $0x400, s22;
	v0 =	vmov s22  }
0x2a: {  	v1 =	vmov s23  }
0x2b: {  	s21 =	simm.s32 $0x0;
	s20 =	sshll.u32 s19, $0x7  }
.LBB1_5:
0x2c: {  	s22 =	sshll.u32 s21, $0xA  }
0x2d: {  	s22 =	sand.u32 $0x3FFFFC00, s22  }
0x2e: {  	s23 =	sadd.s32 s22, s18  }
0x2f: {  	s24 =	sadd.s32 $0x400, s23  }
0x30: {  	p1 =	por $0x1, $0x1;
	s22 =	sshll.u32 s21, $0x7;
	v2 =	vmov s23;
	s23 =	simm.s32 $0x0;
	v3 =	vmov s24  }
.LBB1_6:
0x31: {  	s24 =	sadd.s32 s22, s23  }
0x32: {  	s24 =	sshrl.u32 s24, $0x1  }
0x33: {  	v4 =	vld.idx.msk [tilespmem:v0+s24+$0x0 ss:$0x1], $0xffff  }
0x34: {  	v5 =	vld.idx.msk [tilespmem:v1+s24+$0x0 ss:$0x1], $0xffff  }
0x35: {  	v6 =	vld.idx.msk [tilespmem:v0+s24+$0x10 ss:$0x1], $0xffff  }
0x36: {  	v7 =	vld.idx.msk [tilespmem:v1+s24+$0x10 ss:$0x1], $0xffff  }
0x37: {  	v8 =	vld.idx.msk [tilespmem:v0+s24+$0x20 ss:$0x1], $0xffff  }
0x38: {  	v9 =	vld.idx.msk [tilespmem:v1+s24+$0x20 ss:$0x1], $0xffff  }
0x39: {  	s31 =	sadd.s32 s20, s23;
	v12 =	vld.idx.msk [tilespmem:v0+s24+$0x30 ss:$0x1], $0xffff;
	v10 =	vunpack.i.l.s16.s32 v4;
	v11 =	vunpack.i.l.s16.s32 v5  }
0x3a: {  	s23 =	sshra.s32 s31, $0x1;
	v45 =	vld.idx.msk [tilespmem:v1+s24+$0x30 ss:$0x1], $0xffff;
	v4 =	vunpack.i.u.s16.s32 v4;
	v5 =	vunpack.i.u.s16.s32 v5;
	v10 =	vpack.i.b32.b16 v11, v10  }
0x3b: {  	v13 =	vld.idx.msk [tilespmem:v0+s24+$0x40 ss:$0x1], $0xffff;
	v46 =	vunpack.i.l.s16.s32 v7;
	v4 =	vpack.i.b32.b16 v5, v4;
	v5 =	vunpack.i.l.s16.s32 v6;
	[tilespmem:v2+s23+$0x0 ss:$0x1] =	vst.idx.msk $0xffff, v10  }
0x3c: {  	v48 =	vld.idx.msk [tilespmem:v1+s24+$0x40 ss:$0x1], $0xffff;
	v47 =	vunpack.i.u.s16.s32 v7;
	v5 =	vpack.i.b32.b16 v46, v5;
	[tilespmem:v3+s23+$0x0 ss:$0x1] =	vst.idx.msk $0xffff, v4;
	v4 =	vunpack.i.u.s16.s32 v6  }
0x3d: {  	v50 =	vld.idx.msk [tilespmem:v0+s24+$0x50 ss:$0x1], $0xffff;
	v49 =	vunpack.i.l.s16.s32 v9;
	[tilespmem:v2+s23+$0x10 ss:$0x1] =	vst.idx.msk $0xffff, v5;
	v5 =	vunpack.i.l.s16.s32 v8;
	v4 =	vpack.i.b32.b16 v47, v4  }
0x3e: {  	v52 =	vld.idx.msk [tilespmem:v1+s24+$0x50 ss:$0x1], $0xffff;
	v51 =	vunpack.i.u.s16.s32 v9;
	v5 =	vpack.i.b32.b16 v49, v5;
	[tilespmem:v3+s23+$0x10 ss:$0x1] =	vst.idx.msk $0xffff, v4;
	v4 =	vunpack.i.u.s16.s32 v8  }
0x3f: {  	v54 =	vld.idx.msk [tilespmem:v0+s24+$0x60 ss:$0x1], $0xffff;
	v53 =	vunpack.i.l.s16.s32 v45;
	[tilespmem:v2+s23+$0x20 ss:$0x1] =	vst.idx.msk $0xffff, v5;
	v5 =	vunpack.i.l.s16.s32 v12;
	v4 =	vpack.i.b32.b16 v51, v4  }
0x40: {  	v55 =	vld.idx.msk [tilespmem:v1+s24+$0x60 ss:$0x1], $0xffff;
	v11 =	vunpack.i.u.s16.s32 v45;
	v5 =	vpack.i.b32.b16 v53, v5;
	[tilespmem:v3+s23+$0x20 ss:$0x1] =	vst.idx.msk $0xffff, v4;
	v4 =	vunpack.i.u.s16.s32 v12  }
0x41: {  	v57 =	vld.idx.msk [tilespmem:v0+s24+$0x70 ss:$0x1], $0xffff;
	v56 =	vunpack.i.l.s16.s32 v48;
	[tilespmem:v2+s23+$0x30 ss:$0x1] =	vst.idx.msk $0xffff, v5;
	v5 =	vunpack.i.l.s16.s32 v13;
	v4 =	vpack.i.b32.b16 v11, v4  }
0x42: {  	v58 =	vld.idx.msk [tilespmem:v1+s24+$0x70 ss:$0x1], $0xffff;
	v7 =	vunpack.i.u.s16.s32 v48;
	v5 =	vpack.i.b32.b16 v56, v5;
	[tilespmem:v3+s23+$0x30 ss:$0x1] =	vst.idx.msk $0xffff, v4;
	v4 =	vunpack.i.u.s16.s32 v13  }
0x43: {  	v59 =	vunpack.i.l.s16.s32 v52;
	[tilespmem:v2+s23+$0x40 ss:$0x1] =	vst.idx.msk $0xffff, v5;
	v5 =	vunpack.i.l.s16.s32 v50;
	v4 =	vpack.i.b32.b16 v7, v4  }
0x44: {  	v6 =	vunpack.i.u.s16.s32 v52;
	[tilespmem:v3+s23+$0x40 ss:$0x1] =	vst.idx.msk $0xffff, v4;
	v4 =	vpack.i.b32.b16 v59, v5;
	v5 =	vunpack.i.u.s16.s32 v50  }
0x45: {  	p2 =	por p1, p1;
	v60 =	vunpack.i.l.s16.s32 v55;
	[tilespmem:v2+s23+$0x50 ss:$0x1] =	vst.idx.msk $0xffff, v4;
	v4 =	vpack.i.b32.b16 v6, v5;
	v5 =	vunpack.i.l.s16.s32 v54  }
.Ltmp3:
0x46: {  	v61 =	vunpack.i.u.s16.s32 v55;
	[tilespmem:v3+s23+$0x50 ss:$0x1] =	vst.idx.msk $0xffff, v4;
	v4 =	vpack.i.b32.b16 v60, v5;
	v5 =	vunpack.i.u.s16.s32 v54;
	(pc) =	sbr.rel @p2 .LBB1_6-.Ltmp3, $4  }
0x47: {  	v62 =	vunpack.i.l.s16.s32 v58;
	[tilespmem:v2+s23+$0x60 ss:$0x1] =	vst.idx.msk $0xffff, v4;
	v4 =	vpack.i.b32.b16 v61, v5;
	v5 =	vunpack.i.l.s16.s32 v57  }
0x48: {  	v63 =	vunpack.i.u.s16.s32 v58;
	[tilespmem:v3+s23+$0x60 ss:$0x1] =	vst.idx.msk $0xffff, v4;
	v4 =	vunpack.i.u.s16.s32 v57;
	v5 =	vpack.i.b32.b16 v62, v5  }
0x49: {  	[tilespmem:v2+s23+$0x70 ss:$0x1] =	vst.idx.msk $0xffff, v5;
	v4 =	vpack.i.b32.b16 v63, v4  }
0x4a: {  	p1 =	por $0x0, $0x0;
	[tilespmem:v3+s23+$0x70 ss:$0x1] =	vst.idx.msk $0xffff, v4;
	s23 =	simm.s32 $0x400  }
0x4b: {  	p1 =	slt.u32 s21, $0x6  }
.Ltmp4:
0x4c: {  	_ = 	snop;
	(pc) =	sbr.rel @p1 .LBB1_5-.Ltmp4, $3  }
0x4d: {  	_ =	sdelay $0x1  }
0x4e: {  	s22 =	sadd.s32 $0x2, s21  }
0x4f: {  	s21 =	smov.u32 s22  }
0x50: {  	p1 =	slt.u32 s19, $0x6  }
.Ltmp5:
0x51: {  	_ = 	snop;
	(pc) =	sbr.rel @p1 .LBB1_4-.Ltmp5, $3  }
0x52: {  	_ =	sdelay $0x1  }
0x53: {  	s20 =	sadd.s32 $0x2, s19  }
0x54: {  	s19 =	smov.u32 s20  }
.Ltmp6:
0x55: {  	(pc) =	sbr.rel @p0 .LBB1_3-.Ltmp6, $2  }
0x56: {  	_ =	sdelay $0x2  }
0x57: {  	s17 =	simm.s32 $0x8000;
	p1 =	por $0x0, $0x0  }
0x58: {  	s16 =	sshll.u32 s14, $0x8;
	s30 =	sshll.u32 s14, $0x7  }
0x59: {  	s16 =	sand.u32 $0xFFFFF800, s16;
	s14 =	sand.u32 $0x300, s30  }
0x5a: {  	s14 =	sor.u32 s14, s16  }
0x5b: {  	s14 =	sshrl.u32 s14, $0x8  }
0x5c: {  	s31 =	smulhi.u32 $0x4924925, s14  }
0x5d: {  	s13 =	smul.u32 $0x1C00, s13  }
0x5e: {  	s16 =	smul.u32 $0x38, s31  }
.Ltmp7:
0x5f: {  	_ = 	snop;
	(pc) =	sbr.rel .LBB1_11-.Ltmp7, $4  }
0x60: {  	s14 =	ssub.s32 s14, s16  }
0x61: {  	s13 =	sadd.s32 s6, s13;
	s14 =	sshll.u32 s14, $0x4  }
0x62: {  	s13 =	sadd.s32 s14, s13  }
0x63: {  	[hbm4b:s13+s8] =	stream.strided.scatter [tilespmem:s15], [sflag:$0x2], $0x4000, s9, s8, $0x38;
	[tilespmem:$0x10000] =	vst v63  }
.LBB1_12:
0x64: {  	_ =	sfence.sel $0x180000  }
0x65: {  	s2 =	simm.s32 $0x1;
	[bflag:$0x0] =	sbarrier.arrive $0xFFFF  }
0x66: {  	s31 =	simm.s32 $0x2;
	[sflag:s2] =	ssyncpa.u1 $0x1  }
0x67: {  	[sflag:s31] =	ssyncpa.u1 $0x1  }
0x68: {  	p0 =	sne.s32 s0, $0x0;
	_ =	strace $0x90000047  }
0x69: {  	s0 =	sadd.s32 @!p0 $0x100000, s1;
	[bflag:$0x2] =	sbarrier.arrive $0xFFFF  }
0x6a: {  	[sflag:s0] =	ssyncadd.tile.s32 @!p0 $0x1;
	_ =	shalt  }
.Lfunc_end1:
_tile_overlayer_lowered:
.L_overlay_start_2:
0x6b: {  	(tag) =	ssettag $0x2  }
0x6c: {  	s0 =	rddreg [dreg:$0x0];
	s2 =	stileid.u32  }
0x6d: {  	s1 =	rddreg [dreg:$0x1];
	p0 =	sne.s32 s2, $0x0  }
0x6e: {  	s3 =	rddreg [dreg:$0x2];
	[bflag:$0x3] =	sbarrier.arrive $0xFFFF;
	s2 =	simm.s32 @!p0 $0x1C01  }
0x6f: {  	[timem:s3], [sflag:s2] =	dma.local @!p0 [hbm:s0], s1  }
0x70: {  	s0 =	simm.s32 @!p0 $0x1  }
0x71: {  	_ =	swait.ge @!p0 [sflag:s0], s1  }
0x72: {  	s1 =	ssub.s32 @!p0 $0x0, s1;
	[sflag:s0] =	ssyncset.done @!p0 $0x0  }
0x73: {  	[sflag:s0] =	ssyncadd.s32 @!p0 s1  }
0x74: {  	[bflag:$0x3] =	sbarrier.arrive $0xFFFF  }
0x75: {  	_ =	shalt  }

// kernel: sparse-core-data-format-call.cloned.1.call-start
scs
called_computation_lowered:
.L_overlay_start_0:
0x0: {  	s2 =	sld [smem:$0x3FD9]  }
0x1: {  	s3 =	sld [smem:$0x3FFE];
	_ =	sdelay $0x1  }
0x2: {  	s1 =	srdreg.scid  }
0x3: {  	s0 =	sand.u32 $0x1, s1  }
0x4: {  	s18 =	sshll.u32 s0, $0xA;
	s2 =	sadd.s32 s3, s2  }
0x5: {  	s2 =	sadd.s32 s2, s18  }
0x6: {  	[smem:$0x3FB5] =	sst s2  }
0x7: {  	_ = 	snop  }
0x8: {  	(tm) =	ssettm $0x1  }
0x9: {  	s19 =	sld [smem:$0x3FFB];
	_ =	sdelay $0x3  }
0xa: {  	_ =	strace s19  }
0xb: {  	s2 =	sld [smem:$0x3FFC];
	_ =	sdelay $0x3  }
0xc: {  	_ =	strace s2  }
0xd: {  	s2 =	sld [smem:$0x3FFD];
	_ =	sdelay $0x3  }
0xe: {  	_ =	strace s2  }
0xf: {  	_ =	strace $0x8FFFFFFF  }
0x10: {  	s20 =	sld [smem:$0x3FDB];
	_ =	sdelay $0x1  }
0x11: {  	s21 =	simm.s32 $_scs_section_size  }
0x12: {  	s4 =	simm.s32 $_size__tile_overlayer_lowered;
	s5 =	simm.s32 $_tile_overlayer_lowered  }
0x13: {  	s6 =	simm.s32 $0x1BFF;
	s22 =	sshll.u32 s5, $0x1;
	s3 =	sadd.s32 s21, s20  }
0x14: {  	s23 =	simm.s32 $0x0;
	s4 =	sshll.u32 s4, $0x1;
	s5 =	sadd.s32 s22, s3  }
0x15: {  	[timem:s23], [sflag:s6] =	dma.local [hbm:s5], s4  }
0x16: {  	_ =	swait.ge [sflag:s6], s4  }
0x17: {  	s4 =	ssub.s32 $0x0, s4;
	[sflag:s6] =	ssyncset.done $0x0  }
0x18: {  	[sflag:s6] =	ssyncadd.s32 s4;
	_ =	sdelay $0x1  }
0x19: {  	s24 =	simm.s32 $0x1B8B  }
0x1a: {  	_ =	swait.ge [sflag:s24], $0x1  }
0x1b: {  	[sflag:s24] =	ssyncset.done $0x0  }
0x1c: {  	[sflag:s24] =	ssyncadd.s32 $0xFFFFFFFF  }
0x1d: {  	s4 =	sld [smem:$0x0]  }
0x1e: {  	s5 =	sand.u32 $0xFFFFFFFE, s1  }
0x1f: {  	p0 =	sne.s32 s1, s5  }
0x20: {  	s5 =	sshll.u32 @p0 s5, $0xE  }
0x21: {  	s5 =	sadd.s32 @p0 $0x11B8D, s5;
	s6 =	sshll.u32 @p0 s4, $0x11  }
0x22: {  	s5 =	sor.u32 @p0 s6, s5  }
0x23: {  	[sflag:s5] =	ssyncadd.remote.s32 @p0 $0x1;
	_ =	sdelay $0x1  }
0x24: {  	s5 =	simm.s32 @p0 $0x1B8D  }
0x25: {  	_ =	swait.eq @p0 [sflag:s5], $0x1  }
0x26: {  	[sflag:s5] =	ssyncadd.s32 @p0 $0xFFFFFFFF  }
0x27: {  	s6 =	sshll.u32 @!p0 s1, $0xE  }
0x28: {  	s6 =	sor.u32 @!p0 $0x4000, s6;
	s5 =	simm.s32 @!p0 $0x1B8D  }
0x29: {  	s4 =	sshll.u32 @!p0 s4, $0x11;
	s6 =	sadd.s32 @!p0 $0x11B8D, s6;
	_ =	swait.eq @!p0 [sflag:s5], $0x1  }
0x2a: {  	s4 =	sor.u32 @!p0 s4, s6;
	[sflag:s5] =	ssyncadd.s32 @!p0 $0xFFFFFFFF  }
0x2b: {  	s26 =	simm.s32 $0x1B8E;
	s25 =	sld [smem:$0x3FFE];
	[sflag:s4] =	ssyncadd.remote.s32 @!p0 $0x1  }
0x2c: {  	s27 =	simm.s32 $execute0_lowered;
	[smem:$0x3FD2] =	sst s26  }
0x2d: {  	s5 =	sshll.u32 s27, $0x1;
	_ =	strace $0x80000049;
	[dreg:$0x1] =	wrdreg $0xFFFFFFFF  }
0x2e: {  	s28 =	simm.s32 $_size_execute0_lowered;
	s3 =	sadd.s32 s3, s5;
	[dreg:$0x0] =	wrdreg $0x0  }
0x2f: {  	s5 =	sshll.u32 s28, $0x1;
	[dreg:$0x2] =	wrdreg s3  }
0x30: {  	[dreg:$0x3] =	wrdreg s5  }
0x31: {  	[dreg:$0x4] =	wrdreg $0xC0  }
0x32: {  	_ =	task [dreg:s23], $0x5FFFF  }
0x33: {  	[dreg:$0x1] =	wrdreg $0xFFFFFFFF  }
0x34: {  	[dreg:$0x0] =	wrdreg $0x60  }
0x35: {  	[dreg:$0x2] =	wrdreg s25  }
0x36: {  	[dreg:$0x3] =	wrdreg $0x9  }
0x37: {  	_ =	task.clear_ibuf [dreg:s23], $0x4FFFF;
	_ =	strace $0x90000049  }
0x38: {  	s29 =	simm.s32 $0x9;
	_ =	strace $0x8000004B  }
0x39: {  	_ =	swait.ge [sflag:s29], $0x1  }
0x3a: {  	[sflag:s29] =	ssyncadd.s32 $0xFFFFFFFF  }
0x3b: {  	_ =	strace $0x9000004B  }
0x3c: {  	_ =	sfence  }
0x3d: {  	s30 =	sld [smem:$0x0];
	_ =	sdelay $0x2  }
0x3e: {  	s31 =	sshll.u32 s1, $0xD;
	s1 =	sshrl.u32 s1, $0x2  }
0x3f: {  	s4 =	sand.u32 $0x4000, s31;
	s1 =	sadd.s32 s1, s30  }
0x40: {  	s0 =	sor.u32 s4, s0;
	s1 =	sshll.u32 s1, $0x11  }
0x41: {  	s0 =	sor.u32 s1, s0  }
0x42: {  	s0 =	sadd.s32 $0x8F2B, s0  }
0x43: {  	[sflag:s0] =	ssyncadd.remote.s32 $0x1  }
0x44: {  	_ =	sfence.sel $0xFFFF  }
0x45: {  	[dreg:$0x0] =	wrdreg $0xFFFFFFFF;
	(pc) =	sbr.abs _section_cstart, $3  }
0x46: {  	[dreg:$0x1] =	wrdreg $0xFFFFFFFF  }
0x47: {  	_ =	task.clear_ibuf [dreg:s23], $0x2FFFF;
	_ =	strace $0x9FFFFFFF  }
0x48: {  	(tm) =	ssettm $0x7FFFFFFF  }
0x49: {  	_ =	shalt  }
tec
execute0_lowered:
.L_overlay_start_1:
0x0: {  	(tag) =	ssettag $0x1  }
0x1: {  	s1 =	rddreg [dreg:$0x0]  }
0x2: {  	s0 =	rddreg [dreg:$0x1]  }
0x3: {  	_ =	strace $0x8000004A;
	s4 =	srdreg.scid;
	s6 =	simm.s32 $0x2  }
0x4: {  	s11 =	simm.s32 $0x0;
	p0 =	por $0x0, $0x0;
	s7 =	simm.s32 $0x7000  }
.Ltmp0:
0x5: {  	s12 =	simm.s32 $0x0;
	s9 =	simm.s32 $0x0;
	(pc) =	sbr.rel .LBB1_1-.Ltmp0, $4  }
0x6: {  	s2 =	sadd.s32 $0x382C00, s1;
	s3 =	sadd.s32 $0x702C00, s1;
	s5 =	sshll.u32 s4, $0x4  }
0x7: {  	s1 =	stileid.u32;
	s4 =	simm.s32 $0x1;
	s5 =	sand.u32 $0x10, s5  }
0x8: {  	s8 =	simm.s32 $0x0;
	[sflag:s4] =	ssyncpa.u1 $0x0;
	s5 =	sor.u32 s1, s5  }
0x9: {  	[sflag:s6] =	ssyncpa.u1 $0x0;
	s6 =	simm.s32 $0x800;
	s10 =	smov.u32 s5  }
.LBB1_9:
0xa: {  	s13 =	sadd.s32 $0x8, s9  }
0xb: {  	s11 =	sadd.s32 $0x20, s10;
	s15 =	smov.u32 s10;
	p2 =	sgt.s32 s13, $0x6F  }
0xc: {  	p1 =	slt.u32 s8, $0x2;
	s15 =	smov.u32 @p2 s11  }
0xd: {  	s8 =	sadd.s32 $0x1, s8;
	s13 =	simm.s32 @p2 $0x0;
	p2 =	sgt.s32 s15, $0x7F  }
0xe: {  	s15 =	smov.u32 @p2 s5;
	p2 =	sne.s32 s8, $0x3A  }
.Ltmp1:
0xf: {  	_ = 	snop;
	(pc) =	sbr.rel @!p2 .LBB1_10-.Ltmp1, $4  }
0x10: {  	s14 =	simm.s32 @!p1 $0x2  }
0x11: {  	s12 =	smov.u32 s10;
	_ =	swait.ge @!p1 [sflag:s14], $0x4000  }
0x12: {  	p0 =	por !p0, !p0;
	s11 =	smov.u32 s9;
	[sflag:s14] =	ssyncset.done @!p1 $0x0  }
0x13: {  	s9 =	smov.u32 s13;
	[sflag:s14] =	ssyncadd.s32 @!p1 $0xFFFFC000;
	s10 =	smov.u32 s15  }
.LBB1_1:
0x14: {  	p1 =	sgt.u32 s8, $0x37  }
0x15: {  	s13 =	smul.u32 @!p1 $0x7000, s10  }
0x16: {  	s14 =	sxor.u32 @!p1 $0xFFFFFFFF, s8  }
0x17: {  	s15 =	sshll.u32 @!p1 s9, $0x8;
	s14 =	sshll.u32 @!p1 s14, $0xE;
	s13 =	sadd.s32 @!p1 s2, s13  }
0x18: {  	s14 =	sand.u32 @!p1 $0x4000, s14;
	s13 =	sadd.s32 @!p1 s15, s13;
	s15 =	simm.s32 @!p1 $0x0  }
0x19: {  	[tilespmem:s14], [sflag:$0x1] =	stream.linear.gather @!p1 [hbm4b:s13+s15], $0x4000, $0x38;
	[tilespmem:$0x10000] =	vst v63  }
0x1a: {  	p1 =	seq.s32 s8, $0x0  }
0x1b: {  	p2 =	seq.s32 @!p1 s8, $0x39  }
0x1c: {  	p1 =	por p1, p2  }
.Ltmp2:
0x1d: {  	_ = 	snop;
	(pc) =	sbr.rel @p1 .LBB1_9-.Ltmp2, $1  }
0x1e: {  	_ =	sdelay $0x3  }
0x1f: {  	s13 =	simm.s32 $0x1;
	_ =	swait.ge [sflag:s4], $0x4000;
	s15 =	sshll.u32 s8, $0xE  }
0x20: {  	s17 =	simm.s32 $0x0;
	p1 =	por $0x0, $0x0;
	s13 =	simm.s32 @!p0 $0x0  }
0x21: {  	[sflag:s4] =	ssyncset.done $0x0;
	s15 =	sand.u32 $0x4000, s15;
	s13 =	sshll.u32 s13, $0x10  }
0x22: {  	[sflag:s4] =	ssyncadd.s32 $0xFFFFC000;
	s14 =	sshrl.u32 s13, $0x2;
	s16 =	sshrl.u32 s13, $0x2  }
0x23: {  	s13 =	sor.u32 $0x8000, s15;
	s15 =	sadd.s32 $0x8870, s16;
	s16 =	simm.s32 $0x0  }
.LBB1_3:
0x24: {  	s18 =	simm.s32 $0x1  }
0x25: {  	s19 =	sshll.u32 s16, $0x1;
	s18 =	simm.s32 @!p1 $0x0  }
0x26: {  	s19 =	sand.u32 $0xFFFFFC00, s19;
	s18 =	sshll.u32 s18, $0x9  }
0x27: {  	s18 =	sor.u32 s18, s19  }
0x28: {  	p2 =	por $0x0, $0x0;
	s18 =	sshrl.u32 s18, $0x2  }
0x29: {  	s20 =	simm.s32 $0x0;
	s19 =	simm.s32 $0x0;
	s18 =	sadd.s32 s18, s15  }
.LBB1_4:
0x2a: {  	s21 =	simm.s32 $0x1  }
0x2b: {  	s22 =	sshll.u32 s19, $0x2;
	s21 =	simm.s32 @!p2 $0x0  }
0x2c: {  	s22 =	sand.u32 $0xFFFFFC00, s22;
	s21 =	sshll.u32 s21, $0x9  }
0x2d: {  	s21 =	sor.u32 s21, s22  }
0x2e: {  	s21 =	sshrl.u32 s21, $0x2  }
0x2f: {  	s21 =	sadd.s32 s21, s14  }
0x30: {  	v1 =	vmov s21;
	_ =	sdelay $0x3  }
0x31: {  	s21 =	simm.s32 $0x0  }
0x32: {  	v2 =	vld.idx.msk [tilespmem:v1+s21+$0x70 ss:$0x1], $0xffff  }
0x33: {  	v3 =	vld.idx.msk [tilespmem:v1+s21+$0x870 ss:$0x1], $0xffff  }
0x34: {  	v4 =	vld.idx.msk [tilespmem:v1+s21+$0x0 ss:$0x1], $0xffff  }
0x35: {  	v5 =	vld.idx.msk [tilespmem:v1+s21+$0x800 ss:$0x1], $0xffff  }
0x36: {  	v6 =	vld.idx.msk [tilespmem:v1+s21+$0x10 ss:$0x1], $0xffff  }
0x37: {  	v7 =	vld.idx.msk [tilespmem:v1+s21+$0x810 ss:$0x1], $0xffff;
	_ =	sdelay $0x1  }
0x38: {  	v0 =	vmov s18;
	v9 =	vld.idx.msk [tilespmem:v1+s21+$0x20 ss:$0x1], $0xffff;
	v8 =	vunpack.i.l.s16.s32 v2  }
0x39: {  	v12 =	vld.idx.msk [tilespmem:v1+s21+$0x820 ss:$0x1], $0xffff;
	v10 =	vunpack.i.l.s16.s32 v3;
	v2 =	vunpack.i.u.s16.s32 v2;
	v3 =	vunpack.i.u.s16.s32 v3  }
0x3a: {  	v13 =	vld.idx.msk [tilespmem:v1+s21+$0x30 ss:$0x1], $0xffff;
	v11 =	vunpack.i.u.s16.s32 v4;
	v14 =	vunpack.i.u.s16.s32 v5;
	v5 =	vunpack.i.l.s16.s32 v5  }
0x3b: {  	v15 =	vld.idx.msk [tilespmem:v1+s21+$0x830 ss:$0x1], $0xffff;
	v16 =	vunpack.i.u.s16.s32 v6;
	v17 =	vunpack.i.l.s16.s32 v6;
	v18 =	vunpack.i.u.s16.s32 v7  }
0x3c: {  	v7 =	vunpack.i.l.s16.s32 v7;
	v6 =	vld.idx.msk [tilespmem:v1+s21+$0x850 ss:$0x1], $0xffff;
	v8 =	vpack.i.b32.b16 v10, v8;
	v10 =	vunpack.i.l.s16.s32 v4  }
0x3d: {  	v3 =	vpack.i.b32.b16 v3, v2;
	v2 =	vld.idx.msk [tilespmem:v1+s21+$0x40 ss:$0x1], $0xffff;
	v7 =	vpack.i.b32.b16 v7, v17;
	[tilespmem:v0+s21+$0xFFFFF800 ss:$0x1] =	vst.idx.msk $0xffff, v8  }
0x3e: {  	v4 =	vld.idx.msk [tilespmem:v1+s21+$0x840 ss:$0x1], $0xffff;
	v16 =	vpack.i.b32.b16 v18, v16;
	v5 =	vpack.i.b32.b16 v5, v10;
	[tilespmem:v0+s21+$0xFFFFF7A0 ss:$0x1] =	vst.idx.msk $0xffff, v7  }
0x3f: {  	v8 =	vunpack.i.u.s16.s32 v9;
	v10 =	vunpack.i.l.s16.s32 v9;
	v9 =	vunpack.i.u.s16.s32 v13;
	[tilespmem:v0+s21+$0x0 ss:$0x1] =	vst.idx.msk $0xffff, v3;
	v3 =	vld.idx.msk [tilespmem:v1+s21+$0x50 ss:$0x1], $0xffff  }
0x40: {  	v13 =	vunpack.i.l.s16.s32 v13;
	v7 =	vld.idx.msk [tilespmem:v1+s21+$0x860 ss:$0x1], $0xffff;
	[tilespmem:v0+s21+$0xFFFFF790 ss:$0x1] =	vst.idx.msk $0xffff, v5;
	v5 =	vpack.i.b32.b16 v14, v11;
	v11 =	vunpack.i.u.s16.s32 v12  }
0x41: {  	s23 =	simm.s32 $0x800;
	s22 =	simm.s32 $0x0;
	v14 =	vunpack.i.l.s16.s32 v12;
	v12 =	vunpack.i.u.s16.s32 v15;
	v15 =	vunpack.i.l.s16.s32 v15;
	[tilespmem:v0+s21+$0xFFFFFF90 ss:$0x1] =	vst.idx.msk $0xffff, v5;
	v5 =	vld.idx.msk [tilespmem:v1+s21+$0x60 ss:$0x1], $0xffff  }
.LBB1_5:
0x42: {  	s24 =	sshra.s32 s23, $0x2;
	[tilespmem:v0+s21+$0xFFFFFFA0 ss:$0x1] =	vst.idx.msk $0xffff, v16;
	v10 =	vpack.i.b32.b16 v14, v10;
	v14 =	vunpack.i.u.s16.s32 v2;
	v2 =	vunpack.i.l.s16.s32 v2  }
0x43: {  	v8 =	vpack.i.b32.b16 v11, v8;
	v16 =	vld.idx.msk [tilespmem:v1+s24+$0x70 ss:$0x1], $0xffff;
	[tilespmem:v0+s21+$0xFFFFF7B0 ss:$0x1] =	vst.idx.msk $0xffff, v10;
	v10 =	vunpack.i.u.s16.s32 v4;
	v4 =	vunpack.i.l.s16.s32 v4  }
0x44: {  	s22 =	sadd.s32 $0x80, s22;
	v11 =	vld.idx.msk [tilespmem:v1+s24+$0x870 ss:$0x1], $0xffff;
	[tilespmem:v0+s21+$0xFFFFFFB0 ss:$0x1] =	vst.idx.msk $0xffff, v8;
	v8 =	vpack.i.b32.b16 v15, v13;
	v13 =	vunpack.i.u.s16.s32 v3;
	v3 =	vunpack.i.l.s16.s32 v3  }
0x45: {  	p3 =	slt.u32 s22, $0x180;
	v15 =	vld.idx.msk [tilespmem:v1+s24+$0x0 ss:$0x1], $0xffff;
	[tilespmem:v0+s21+$0xFFFFF7C0 ss:$0x1] =	vst.idx.msk $0xffff, v8;
	v8 =	vpack.i.b32.b16 v12, v9;
	v9 =	vunpack.i.u.s16.s32 v6;
	v6 =	vunpack.i.l.s16.s32 v6  }
0x46: {  	v2 =	vpack.i.b32.b16 v4, v2;
	v4 =	vunpack.i.u.s16.s32 v5;
	v5 =	vunpack.i.l.s16.s32 v5;
	v12 =	vld.idx.msk [tilespmem:v1+s24+$0x800 ss:$0x1], $0xffff;
	[tilespmem:v0+s21+$0xFFFFFFC0 ss:$0x1] =	vst.idx.msk $0xffff, v8  }
0x47: {  	v8 =	vld.idx.msk [tilespmem:v1+s24+$0x10 ss:$0x1], $0xffff;
	[tilespmem:v0+s21+$0xFFFFF7D0 ss:$0x1] =	vst.idx.msk $0xffff, v2;
	v2 =	vpack.i.b32.b16 v10, v14;
	v10 =	vunpack.i.u.s16.s32 v7;
	v7 =	vunpack.i.l.s16.s32 v7  }
0x48: {  	v3 =	vpack.i.b32.b16 v6, v3;
	v6 =	vpack.i.b32.b16 v9, v13;
	v14 =	vld.idx.msk [tilespmem:v1+s24+$0x810 ss:$0x1], $0xffff;
	v5 =	vpack.i.b32.b16 v7, v5  }
0x49: {  	v9 =	vpack.i.b32.b16 v10, v4;
	v7 =	vld.idx.msk [tilespmem:v1+s24+$0x20 ss:$0x1], $0xffff;
	[tilespmem:v0+s21+$0xFFFFFFD0 ss:$0x1] =	vst.idx.msk $0xffff, v2  }
0x4a: {  	v2 =	vunpack.i.l.s16.s32 v16;
	v4 =	vunpack.i.l.s16.s32 v11;
	v13 =	vld.idx.msk [tilespmem:v1+s24+$0x820 ss:$0x1], $0xffff;
	[tilespmem:v0+s21+$0xFFFFF7E0 ss:$0x1] =	vst.idx.msk $0xffff, v3  }
0x4b: {  	v10 =	vunpack.i.u.s16.s32 v11;
	v3 =	vunpack.i.u.s16.s32 v16;
	v2 =	vpack.i.b32.b16 v4, v2;
	v17 =	vld.idx.msk [tilespmem:v1+s24+$0x30 ss:$0x1], $0xffff;
	[tilespmem:v0+s21+$0xFFFFFFE0 ss:$0x1] =	vst.idx.msk $0xffff, v6  }
0x4c: {  	v11 =	vunpack.i.l.s16.s32 v15;
	v6 =	vunpack.i.u.s16.s32 v15;
	v3 =	vpack.i.b32.b16 v10, v3;
	v15 =	vld.idx.msk [tilespmem:v1+s24+$0x830 ss:$0x1], $0xffff;
	[tilespmem:v0+s24+$0xFFFFF800 ss:$0x1] =	vst.idx.msk $0xffff, v2  }
0x4d: {  	v16 =	vunpack.i.u.s16.s32 v12;
	v10 =	vunpack.i.l.s16.s32 v12;
	v12 =	vunpack.i.u.s16.s32 v8;
	v2 =	vld.idx.msk [tilespmem:v1+s24+$0x40 ss:$0x1], $0xffff;
	[tilespmem:v0+s24+$0x0 ss:$0x1] =	vst.idx.msk $0xffff, v3  }
.Ltmp3:
0x4e: {  	v18 =	vunpack.i.l.s16.s32 v8;
	v19 =	vunpack.i.u.s16.s32 v14;
	v20 =	vunpack.i.l.s16.s32 v14;
	v4 =	vld.idx.msk [tilespmem:v1+s24+$0x840 ss:$0x1], $0xffff;
	[tilespmem:v0+s21+$0xFFFFF7F0 ss:$0x1] =	vst.idx.msk $0xffff, v5;
	(pc) =	sbr.rel @p3 .LBB1_5-.Ltmp3, $4  }
0x4f: {  	v5 =	vpack.i.b32.b16 v10, v11;
	v8 =	vunpack.i.u.s16.s32 v7;
	v10 =	vunpack.i.l.s16.s32 v7;
	v3 =	vld.idx.msk [tilespmem:v1+s24+$0x50 ss:$0x1], $0xffff;
	[tilespmem:v0+s21+$0xFFFFFFF0 ss:$0x1] =	vst.idx.msk $0xffff, v9;
	s21 =	smov.u32 s24  }
0x50: {  	v11 =	vunpack.i.u.s16.s32 v13;
	v14 =	vunpack.i.l.s16.s32 v13;
	[tilespmem:v0+s21+$0xFFFFF790 ss:$0x1] =	vst.idx.msk $0xffff, v5;
	v5 =	vpack.i.b32.b16 v16, v6;
	v6 =	vld.idx.msk [tilespmem:v1+s21+$0x850 ss:$0x1], $0xffff  }
0x51: {  	v7 =	vpack.i.b32.b16 v20, v18;
	v9 =	vunpack.i.u.s16.s32 v17;
	v13 =	vunpack.i.l.s16.s32 v17;
	[tilespmem:v0+s21+$0xFFFFFF90 ss:$0x1] =	vst.idx.msk $0xffff, v5;
	v5 =	vld.idx.msk [tilespmem:v1+s21+$0x60 ss:$0x1], $0xffff  }
0x52: {  	s23 =	sadd.s32 $0x800, s23;
	v16 =	vpack.i.b32.b16 v19, v12;
	v12 =	vunpack.i.u.s16.s32 v15;
	v15 =	vunpack.i.l.s16.s32 v15;
	[tilespmem:v0+s21+$0xFFFFF7A0 ss:$0x1] =	vst.idx.msk $0xffff, v7;
	v7 =	vld.idx.msk [tilespmem:v1+s21+$0x860 ss:$0x1], $0xffff  }
0x53: {  	_ =	sdelay $0x3  }
0x54: {  	[tilespmem:v0+s21+$0xFFFFFFA0 ss:$0x1] =	vst.idx.msk $0xffff, v16;
	v1 =	vpack.i.b32.b16 v14, v10  }
0x55: {  	v46 =	vpack.i.b32.b16 v15, v13;
	[tilespmem:v0+s21+$0xFFFFF7B0 ss:$0x1] =	vst.idx.msk $0xffff, v1  }
0x56: {  	v45 =	vpack.i.b32.b16 v11, v8;
	[tilespmem:v0+s21+$0xFFFFF7C0 ss:$0x1] =	vst.idx.msk $0xffff, v46  }
0x57: {  	v47 =	vunpack.i.l.s16.s32 v2;
	v48 =	vunpack.i.l.s16.s32 v4;
	v49 =	vpack.i.b32.b16 v12, v9;
	[tilespmem:v0+s21+$0xFFFFFFB0 ss:$0x1] =	vst.idx.msk $0xffff, v45  }
0x58: {  	v50 =	vunpack.i.u.s16.s32 v2;
	v51 =	vunpack.i.u.s16.s32 v4;
	v52 =	vpack.i.b32.b16 v48, v47;
	[tilespmem:v0+s21+$0xFFFFFFC0 ss:$0x1] =	vst.idx.msk $0xffff, v49  }
0x59: {  	p3 =	slt.u32 s20, $0x6;
	v53 =	vunpack.i.l.s16.s32 v3;
	v55 =	vpack.i.b32.b16 v51, v50;
	v54 =	vunpack.i.l.s16.s32 v6;
	[tilespmem:v0+s21+$0xFFFFF7D0 ss:$0x1] =	vst.idx.msk $0xffff, v52  }
.Ltmp4:
0x5a: {  	v56 =	vunpack.i.u.s16.s32 v3;
	v57 =	vunpack.i.u.s16.s32 v6;
	v58 =	vpack.i.b32.b16 v54, v53;
	[tilespmem:v0+s21+$0xFFFFFFD0 ss:$0x1] =	vst.idx.msk $0xffff, v55;
	(pc) =	sbr.rel @p3 .LBB1_4-.Ltmp4, $4  }
0x5b: {  	v59 =	vunpack.i.l.s16.s32 v5;
	v2 =	vpack.i.b32.b16 v57, v56;
	v60 =	vunpack.i.l.s16.s32 v7;
	[tilespmem:v0+s21+$0xFFFFF7E0 ss:$0x1] =	vst.idx.msk $0xffff, v58  }
0x5c: {  	v61 =	vunpack.i.u.s16.s32 v5;
	v62 =	vunpack.i.u.s16.s32 v7;
	v1 =	vpack.i.b32.b16 v60, v59;
	[tilespmem:v0+s21+$0xFFFFFFE0 ss:$0x1] =	vst.idx.msk $0xffff, v2  }
0x5d: {  	s20 =	sadd.s32 $0x2, s20;
	v63 =	vpack.i.b32.b16 v62, v61;
	[tilespmem:v0+s21+$0xFFFFF7F0 ss:$0x1] =	vst.idx.msk $0xffff, v1  }
0x5e: {  	s18 =	sadd.s32 $0x1000, s18;
	s19 =	sadd.s32 $0x80, s19;
	p2 =	por !p2, !p2;
	[tilespmem:v0+s21+$0xFFFFFFF0 ss:$0x1] =	vst.idx.msk $0xffff, v63  }
0x5f: {  	p2 =	slt.u32 s17, $0x6  }
.Ltmp5:
0x60: {  	_ = 	snop;
	(pc) =	sbr.rel @p2 .LBB1_3-.Ltmp5, $3  }
0x61: {  	_ =	sdelay $0x1  }
0x62: {  	s18 =	sadd.s32 $0x2, s17;
	s16 =	sadd.s32 $0x100, s16  }
0x63: {  	p1 =	por !p1, !p1;
	s14 =	sadd.s32 $0x1000, s14;
	s17 =	smov.u32 s18  }
0x64: {  	s14 =	sshll.u32 s11, $0x9;
	s15 =	sshll.u32 s11, $0x7  }
0x65: {  	s14 =	sand.u32 $0xFFFFF000, s14;
	s15 =	sand.u32 $0x200, s15  }
0x66: {  	s14 =	sor.u32 s15, s14  }
0x67: {  	s14 =	sshrl.u32 s14, $0x9  }
0x68: {  	s30 =	smulhi.u32 $0x2492493, s14  }
0x69: {  	s12 =	smul.u32 $0x7000, s12  }
0x6a: {  	s15 =	smul.u32 $0x70, s30  }
.Ltmp6:
0x6b: {  	s31 =	sshll.u32 s11, $0x3;
	(pc) =	sbr.rel .LBB1_9-.Ltmp6, $4  }
0x6c: {  	s11 =	sand.u32 $0x10, s31;
	s12 =	sadd.s32 s3, s12;
	s14 =	ssub.s32 s14, s15  }
0x6d: {  	s11 =	sadd.s32 s11, s12;
	s14 =	sshll.u32 s14, $0x5  }
0x6e: {  	s11 =	sadd.s32 s14, s11  }
0x6f: {  	[hbm4b:s11+s6] =	stream.strided.scatter [tilespmem:s13], [sflag:$0x2], $0x4000, s7, s6, $0x38;
	[tilespmem:$0x10000] =	vst v63  }
.LBB1_10:
0x70: {  	_ =	sfence.sel $0x180000  }
0x71: {  	s2 =	simm.s32 $0x1;
	[bflag:$0x0] =	sbarrier.arrive $0xFFFF  }
0x72: {  	s31 =	simm.s32 $0x2;
	[sflag:s2] =	ssyncpa.u1 $0x1  }
0x73: {  	[sflag:s31] =	ssyncpa.u1 $0x1  }
0x74: {  	p0 =	sne.s32 s1, $0x0;
	_ =	strace $0x9000004A  }
0x75: {  	s0 =	sadd.s32 @!p0 $0x100000, s0;
	[bflag:$0x2] =	sbarrier.arrive $0xFFFF  }
0x76: {  	[sflag:s0] =	ssyncadd.tile.s32 @!p0 $0x1;
	_ =	shalt  }
.Lfunc_end1:
_tile_overlayer_lowered:
.L_overlay_start_2:
0x77: {  	(tag) =	ssettag $0x2  }
0x78: {  	s0 =	rddreg [dreg:$0x0];
	s2 =	stileid.u32  }
0x79: {  	s1 =	rddreg [dreg:$0x1];
	p0 =	sne.s32 s2, $0x0  }
0x7a: {  	s3 =	rddreg [dreg:$0x2];
	[bflag:$0x3] =	sbarrier.arrive $0xFFFF;
	s2 =	simm.s32 @!p0 $0x1C01  }
0x7b: {  	[timem:s3], [sflag:s2] =	dma.local @!p0 [hbm:s0], s1  }
0x7c: {  	s0 =	simm.s32 @!p0 $0x1  }
0x7d: {  	_ =	swait.ge @!p0 [sflag:s0], s1  }
0x7e: {  	s1 =	ssub.s32 @!p0 $0x0, s1;
	[sflag:s0] =	ssyncset.done @!p0 $0x0  }
0x7f: {  	[sflag:s0] =	ssyncadd.s32 @!p0 s1  }
0x80: {  	[bflag:$0x3] =	sbarrier.arrive $0xFFFF  }
0x81: {  	_ =	shalt  }

</sc_bundles>
